<compile_context>
chip_gen: v7x
topology: tpu7x:2x2x1
jax: 0.10.2.dev20260603
libtpu: 0.0.44.dev20260713+nightly
codegen_flags: <defaults>
</compile_context>

<pallas_src>
import functools

import jax
from jax import lax
from jax.experimental import pallas as pl
from jax.experimental.pallas import tpu as pltpu
from jax.experimental.pallas import tpu_sc as plsc

_LANES = 16
_NBUF = 2
_CHUNK_ROWS = 32


def _sc_encoder(batch, num_patches, proj_dim, dtype):
    info = plsc.get_sparse_core_info()
    n_workers = info.num_cores * info.num_subcores
    rows_per_w = num_patches // n_workers
    halves = rows_per_w // _CHUNK_ROWS
    n_chunks = batch * halves

    mesh = plsc.VectorSubcoreMesh(core_axis_name="c", subcore_axis_name="s")

    @functools.partial(
        pl.kernel,
        mesh=mesh,
        out_type=jax.ShapeDtypeStruct((batch, num_patches, proj_dim), dtype),
        scratch_types=[
            pltpu.VMEM((rows_per_w, proj_dim), dtype),
            [pltpu.VMEM((_CHUNK_ROWS, proj_dim), dtype) for _ in range(_NBUF)],
            [pltpu.VMEM((_CHUNK_ROWS, proj_dim), dtype) for _ in range(_NBUF)],
            [pltpu.SemaphoreType.DMA for _ in range(_NBUF)],
            [pltpu.SemaphoreType.DMA for _ in range(_NBUF)],
        ],
    )
    def k(patch_hbm, pos_hbm, out_hbm, pos_v, in_v, out_v, in_sem, out_sem):
        wid = lax.axis_index("s") * info.num_cores + lax.axis_index("c")
        base = wid * rows_per_w
        pltpu.sync_copy(pos_hbm.at[pl.ds(base, rows_per_w)], pos_v)

        def chunk_rows(c):
            return pl.ds(base + (c % halves) * _CHUNK_ROWS, _CHUNK_ROWS)

        for s in range(_NBUF):
            pltpu.async_copy(
                patch_hbm.at[s // halves, chunk_rows(s)], in_v[s], in_sem[s]
            )

        def per_quad(q, carry):
            for s in range(_NBUF):
                c = q * _NBUF + s
                b = q * (_NBUF // halves) + s // halves
                rows = chunk_rows(s)
                pltpu.make_async_copy(
                    patch_hbm.at[b, rows], in_v[s], in_sem[s]
                ).wait()

                @pl.when(c >= _NBUF)
                def _():
                    pltpu.make_async_copy(
                        out_v[s], out_hbm.at[b, rows], out_sem[s]
                    ).wait()

                pos_off = (s % halves) * _CHUNK_ROWS

                @plsc.parallel_loop(0, _CHUNK_ROWS)
                def _(i):
                    for j in range(proj_dim // _LANES):
                        sl = pl.ds(j * _LANES, _LANES)
                        out_v[s][i, sl] = in_v[s][i, sl] + pos_v[pos_off + i, sl]

                pltpu.async_copy(out_v[s], out_hbm.at[b, rows], out_sem[s])

                @pl.when(c + _NBUF < n_chunks)
                def _():
                    nb = b + _NBUF // halves
                    pltpu.async_copy(
                        patch_hbm.at[nb, rows], in_v[s], in_sem[s]
                    )

            return carry

        lax.fori_loop(0, n_chunks // _NBUF, per_quad, 0, unroll=False)

        for s in range(_NBUF):
            c = n_chunks - _NBUF + s
            pltpu.make_async_copy(
                out_v[s],
                out_hbm.at[c // halves, chunk_rows(s)],
                out_sem[s],
            ).wait()

    return k


def kernel(patch, pos_table):
    batch, num_patches, proj_dim = patch.shape
    return _sc_encoder(batch, num_patches, proj_dim, patch.dtype)(
        patch, pos_table
    )

# --- scband reference (transcript-rebuilt; emitter-appended) ---
"""Pipeline reference for scband-patch-encoder-670014898478 (READ-ONLY COPY).

The authoritative reference and input builder live on the scoring server;
editing this copy changes nothing except your own understanding.
"""

import jax, jax.numpy as jnp
import numpy as np

NUM_PATCHES = 1024
PROJ_DIM = 768
BATCH = 64


def setup_inputs(seed: int = 0) -> dict:
    key = jax.random.key(seed)
    k1, k2 = jax.random.split(key)
    patch = jax.random.normal(k1, (BATCH, NUM_PATCHES, PROJ_DIM), dtype=jnp.float32)
    pos_table = jax.random.normal(k2, (NUM_PATCHES, PROJ_DIM), dtype=jnp.float32) * 0.02
    return {"patch": patch, "pos_table": pos_table}


def reference(patch, pos_table):
    positions = jnp.arange(0, NUM_PATCHES)
    pos_emb = jnp.take(pos_table, positions, axis=0)  # [NUM_PATCHES, PROJ_DIM]
    encoded = patch + pos_emb[None, :, :]
    return encoded

if __name__ == "__main__":
    import jax
    _d = setup_inputs()
    print(jax.jit(kernel)(*tuple(_d.values())))

</pallas_src>

<mosaic_0001>
#map = affine_map<(d0, d1) -> (0, 0, 0)>
#map1 = affine_map<(d0, d1) -> (0, 0)>
module attributes {stable_mosaic.version = 14 : i64} {
  func.func @k(%arg0: i32, %arg1: i32, %arg2: memref<64x1024x768xf32, #tpu.memory_space<hbm>>, %arg3: memref<1024x768xf32, #tpu.memory_space<hbm>>, %arg4: memref<64x1024x768xf32, #tpu.memory_space<hbm>>, %arg5: memref<32x768xf32, #tpu.memory_space<vmem>>, %arg6: memref<32x768xf32, #tpu.memory_space<vmem>>, %arg7: memref<32x768xf32, #tpu.memory_space<vmem>>, %arg8: memref<32x768xf32, #tpu.memory_space<vmem>>, %arg9: memref<32x768xf32, #tpu.memory_space<vmem>>, %arg10: memref<!tpu.dma_semaphore, #tpu.memory_space<semaphore_mem>>, %arg11: memref<!tpu.dma_semaphore, #tpu.memory_space<semaphore_mem>>, %arg12: memref<!tpu.dma_semaphore, #tpu.memory_space<semaphore_mem>>, %arg13: memref<!tpu.dma_semaphore, #tpu.memory_space<semaphore_mem>>) attributes {dimension_semantics = [#tpu.dimension_semantics<core_parallel>, #tpu.dimension_semantics<subcore_parallel>], iteration_bounds = array<i64: 2, 16>, scalar_prefetch = 0 : i64, scratch_operands = 9 : i64, tpu.core_type = #tpu.core_type<sc_vector_subcore>, window_params = [{transform_indices = #map}, {transform_indices = #map1}, {transform_indices = #map}]} {
    %mul3A = arith.constant 2 : i32
    %mul3A_0 = arith.muli %arg1, %mul3A : i32
    %add3A = arith.addi %mul3A_0, %arg0 : i32
    %mul3A_1 = arith.constant 32 : i32
    %mul3A_2 = arith.muli %add3A, %mul3A_1 : i32
    "tpu.region"() ({
      %run_scoped3A = tpu.sem_alloc : memref<!tpu.dma_semaphore, #tpu.memory_space<semaphore_mem>>
      %dma_start3A_42 = arith.constant 0 : i32
      %dma_start3A_43 = tpu.memref_slice %arg3[%mul3A_2, %dma_start3A_42] : memref<1024x768xf32, #tpu.memory_space<hbm>> -> memref<32x768xf32, #tpu.memory_space<hbm>>
      %dma_start3A_44 = arith.constant 0 : i32
      %dma_start3A_45 = tpu.memref_slice %arg3[%mul3A_2, %dma_start3A_44] : memref<1024x768xf32, #tpu.memory_space<hbm>> -> memref<32x768xf32, #tpu.memory_space<hbm>>
      tpu.enqueue_dma source(%dma_start3A_45 : memref<32x768xf32, #tpu.memory_space<hbm>>) target(%arg5 : memref<32x768xf32, #tpu.memory_space<vmem>>) target_semaphore(%run_scoped3A : memref<!tpu.dma_semaphore, #tpu.memory_space<semaphore_mem>>)
      %dma_wait3A_46 = arith.constant 0 : i32
      %dma_wait3A_47 = tpu.memref_slice %arg3[%mul3A_2, %dma_wait3A_46] : memref<1024x768xf32, #tpu.memory_space<hbm>> -> memref<32x768xf32, #tpu.memory_space<hbm>>
      %dma_wait3A_48 = arith.constant 0 : i32
      %dma_wait3A_49 = tpu.memref_slice %arg3[%mul3A_2, %dma_wait3A_48] : memref<1024x768xf32, #tpu.memory_space<hbm>> -> memref<32x768xf32, #tpu.memory_space<hbm>>
      tpu.wait_dma2 semaphore(%run_scoped3A : memref<!tpu.dma_semaphore, #tpu.memory_space<semaphore_mem>>) src(%dma_wait3A_49 : memref<32x768xf32, #tpu.memory_space<hbm>>) dst(%arg5 : memref<32x768xf32, #tpu.memory_space<vmem>>)
      tpu.yield
    }) : () -> ()
    %add3A_3 = arith.constant 0 : i32
    %add3A_4 = arith.addi %mul3A_2, %add3A_3 : i32
    %dma_start3A = arith.constant 0 : i32
    %dma_start3A_5 = arith.constant 0 : i32
    %dma_start3A_6 = tpu.memref_slice %arg2[%dma_start3A, %add3A_4, %dma_start3A_5] : memref<64x1024x768xf32, #tpu.memory_space<hbm>> -> memref<1x32x768xf32, #tpu.memory_space<hbm>>
    %dma_start3A_7 = tpu.memref_squeeze %dma_start3A_6 : memref<1x32x768xf32, #tpu.memory_space<hbm>> -> memref<32x768xf32, #tpu.memory_space<hbm>>
    %dma_start3A_8 = arith.constant 0 : i32
    %dma_start3A_9 = tpu.memref_slice %arg2[%dma_start3A, %add3A_4, %dma_start3A_8] : memref<64x1024x768xf32, #tpu.memory_space<hbm>> -> memref<1x32x768xf32, #tpu.memory_space<hbm>>
    %dma_start3A_10 = tpu.memref_squeeze %dma_start3A_9 : memref<1x32x768xf32, #tpu.memory_space<hbm>> -> memref<32x768xf32, #tpu.memory_space<hbm>>
    tpu.enqueue_dma source(%dma_start3A_10 : memref<32x768xf32, #tpu.memory_space<hbm>>) target(%arg6 : memref<32x768xf32, #tpu.memory_space<vmem>>) target_semaphore(%arg10 : memref<!tpu.dma_semaphore, #tpu.memory_space<semaphore_mem>>)
    %add3A_11 = arith.constant 0 : i32
    %add3A_12 = arith.addi %mul3A_2, %add3A_11 : i32
    %dma_start3A_13 = arith.constant 1 : i32
    %dma_start3A_14 = arith.constant 0 : i32
    %dma_start3A_15 = tpu.memref_slice %arg2[%dma_start3A_13, %add3A_12, %dma_start3A_14] : memref<64x1024x768xf32, #tpu.memory_space<hbm>> -> memref<1x32x768xf32, #tpu.memory_space<hbm>>
    %dma_start3A_16 = tpu.memref_squeeze %dma_start3A_15 : memref<1x32x768xf32, #tpu.memory_space<hbm>> -> memref<32x768xf32, #tpu.memory_space<hbm>>
    %dma_start3A_17 = arith.constant 0 : i32
    %dma_start3A_18 = tpu.memref_slice %arg2[%dma_start3A_13, %add3A_12, %dma_start3A_17] : memref<64x1024x768xf32, #tpu.memory_space<hbm>> -> memref<1x32x768xf32, #tpu.memory_space<hbm>>
    %dma_start3A_19 = tpu.memref_squeeze %dma_start3A_18 : memref<1x32x768xf32, #tpu.memory_space<hbm>> -> memref<32x768xf32, #tpu.memory_space<hbm>>
    tpu.enqueue_dma source(%dma_start3A_19 : memref<32x768xf32, #tpu.memory_space<hbm>>) target(%arg7 : memref<32x768xf32, #tpu.memory_space<vmem>>) target_semaphore(%arg11 : memref<!tpu.dma_semaphore, #tpu.memory_space<semaphore_mem>>)
    %scan3A = arith.constant 0 : i32
    %scan3A_20 = arith.constant 0 : i32
    %scan3A_21 = arith.constant 32 : i32
    %scan3A_22 = arith.addi %scan3A_20, %scan3A_21 : i32
    %scan3A_23 = arith.constant 1 : i32
    scf.for %scan3A_42 = %scan3A_20 to %scan3A_22 step %scan3A_23  : i32 {
      %mul3A_43 = arith.constant 2 : i32
      %mul3A_44 = arith.muli %scan3A_42, %mul3A_43 : i32
      %add3A_45 = arith.constant 0 : i32
      %add3A_46 = arith.addi %mul3A_44, %add3A_45 : i32
      %mul3A_47 = arith.constant 2 : i32
      %mul3A_48 = arith.muli %scan3A_42, %mul3A_47 : i32
      %add3A_49 = arith.constant 0 : i32
      %add3A_50 = arith.addi %mul3A_48, %add3A_49 : i32
      %add3A_51 = arith.constant 0 : i32
      %add3A_52 = arith.addi %mul3A_2, %add3A_51 : i32
      %dma_wait3A_53 = arith.constant 0 : i32
      %dma_wait3A_54 = tpu.memref_slice %arg2[%add3A_50, %add3A_52, %dma_wait3A_53] : memref<64x1024x768xf32, #tpu.memory_space<hbm>> -> memref<1x32x768xf32, #tpu.memory_space<hbm>>
      %dma_wait3A_55 = tpu.memref_squeeze %dma_wait3A_54 : memref<1x32x768xf32, #tpu.memory_space<hbm>> -> memref<32x768xf32, #tpu.memory_space<hbm>>
      %dma_wait3A_56 = arith.constant 0 : i32
      %dma_wait3A_57 = tpu.memref_slice %arg2[%add3A_50, %add3A_52, %dma_wait3A_56] : memref<64x1024x768xf32, #tpu.memory_space<hbm>> -> memref<1x32x768xf32, #tpu.memory_space<hbm>>
      %dma_wait3A_58 = tpu.memref_squeeze %dma_wait3A_57 : memref<1x32x768xf32, #tpu.memory_space<hbm>> -> memref<32x768xf32, #tpu.memory_space<hbm>>
      tpu.wait_dma2 semaphore(%arg10 : memref<!tpu.dma_semaphore, #tpu.memory_space<semaphore_mem>>) src(%dma_wait3A_58 : memref<32x768xf32, #tpu.memory_space<hbm>>) dst(%arg6 : memref<32x768xf32, #tpu.memory_space<vmem>>)
      %ge3A = arith.constant 2 : i32
      %ge3A_59 = arith.cmpi sge, %add3A_46, %ge3A : i32
      %convert_element_type3A = arith.extui %ge3A_59 : i1 to i32
      %cond3A = arith.constant 0 : i32
      %cond3A_60 = arith.cmpi ne, %convert_element_type3A, %cond3A : i32
      scf.if %cond3A_60 {
        %dma_wait3A_112 = arith.constant 0 : i32
        %dma_wait3A_113 = tpu.memref_slice %arg4[%add3A_50, %add3A_52, %dma_wait3A_112] : memref<64x1024x768xf32, #tpu.memory_space<hbm>> -> memref<1x32x768xf32, #tpu.memory_space<hbm>>
        %dma_wait3A_114 = tpu.memref_squeeze %dma_wait3A_113 : memref<1x32x768xf32, #tpu.memory_space<hbm>> -> memref<32x768xf32, #tpu.memory_space<hbm>>
        %dma_wait3A_115 = arith.constant 0 : i32
        %dma_wait3A_116 = tpu.memref_slice %arg4[%add3A_50, %add3A_52, %dma_wait3A_115] : memref<64x1024x768xf32, #tpu.memory_space<hbm>> -> memref<1x32x768xf32, #tpu.memory_space<hbm>>
        %dma_wait3A_117 = tpu.memref_squeeze %dma_wait3A_116 : memref<1x32x768xf32, #tpu.memory_space<hbm>> -> memref<32x768xf32, #tpu.memory_space<hbm>>
        tpu.wait_dma2 semaphore(%arg12 : memref<!tpu.dma_semaphore, #tpu.memory_space<semaphore_mem>>) src(%arg8 : memref<32x768xf32, #tpu.memory_space<vmem>>) dst(%dma_wait3A_117 : memref<32x768xf32, #tpu.memory_space<hbm>>)
      } else {
      }
      %parallel_loop3A = arith.constant 0 : i32
      %parallel_loop3A_61 = arith.constant 32 : i32
      %parallel_loop3A_62 = arith.constant 1 : i32
      scf.for %parallel_loop3A_112 = %parallel_loop3A to %parallel_loop3A_61 step %parallel_loop3A_62  : i32 {
        %parallel_loop3A_113 = arith.index_cast %parallel_loop3A_112 : i32 to index
        %parallel_loop3A_114 = arith.constant 0 : index
        %parallel_loop3A_115 = tpu.vector_load %arg6[%parallel_loop3A_113, %parallel_loop3A_114] {strides = array<i32>} : memref<32x768xf32, #tpu.memory_space<vmem>>, vector<1x16xf32>,
        %parallel_loop3A_116 = vector.shape_cast %parallel_loop3A_115 : vector<1x16xf32> to vector<16xf32>
        %parallel_loop3A_117 = arith.constant 0 : i32
        %parallel_loop3A_118 = arith.addi %parallel_loop3A_117, %parallel_loop3A_112 : i32
        %parallel_loop3A_119 = arith.index_cast %parallel_loop3A_118 : i32 to index
        %parallel_loop3A_120 = arith.constant 0 : index
        %parallel_loop3A_121 = tpu.vector_load %arg5[%parallel_loop3A_119, %parallel_loop3A_120] {strides = array<i32>} : memref<32x768xf32, #tpu.memory_space<vmem>>, vector<1x16xf32>,
        %parallel_loop3A_122 = vector.shape_cast %parallel_loop3A_121 : vector<1x16xf32> to vector<16xf32>
        %parallel_loop3A_123 = arith.addf %parallel_loop3A_116, %parallel_loop3A_122 : vector<16xf32>
        %parallel_loop3A_124 = arith.index_cast %parallel_loop3A_112 : i32 to index
        %parallel_loop3A_125 = arith.constant 0 : index
        %parallel_loop3A_126 = tpu.vector_load %arg8[%parallel_loop3A_124, %parallel_loop3A_125] {strides = array<i32>} : memref<32x768xf32, #tpu.memory_space<vmem>>, vector<1x16xf32>,
        %parallel_loop3A_127 = vector.shape_cast %parallel_loop3A_126 : vector<1x16xf32> to vector<16xf32>
        %parallel_loop3A_128 = vector.shape_cast %parallel_loop3A_123 : vector<16xf32> to vector<1x16xf32>
        tpu.vector_store %arg8[%parallel_loop3A_124, %parallel_loop3A_125], %parallel_loop3A_128 {strides = array<i32>} : memref<32x768xf32, #tpu.memory_space<vmem>>, vector<1x16xf32>,
        %parallel_loop3A_129 = arith.index_cast %parallel_loop3A_112 : i32 to index
        %parallel_loop3A_130 = arith.constant 16 : index
        %parallel_loop3A_131 = tpu.vector_load %arg6[%parallel_loop3A_129, %parallel_loop3A_130] {strides = array<i32>} : memref<32x768xf32, #tpu.memory_space<vmem>>, vector<1x16xf32>,
        %parallel_loop3A_132 = vector.shape_cast %parallel_loop3A_131 : vector<1x16xf32> to vector<16xf32>
        %parallel_loop3A_133 = arith.constant 0 : i32
        %parallel_loop3A_134 = arith.addi %parallel_loop3A_133, %parallel_loop3A_112 : i32
        %parallel_loop3A_135 = arith.index_cast %parallel_loop3A_134 : i32 to index
        %parallel_loop3A_136 = arith.constant 16 : index
        %parallel_loop3A_137 = tpu.vector_load %arg5[%parallel_loop3A_135, %parallel_loop3A_136] {strides = array<i32>} : memref<32x768xf32, #tpu.memory_space<vmem>>, vector<1x16xf32>,
        %parallel_loop3A_138 = vector.shape_cast %parallel_loop3A_137 : vector<1x16xf32> to vector<16xf32>
        %parallel_loop3A_139 = arith.addf %parallel_loop3A_132, %parallel_loop3A_138 : vector<16xf32>
        %parallel_loop3A_140 = arith.index_cast %parallel_loop3A_112 : i32 to index
        %parallel_loop3A_141 = arith.constant 16 : index
        %parallel_loop3A_142 = tpu.vector_load %arg8[%parallel_loop3A_140, %parallel_loop3A_141] {strides = array<i32>} : memref<32x768xf32, #tpu.memory_space<vmem>>, vector<1x16xf32>,
        %parallel_loop3A_143 = vector.shape_cast %parallel_loop3A_142 : vector<1x16xf32> to vector<16xf32>
        %parallel_loop3A_144 = vector.shape_cast %parallel_loop3A_139 : vector<16xf32> to vector<1x16xf32>
        tpu.vector_store %arg8[%parallel_loop3A_140, %parallel_loop3A_141], %parallel_loop3A_144 {strides = array<i32>} : memref<32x768xf32, #tpu.memory_space<vmem>>, vector<1x16xf32>,
        %parallel_loop3A_145 = arith.index_cast %parallel_loop3A_112 : i32 to index
        %parallel_loop3A_146 = arith.constant 32 : index
        %parallel_loop3A_147 = tpu.vector_load %arg6[%parallel_loop3A_145, %parallel_loop3A_146] {strides = array<i32>} : memref<32x768xf32, #tpu.memory_space<vmem>>, vector<1x16xf32>,
        %parallel_loop3A_148 = vector.shape_cast %parallel_loop3A_147 : vector<1x16xf32> to vector<16xf32>
        %parallel_loop3A_149 = arith.constant 0 : i32
        %parallel_loop3A_150 = arith.addi %parallel_loop3A_149, %parallel_loop3A_112 : i32
        %parallel_loop3A_151 = arith.index_cast %parallel_loop3A_150 : i32 to index
        %parallel_loop3A_152 = arith.constant 32 : index
        %parallel_loop3A_153 = tpu.vector_load %arg5[%parallel_loop3A_151, %parallel_loop3A_152] {strides = array<i32>} : memref<32x768xf32, #tpu.memory_space<vmem>>, vector<1x16xf32>,
        %parallel_loop3A_154 = vector.shape_cast %parallel_loop3A_153 : vector<1x16xf32> to vector<16xf32>
        %parallel_loop3A_155 = arith.addf %parallel_loop3A_148, %parallel_loop3A_154 : vector<16xf32>
        %parallel_loop3A_156 = arith.index_cast %parallel_loop3A_112 : i32 to index
        %parallel_loop3A_157 = arith.constant 32 : index
        %parallel_loop3A_158 = tpu.vector_load %arg8[%parallel_loop3A_156, %parallel_loop3A_157] {strides = array<i32>} : memref<32x768xf32, #tpu.memory_space<vmem>>, vector<1x16xf32>,
        %parallel_loop3A_159 = vector.shape_cast %parallel_loop3A_158 : vector<1x16xf32> to vector<16xf32>
        %parallel_loop3A_160 = vector.shape_cast %parallel_loop3A_155 : vector<16xf32> to vector<1x16xf32>
        tpu.vector_store %arg8[%parallel_loop3A_156, %parallel_loop3A_157], %parallel_loop3A_160 {strides = array<i32>} : memref<32x768xf32, #tpu.memory_space<vmem>>, vector<1x16xf32>,
        %parallel_loop3A_161 = arith.index_cast %parallel_loop3A_112 : i32 to index
        %parallel_loop3A_162 = arith.constant 48 : index
        %parallel_loop3A_163 = tpu.vector_load %arg6[%parallel_loop3A_161, %parallel_loop3A_162] {strides = array<i32>} : memref<32x768xf32, #tpu.memory_space<vmem>>, vector<1x16xf32>,
        %parallel_loop3A_164 = vector.shape_cast %parallel_loop3A_163 : vector<1x16xf32> to vector<16xf32>
        %parallel_loop3A_165 = arith.constant 0 : i32
        %parallel_loop3A_166 = arith.addi %parallel_loop3A_165, %parallel_loop3A_112 : i32
        %parallel_loop3A_167 = arith.index_cast %parallel_loop3A_166 : i32 to index
        %parallel_loop3A_168 = arith.constant 48 : index
        %parallel_loop3A_169 = tpu.vector_load %arg5[%parallel_loop3A_167, %parallel_loop3A_168] {strides = array<i32>} : memref<32x768xf32, #tpu.memory_space<vmem>>, vector<1x16xf32>,
        %parallel_loop3A_170 = vector.shape_cast %parallel_loop3A_169 : vector<1x16xf32> to vector<16xf32>
        %parallel_loop3A_171 = arith.addf %parallel_loop3A_164, %parallel_loop3A_170 : vector<16xf32>
        %parallel_loop3A_172 = arith.index_cast %parallel_loop3A_112 : i32 to index
        %parallel_loop3A_173 = arith.constant 48 : index
        %parallel_loop3A_174 = tpu.vector_load %arg8[%parallel_loop3A_172, %parallel_loop3A_173] {strides = array<i32>} : memref<32x768xf32, #tpu.memory_space<vmem>>, vector<1x16xf32>,
        %parallel_loop3A_175 = vector.shape_cast %parallel_loop3A_174 : vector<1x16xf32> to vector<16xf32>
        %parallel_loop3A_176 = vector.shape_cast %parallel_loop3A_171 : vector<16xf32> to vector<1x16xf32>
        tpu.vector_store %arg8[%parallel_loop3A_172, %parallel_loop3A_173], %parallel_loop3A_176 {strides = array<i32>} : memref<32x768xf32, #tpu.memory_space<vmem>>, vector<1x16xf32>,
        %parallel_loop3A_177 = arith.index_cast %parallel_loop3A_112 : i32 to index
        %parallel_loop3A_178 = arith.constant 64 : index
        %parallel_loop3A_179 = tpu.vector_load %arg6[%parallel_loop3A_177, %parallel_loop3A_178] {strides = array<i32>} : memref<32x768xf32, #tpu.memory_space<vmem>>, vector<1x16xf32>,
        %parallel_loop3A_180 = vector.shape_cast %parallel_loop3A_179 : vector<1x16xf32> to vector<16xf32>
        %parallel_loop3A_181 = arith.constant 0 : i32
        %parallel_loop3A_182 = arith.addi %parallel_loop3A_181, %parallel_loop3A_112 : i32
        %parallel_loop3A_183 = arith.index_cast %parallel_loop3A_182 : i32 to index
        %parallel_loop3A_184 = arith.constant 64 : index
        %parallel_loop3A_185 = tpu.vector_load %arg5[%parallel_loop3A_183, %parallel_loop3A_184] {strides = array<i32>} : memref<32x768xf32, #tpu.memory_space<vmem>>, vector<1x16xf32>,
        %parallel_loop3A_186 = vector.shape_cast %parallel_loop3A_185 : vector<1x16xf32> to vector<16xf32>
        %parallel_loop3A_187 = arith.addf %parallel_loop3A_180, %parallel_loop3A_186 : vector<16xf32>
        %parallel_loop3A_188 = arith.index_cast %parallel_loop3A_112 : i32 to index
        %parallel_loop3A_189 = arith.constant 64 : index
        %parallel_loop3A_190 = tpu.vector_load %arg8[%parallel_loop3A_188, %parallel_loop3A_189] {strides = array<i32>} : memref<32x768xf32, #tpu.memory_space<vmem>>, vector<1x16xf32>,
        %parallel_loop3A_191 = vector.shape_cast %parallel_loop3A_190 : vector<1x16xf32> to vector<16xf32>
        %parallel_loop3A_192 = vector.shape_cast %parallel_loop3A_187 : vector<16xf32> to vector<1x16xf32>
        tpu.vector_store %arg8[%parallel_loop3A_188, %parallel_loop3A_189], %parallel_loop3A_192 {strides = array<i32>} : memref<32x768xf32, #tpu.memory_space<vmem>>, vector<1x16xf32>,
        %parallel_loop3A_193 = arith.index_cast %parallel_loop3A_112 : i32 to index
        %parallel_loop3A_194 = arith.constant 80 : index
        %parallel_loop3A_195 = tpu.vector_load %arg6[%parallel_loop3A_193, %parallel_loop3A_194] {strides = array<i32>} : memref<32x768xf32, #tpu.memory_space<vmem>>, vector<1x16xf32>,
        %parallel_loop3A_196 = vector.shape_cast %parallel_loop3A_195 : vector<1x16xf32> to vector<16xf32>
        %parallel_loop3A_197 = arith.constant 0 : i32
        %parallel_loop3A_198 = arith.addi %parallel_loop3A_197, %parallel_loop3A_112 : i32
        %parallel_loop3A_199 = arith.index_cast %parallel_loop3A_198 : i32 to index
        %parallel_loop3A_200 = arith.constant 80 : index
        %parallel_loop3A_201 = tpu.vector_load %arg5[%parallel_loop3A_199, %parallel_loop3A_200] {strides = array<i32>} : memref<32x768xf32, #tpu.memory_space<vmem>>, vector<1x16xf32>,
        %parallel_loop3A_202 = vector.shape_cast %parallel_loop3A_201 : vector<1x16xf32> to vector<16xf32>
        %parallel_loop3A_203 = arith.addf %parallel_loop3A_196, %parallel_loop3A_202 : vector<16xf32>
        %parallel_loop3A_204 = arith.index_cast %parallel_loop3A_112 : i32 to index
        %parallel_loop3A_205 = arith.constant 80 : index
        %parallel_loop3A_206 = tpu.vector_load %arg8[%parallel_loop3A_204, %parallel_loop3A_205] {strides = array<i32>} : memref<32x768xf32, #tpu.memory_space<vmem>>, vector<1x16xf32>,
        %parallel_loop3A_207 = vector.shape_cast %parallel_loop3A_206 : vector<1x16xf32> to vector<16xf32>
        %parallel_loop3A_208 = vector.shape_cast %parallel_loop3A_203 : vector<16xf32> to vector<1x16xf32>
        tpu.vector_store %arg8[%parallel_loop3A_204, %parallel_loop3A_205], %parallel_loop3A_208 {strides = array<i32>} : memref<32x768xf32, #tpu.memory_space<vmem>>, vector<1x16xf32>,
        %parallel_loop3A_209 = arith.index_cast %parallel_loop3A_112 : i32 to index
        %parallel_loop3A_210 = arith.constant 96 : index
        %parallel_loop3A_211 = tpu.vector_load %arg6[%parallel_loop3A_209, %parallel_loop3A_210] {strides = array<i32>} : memref<32x768xf32, #tpu.memory_space<vmem>>, vector<1x16xf32>,
        %parallel_loop3A_212 = vector.shape_cast %parallel_loop3A_211 : vector<1x16xf32> to vector<16xf32>
        %parallel_loop3A_213 = arith.constant 0 : i32
        %parallel_loop3A_214 = arith.addi %parallel_loop3A_213, %parallel_loop3A_112 : i32
        %parallel_loop3A_215 = arith.index_cast %parallel_loop3A_214 : i32 to index
        %parallel_loop3A_216 = arith.constant 96 : index
        %parallel_loop3A_217 = tpu.vector_load %arg5[%parallel_loop3A_215, %parallel_loop3A_216] {strides = array<i32>} : memref<32x768xf32, #tpu.memory_space<vmem>>, vector<1x16xf32>,
        %parallel_loop3A_218 = vector.shape_cast %parallel_loop3A_217 : vector<1x16xf32> to vector<16xf32>
        %parallel_loop3A_219 = arith.addf %parallel_loop3A_212, %parallel_loop3A_218 : vector<16xf32>
        %parallel_loop3A_220 = arith.index_cast %parallel_loop3A_112 : i32 to index
        %parallel_loop3A_221 = arith.constant 96 : index
        %parallel_loop3A_222 = tpu.vector_load %arg8[%parallel_loop3A_220, %parallel_loop3A_221] {strides = array<i32>} : memref<32x768xf32, #tpu.memory_space<vmem>>, vector<1x16xf32>,
        %parallel_loop3A_223 = vector.shape_cast %parallel_loop3A_222 : vector<1x16xf32> to vector<16xf32>
        %parallel_loop3A_224 = vector.shape_cast %parallel_loop3A_219 : vector<16xf32> to vector<1x16xf32>
        tpu.vector_store %arg8[%parallel_loop3A_220, %parallel_loop3A_221], %parallel_loop3A_224 {strides = array<i32>} : memref<32x768xf32, #tpu.memory_space<vmem>>, vector<1x16xf32>,
        %parallel_loop3A_225 = arith.index_cast %parallel_loop3A_112 : i32 to index
        %parallel_loop3A_226 = arith.constant 112 : index
        %parallel_loop3A_227 = tpu.vector_load %arg6[%parallel_loop3A_225, %parallel_loop3A_226] {strides = array<i32>} : memref<32x768xf32, #tpu.memory_space<vmem>>, vector<1x16xf32>,
        %parallel_loop3A_228 = vector.shape_cast %parallel_loop3A_227 : vector<1x16xf32> to vector<16xf32>
        %parallel_loop3A_229 = arith.constant 0 : i32
        %parallel_loop3A_230 = arith.addi %parallel_loop3A_229, %parallel_loop3A_112 : i32
        %parallel_loop3A_231 = arith.index_cast %parallel_loop3A_230 : i32 to index
        %parallel_loop3A_232 = arith.constant 112 : index
        %parallel_loop3A_233 = tpu.vector_load %arg5[%parallel_loop3A_231, %parallel_loop3A_232] {strides = array<i32>} : memref<32x768xf32, #tpu.memory_space<vmem>>, vector<1x16xf32>,
        %parallel_loop3A_234 = vector.shape_cast %parallel_loop3A_233 : vector<1x16xf32> to vector<16xf32>
        %parallel_loop3A_235 = arith.addf %parallel_loop3A_228, %parallel_loop3A_234 : vector<16xf32>
        %parallel_loop3A_236 = arith.index_cast %parallel_loop3A_112 : i32 to index
        %parallel_loop3A_237 = arith.constant 112 : index
        %parallel_loop3A_238 = tpu.vector_load %arg8[%parallel_loop3A_236, %parallel_loop3A_237] {strides = array<i32>} : memref<32x768xf32, #tpu.memory_space<vmem>>, vector<1x16xf32>,
        %parallel_loop3A_239 = vector.shape_cast %parallel_loop3A_238 : vector<1x16xf32> to vector<16xf32>
        %parallel_loop3A_240 = vector.shape_cast %parallel_loop3A_235 : vector<16xf32> to vector<1x16xf32>
        tpu.vector_store %arg8[%parallel_loop3A_236, %parallel_loop3A_237], %parallel_loop3A_240 {strides = array<i32>} : memref<32x768xf32, #tpu.memory_space<vmem>>, vector<1x16xf32>,
        %parallel_loop3A_241 = arith.index_cast %parallel_loop3A_112 : i32 to index
        %parallel_loop3A_242 = arith.constant 128 : index
        %parallel_loop3A_243 = tpu.vector_load %arg6[%parallel_loop3A_241, %parallel_loop3A_242] {strides = array<i32>} : memref<32x768xf32, #tpu.memory_space<vmem>>, vector<1x16xf32>,
        %parallel_loop3A_244 = vector.shape_cast %parallel_loop3A_243 : vector<1x16xf32> to vector<16xf32>
        %parallel_loop3A_245 = arith.constant 0 : i32
        %parallel_loop3A_246 = arith.addi %parallel_loop3A_245, %parallel_loop3A_112 : i32
        %parallel_loop3A_247 = arith.index_cast %parallel_loop3A_246 : i32 to index
        %parallel_loop3A_248 = arith.constant 128 : index
        %parallel_loop3A_249 = tpu.vector_load %arg5[%parallel_loop3A_247, %parallel_loop3A_248] {strides = array<i32>} : memref<32x768xf32, #tpu.memory_space<vmem>>, vector<1x16xf32>,
        %parallel_loop3A_250 = vector.shape_cast %parallel_loop3A_249 : vector<1x16xf32> to vector<16xf32>
        %parallel_loop3A_251 = arith.addf %parallel_loop3A_244, %parallel_loop3A_250 : vector<16xf32>
        %parallel_loop3A_252 = arith.index_cast %parallel_loop3A_112 : i32 to index
        %parallel_loop3A_253 = arith.constant 128 : index
        %parallel_loop3A_254 = tpu.vector_load %arg8[%parallel_loop3A_252, %parallel_loop3A_253] {strides = array<i32>} : memref<32x768xf32, #tpu.memory_space<vmem>>, vector<1x16xf32>,
        %parallel_loop3A_255 = vector.shape_cast %parallel_loop3A_254 : vector<1x16xf32> to vector<16xf32>
        %parallel_loop3A_256 = vector.shape_cast %parallel_loop3A_251 : vector<16xf32> to vector<1x16xf32>
        tpu.vector_store %arg8[%parallel_loop3A_252, %parallel_loop3A_253], %parallel_loop3A_256 {strides = array<i32>} : memref<32x768xf32, #tpu.memory_space<vmem>>, vector<1x16xf32>,
        %parallel_loop3A_257 = arith.index_cast %parallel_loop3A_112 : i32 to index
        %parallel_loop3A_258 = arith.constant 144 : index
        %parallel_loop3A_259 = tpu.vector_load %arg6[%parallel_loop3A_257, %parallel_loop3A_258] {strides = array<i32>} : memref<32x768xf32, #tpu.memory_space<vmem>>, vector<1x16xf32>,
        %parallel_loop3A_260 = vector.shape_cast %parallel_loop3A_259 : vector<1x16xf32> to vector<16xf32>
        %parallel_loop3A_261 = arith.constant 0 : i32
        %parallel_loop3A_262 = arith.addi %parallel_loop3A_261, %parallel_loop3A_112 : i32
        %parallel_loop3A_263 = arith.index_cast %parallel_loop3A_262 : i32 to index
        %parallel_loop3A_264 = arith.constant 144 : index
        %parallel_loop3A_265 = tpu.vector_load %arg5[%parallel_loop3A_263, %parallel_loop3A_264] {strides = array<i32>} : memref<32x768xf32, #tpu.memory_space<vmem>>, vector<1x16xf32>,
        %parallel_loop3A_266 = vector.shape_cast %parallel_loop3A_265 : vector<1x16xf32> to vector<16xf32>
        %parallel_loop3A_267 = arith.addf %parallel_loop3A_260, %parallel_loop3A_266 : vector<16xf32>
        %parallel_loop3A_268 = arith.index_cast %parallel_loop3A_112 : i32 to index
        %parallel_loop3A_269 = arith.constant 144 : index
        %parallel_loop3A_270 = tpu.vector_load %arg8[%parallel_loop3A_268, %parallel_loop3A_269] {strides = array<i32>} : memref<32x768xf32, #tpu.memory_space<vmem>>, vector<1x16xf32>,
        %parallel_loop3A_271 = vector.shape_cast %parallel_loop3A_270 : vector<1x16xf32> to vector<16xf32>
        %parallel_loop3A_272 = vector.shape_cast %parallel_loop3A_267 : vector<16xf32> to vector<1x16xf32>
        tpu.vector_store %arg8[%parallel_loop3A_268, %parallel_loop3A_269], %parallel_loop3A_272 {strides = array<i32>} : memref<32x768xf32, #tpu.memory_space<vmem>>, vector<1x16xf32>,
        %parallel_loop3A_273 = arith.index_cast %parallel_loop3A_112 : i32 to index
        %parallel_loop3A_274 = arith.constant 160 : index
        %parallel_loop3A_275 = tpu.vector_load %arg6[%parallel_loop3A_273, %parallel_loop3A_274] {strides = array<i32>} : memref<32x768xf32, #tpu.memory_space<vmem>>, vector<1x16xf32>,
        %parallel_loop3A_276 = vector.shape_cast %parallel_loop3A_275 : vector<1x16xf32> to vector<16xf32>
        %parallel_loop3A_277 = arith.constant 0 : i32
        %parallel_loop3A_278 = arith.addi %parallel_loop3A_277, %parallel_loop3A_112 : i32
        %parallel_loop3A_279 = arith.index_cast %parallel_loop3A_278 : i32 to index
        %parallel_loop3A_280 = arith.constant 160 : index
        %parallel_loop3A_281 = tpu.vector_load %arg5[%parallel_loop3A_279, %parallel_loop3A_280] {strides = array<i32>} : memref<32x768xf32, #tpu.memory_space<vmem>>, vector<1x16xf32>,
        %parallel_loop3A_282 = vector.shape_cast %parallel_loop3A_281 : vector<1x16xf32> to vector<16xf32>
        %parallel_loop3A_283 = arith.addf %parallel_loop3A_276, %parallel_loop3A_282 : vector<16xf32>
        %parallel_loop3A_284 = arith.index_cast %parallel_loop3A_112 : i32 to index
        %parallel_loop3A_285 = arith.constant 160 : index
        %parallel_loop3A_286 = tpu.vector_load %arg8[%parallel_loop3A_284, %parallel_loop3A_285] {strides = array<i32>} : memref<32x768xf32, #tpu.memory_space<vmem>>, vector<1x16xf32>,
        %parallel_loop3A_287 = vector.shape_cast %parallel_loop3A_286 : vector<1x16xf32> to vector<16xf32>
        %parallel_loop3A_288 = vector.shape_cast %parallel_loop3A_283 : vector<16xf32> to vector<1x16xf32>
        tpu.vector_store %arg8[%parallel_loop3A_284, %parallel_loop3A_285], %parallel_loop3A_288 {strides = array<i32>} : memref<32x768xf32, #tpu.memory_space<vmem>>, vector<1x16xf32>,
        %parallel_loop3A_289 = arith.index_cast %parallel_loop3A_112 : i32 to index
        %parallel_loop3A_290 = arith.constant 176 : index
        %parallel_loop3A_291 = tpu.vector_load %arg6[%parallel_loop3A_289, %parallel_loop3A_290] {strides = array<i32>} : memref<32x768xf32, #tpu.memory_space<vmem>>, vector<1x16xf32>,
        %parallel_loop3A_292 = vector.shape_cast %parallel_loop3A_291 : vector<1x16xf32> to vector<16xf32>
        %parallel_loop3A_293 = arith.constant 0 : i32
        %parallel_loop3A_294 = arith.addi %parallel_loop3A_293, %parallel_loop3A_112 : i32
        %parallel_loop3A_295 = arith.index_cast %parallel_loop3A_294 : i32 to index
        %parallel_loop3A_296 = arith.constant 176 : index
        %parallel_loop3A_297 = tpu.vector_load %arg5[%parallel_loop3A_295, %parallel_loop3A_296] {strides = array<i32>} : memref<32x768xf32, #tpu.memory_space<vmem>>, vector<1x16xf32>,
        %parallel_loop3A_298 = vector.shape_cast %parallel_loop3A_297 : vector<1x16xf32> to vector<16xf32>
        %parallel_loop3A_299 = arith.addf %parallel_loop3A_292, %parallel_loop3A_298 : vector<16xf32>
        %parallel_loop3A_300 = arith.index_cast %parallel_loop3A_112 : i32 to index
        %parallel_loop3A_301 = arith.constant 176 : index
        %parallel_loop3A_302 = tpu.vector_load %arg8[%parallel_loop3A_300, %parallel_loop3A_301] {strides = array<i32>} : memref<32x768xf32, #tpu.memory_space<vmem>>, vector<1x16xf32>,
        %parallel_loop3A_303 = vector.shape_cast %parallel_loop3A_302 : vector<1x16xf32> to vector<16xf32>
        %parallel_loop3A_304 = vector.shape_cast %parallel_loop3A_299 : vector<16xf32> to vector<1x16xf32>
        tpu.vector_store %arg8[%parallel_loop3A_300, %parallel_loop3A_301], %parallel_loop3A_304 {strides = array<i32>} : memref<32x768xf32, #tpu.memory_space<vmem>>, vector<1x16xf32>,
        %parallel_loop3A_305 = arith.index_cast %parallel_loop3A_112 : i32 to index
        %parallel_loop3A_306 = arith.constant 192 : index
        %parallel_loop3A_307 = tpu.vector_load %arg6[%parallel_loop3A_305, %parallel_loop3A_306] {strides = array<i32>} : memref<32x768xf32, #tpu.memory_space<vmem>>, vector<1x16xf32>,
        %parallel_loop3A_308 = vector.shape_cast %parallel_loop3A_307 : vector<1x16xf32> to vector<16xf32>
        %parallel_loop3A_309 = arith.constant 0 : i32
        %parallel_loop3A_310 = arith.addi %parallel_loop3A_309, %parallel_loop3A_112 : i32
        %parallel_loop3A_311 = arith.index_cast %parallel_loop3A_310 : i32 to index
        %parallel_loop3A_312 = arith.constant 192 : index
        %parallel_loop3A_313 = tpu.vector_load %arg5[%parallel_loop3A_311, %parallel_loop3A_312] {strides = array<i32>} : memref<32x768xf32, #tpu.memory_space<vmem>>, vector<1x16xf32>,
        %parallel_loop3A_314 = vector.shape_cast %parallel_loop3A_313 : vector<1x16xf32> to vector<16xf32>
        %parallel_loop3A_315 = arith.addf %parallel_loop3A_308, %parallel_loop3A_314 : vector<16xf32>
        %parallel_loop3A_316 = arith.index_cast %parallel_loop3A_112 : i32 to index
        %parallel_loop3A_317 = arith.constant 192 : index
        %parallel_loop3A_318 = tpu.vector_load %arg8[%parallel_loop3A_316, %parallel_loop3A_317] {strides = array<i32>} : memref<32x768xf32, #tpu.memory_space<vmem>>, vector<1x16xf32>,
        %parallel_loop3A_319 = vector.shape_cast %parallel_loop3A_318 : vector<1x16xf32> to vector<16xf32>
        %parallel_loop3A_320 = vector.shape_cast %parallel_loop3A_315 : vector<16xf32> to vector<1x16xf32>
        tpu.vector_store %arg8[%parallel_loop3A_316, %parallel_loop3A_317], %parallel_loop3A_320 {strides = array<i32>} : memref<32x768xf32, #tpu.memory_space<vmem>>, vector<1x16xf32>,
        %parallel_loop3A_321 = arith.index_cast %parallel_loop3A_112 : i32 to index
        %parallel_loop3A_322 = arith.constant 208 : index
        %parallel_loop3A_323 = tpu.vector_load %arg6[%parallel_loop3A_321, %parallel_loop3A_322] {strides = array<i32>} : memref<32x768xf32, #tpu.memory_space<vmem>>, vector<1x16xf32>,
        %parallel_loop3A_324 = vector.shape_cast %parallel_loop3A_323 : vector<1x16xf32> to vector<16xf32>
        %parallel_loop3A_325 = arith.constant 0 : i32
        %parallel_loop3A_326 = arith.addi %parallel_loop3A_325, %parallel_loop3A_112 : i32
        %parallel_loop3A_327 = arith.index_cast %parallel_loop3A_326 : i32 to index
        %parallel_loop3A_328 = arith.constant 208 : index
        %parallel_loop3A_329 = tpu.vector_load %arg5[%parallel_loop3A_327, %parallel_loop3A_328] {strides = array<i32>} : memref<32x768xf32, #tpu.memory_space<vmem>>, vector<1x16xf32>,
        %parallel_loop3A_330 = vector.shape_cast %parallel_loop3A_329 : vector<1x16xf32> to vector<16xf32>
        %parallel_loop3A_331 = arith.addf %parallel_loop3A_324, %parallel_loop3A_330 : vector<16xf32>
        %parallel_loop3A_332 = arith.index_cast %parallel_loop3A_112 : i32 to index
        %parallel_loop3A_333 = arith.constant 208 : index
        %parallel_loop3A_334 = tpu.vector_load %arg8[%parallel_loop3A_332, %parallel_loop3A_333] {strides = array<i32>} : memref<32x768xf32, #tpu.memory_space<vmem>>, vector<1x16xf32>,
        %parallel_loop3A_335 = vector.shape_cast %parallel_loop3A_334 : vector<1x16xf32> to vector<16xf32>
        %parallel_loop3A_336 = vector.shape_cast %parallel_loop3A_331 : vector<16xf32> to vector<1x16xf32>
        tpu.vector_store %arg8[%parallel_loop3A_332, %parallel_loop3A_333], %parallel_loop3A_336 {strides = array<i32>} : memref<32x768xf32, #tpu.memory_space<vmem>>, vector<1x16xf32>,
        %parallel_loop3A_337 = arith.index_cast %parallel_loop3A_112 : i32 to index
        %parallel_loop3A_338 = arith.constant 224 : index
        %parallel_loop3A_339 = tpu.vector_load %arg6[%parallel_loop3A_337, %parallel_loop3A_338] {strides = array<i32>} : memref<32x768xf32, #tpu.memory_space<vmem>>, vector<1x16xf32>,
        %parallel_loop3A_340 = vector.shape_cast %parallel_loop3A_339 : vector<1x16xf32> to vector<16xf32>
        %parallel_loop3A_341 = arith.constant 0 : i32
        %parallel_loop3A_342 = arith.addi %parallel_loop3A_341, %parallel_loop3A_112 : i32
        %parallel_loop3A_343 = arith.index_cast %parallel_loop3A_342 : i32 to index
        %parallel_loop3A_344 = arith.constant 224 : index
        %parallel_loop3A_345 = tpu.vector_load %arg5[%parallel_loop3A_343, %parallel_loop3A_344] {strides = array<i32>} : memref<32x768xf32, #tpu.memory_space<vmem>>, vector<1x16xf32>,
        %parallel_loop3A_346 = vector.shape_cast %parallel_loop3A_345 : vector<1x16xf32> to vector<16xf32>
        %parallel_loop3A_347 = arith.addf %parallel_loop3A_340, %parallel_loop3A_346 : vector<16xf32>
        %parallel_loop3A_348 = arith.index_cast %parallel_loop3A_112 : i32 to index
        %parallel_loop3A_349 = arith.constant 224 : index
        %parallel_loop3A_350 = tpu.vector_load %arg8[%parallel_loop3A_348, %parallel_loop3A_349] {strides = array<i32>} : memref<32x768xf32, #tpu.memory_space<vmem>>, vector<1x16xf32>,
        %parallel_loop3A_351 = vector.shape_cast %parallel_loop3A_350 : vector<1x16xf32> to vector<16xf32>
        %parallel_loop3A_352 = vector.shape_cast %parallel_loop3A_347 : vector<16xf32> to vector<1x16xf32>
        tpu.vector_store %arg8[%parallel_loop3A_348, %parallel_loop3A_349], %parallel_loop3A_352 {strides = array<i32>} : memref<32x768xf32, #tpu.memory_space<vmem>>, vector<1x16xf32>,
        %parallel_loop3A_353 = arith.index_cast %parallel_loop3A_112 : i32 to index
        %parallel_loop3A_354 = arith.constant 240 : index
        %parallel_loop3A_355 = tpu.vector_load %arg6[%parallel_loop3A_353, %parallel_loop3A_354] {strides = array<i32>} : memref<32x768xf32, #tpu.memory_space<vmem>>, vector<1x16xf32>,
        %parallel_loop3A_356 = vector.shape_cast %parallel_loop3A_355 : vector<1x16xf32> to vector<16xf32>
        %parallel_loop3A_357 = arith.constant 0 : i32
        %parallel_loop3A_358 = arith.addi %parallel_loop3A_357, %parallel_loop3A_112 : i32
        %parallel_loop3A_359 = arith.index_cast %parallel_loop3A_358 : i32 to index
        %parallel_loop3A_360 = arith.constant 240 : index
        %parallel_loop3A_361 = tpu.vector_load %arg5[%parallel_loop3A_359, %parallel_loop3A_360] {strides = array<i32>} : memref<32x768xf32, #tpu.memory_space<vmem>>, vector<1x16xf32>,
        %parallel_loop3A_362 = vector.shape_cast %parallel_loop3A_361 : vector<1x16xf32> to vector<16xf32>
        %parallel_loop3A_363 = arith.addf %parallel_loop3A_356, %parallel_loop3A_362 : vector<16xf32>
        %parallel_loop3A_364 = arith.index_cast %parallel_loop3A_112 : i32 to index
        %parallel_loop3A_365 = arith.constant 240 : index
        %parallel_loop3A_366 = tpu.vector_load %arg8[%parallel_loop3A_364, %parallel_loop3A_365] {strides = array<i32>} : memref<32x768xf32, #tpu.memory_space<vmem>>, vector<1x16xf32>,
        %parallel_loop3A_367 = vector.shape_cast %parallel_loop3A_366 : vector<1x16xf32> to vector<16xf32>
        %parallel_loop3A_368 = vector.shape_cast %parallel_loop3A_363 : vector<16xf32> to vector<1x16xf32>
        tpu.vector_store %arg8[%parallel_loop3A_364, %parallel_loop3A_365], %parallel_loop3A_368 {strides = array<i32>} : memref<32x768xf32, #tpu.memory_space<vmem>>, vector<1x16xf32>,
        %parallel_loop3A_369 = arith.index_cast %parallel_loop3A_112 : i32 to index
        %parallel_loop3A_370 = arith.constant 256 : index
        %parallel_loop3A_371 = tpu.vector_load %arg6[%parallel_loop3A_369, %parallel_loop3A_370] {strides = array<i32>} : memref<32x768xf32, #tpu.memory_space<vmem>>, vector<1x16xf32>,
        %parallel_loop3A_372 = vector.shape_cast %parallel_loop3A_371 : vector<1x16xf32> to vector<16xf32>
        %parallel_loop3A_373 = arith.constant 0 : i32
        %parallel_loop3A_374 = arith.addi %parallel_loop3A_373, %parallel_loop3A_112 : i32
        %parallel_loop3A_375 = arith.index_cast %parallel_loop3A_374 : i32 to index
        %parallel_loop3A_376 = arith.constant 256 : index
        %parallel_loop3A_377 = tpu.vector_load %arg5[%parallel_loop3A_375, %parallel_loop3A_376] {strides = array<i32>} : memref<32x768xf32, #tpu.memory_space<vmem>>, vector<1x16xf32>,
        %parallel_loop3A_378 = vector.shape_cast %parallel_loop3A_377 : vector<1x16xf32> to vector<16xf32>
        %parallel_loop3A_379 = arith.addf %parallel_loop3A_372, %parallel_loop3A_378 : vector<16xf32>
        %parallel_loop3A_380 = arith.index_cast %parallel_loop3A_112 : i32 to index
        %parallel_loop3A_381 = arith.constant 256 : index
        %parallel_loop3A_382 = tpu.vector_load %arg8[%parallel_loop3A_380, %parallel_loop3A_381] {strides = array<i32>} : memref<32x768xf32, #tpu.memory_space<vmem>>, vector<1x16xf32>,
        %parallel_loop3A_383 = vector.shape_cast %parallel_loop3A_382 : vector<1x16xf32> to vector<16xf32>
        %parallel_loop3A_384 = vector.shape_cast %parallel_loop3A_379 : vector<16xf32> to vector<1x16xf32>
        tpu.vector_store %arg8[%parallel_loop3A_380, %parallel_loop3A_381], %parallel_loop3A_384 {strides = array<i32>} : memref<32x768xf32, #tpu.memory_space<vmem>>, vector<1x16xf32>,
        %parallel_loop3A_385 = arith.index_cast %parallel_loop3A_112 : i32 to index
        %parallel_loop3A_386 = arith.constant 272 : index
        %parallel_loop3A_387 = tpu.vector_load %arg6[%parallel_loop3A_385, %parallel_loop3A_386] {strides = array<i32>} : memref<32x768xf32, #tpu.memory_space<vmem>>, vector<1x16xf32>,
        %parallel_loop3A_388 = vector.shape_cast %parallel_loop3A_387 : vector<1x16xf32> to vector<16xf32>
        %parallel_loop3A_389 = arith.constant 0 : i32
        %parallel_loop3A_390 = arith.addi %parallel_loop3A_389, %parallel_loop3A_112 : i32
        %parallel_loop3A_391 = arith.index_cast %parallel_loop3A_390 : i32 to index
        %parallel_loop3A_392 = arith.constant 272 : index
        %parallel_loop3A_393 = tpu.vector_load %arg5[%parallel_loop3A_391, %parallel_loop3A_392] {strides = array<i32>} : memref<32x768xf32, #tpu.memory_space<vmem>>, vector<1x16xf32>,
        %parallel_loop3A_394 = vector.shape_cast %parallel_loop3A_393 : vector<1x16xf32> to vector<16xf32>
        %parallel_loop3A_395 = arith.addf %parallel_loop3A_388, %parallel_loop3A_394 : vector<16xf32>
        %parallel_loop3A_396 = arith.index_cast %parallel_loop3A_112 : i32 to index
        %parallel_loop3A_397 = arith.constant 272 : index
        %parallel_loop3A_398 = tpu.vector_load %arg8[%parallel_loop3A_396, %parallel_loop3A_397] {strides = array<i32>} : memref<32x768xf32, #tpu.memory_space<vmem>>, vector<1x16xf32>,
        %parallel_loop3A_399 = vector.shape_cast %parallel_loop3A_398 : vector<1x16xf32> to vector<16xf32>
        %parallel_loop3A_400 = vector.shape_cast %parallel_loop3A_395 : vector<16xf32> to vector<1x16xf32>
        tpu.vector_store %arg8[%parallel_loop3A_396, %parallel_loop3A_397], %parallel_loop3A_400 {strides = array<i32>} : memref<32x768xf32, #tpu.memory_space<vmem>>, vector<1x16xf32>,
        %parallel_loop3A_401 = arith.index_cast %parallel_loop3A_112 : i32 to index
        %parallel_loop3A_402 = arith.constant 288 : index
        %parallel_loop3A_403 = tpu.vector_load %arg6[%parallel_loop3A_401, %parallel_loop3A_402] {strides = array<i32>} : memref<32x768xf32, #tpu.memory_space<vmem>>, vector<1x16xf32>,
        %parallel_loop3A_404 = vector.shape_cast %parallel_loop3A_403 : vector<1x16xf32> to vector<16xf32>
        %parallel_loop3A_405 = arith.constant 0 : i32
        %parallel_loop3A_406 = arith.addi %parallel_loop3A_405, %parallel_loop3A_112 : i32
        %parallel_loop3A_407 = arith.index_cast %parallel_loop3A_406 : i32 to index
        %parallel_loop3A_408 = arith.constant 288 : index
        %parallel_loop3A_409 = tpu.vector_load %arg5[%parallel_loop3A_407, %parallel_loop3A_408] {strides = array<i32>} : memref<32x768xf32, #tpu.memory_space<vmem>>, vector<1x16xf32>,
        %parallel_loop3A_410 = vector.shape_cast %parallel_loop3A_409 : vector<1x16xf32> to vector<16xf32>
        %parallel_loop3A_411 = arith.addf %parallel_loop3A_404, %parallel_loop3A_410 : vector<16xf32>
        %parallel_loop3A_412 = arith.index_cast %parallel_loop3A_112 : i32 to index
        %parallel_loop3A_413 = arith.constant 288 : index
        %parallel_loop3A_414 = tpu.vector_load %arg8[%parallel_loop3A_412, %parallel_loop3A_413] {strides = array<i32>} : memref<32x768xf32, #tpu.memory_space<vmem>>, vector<1x16xf32>,
        %parallel_loop3A_415 = vector.shape_cast %parallel_loop3A_414 : vector<1x16xf32> to vector<16xf32>
        %parallel_loop3A_416 = vector.shape_cast %parallel_loop3A_411 : vector<16xf32> to vector<1x16xf32>
        tpu.vector_store %arg8[%parallel_loop3A_412, %parallel_loop3A_413], %parallel_loop3A_416 {strides = array<i32>} : memref<32x768xf32, #tpu.memory_space<vmem>>, vector<1x16xf32>,
        %parallel_loop3A_417 = arith.index_cast %parallel_loop3A_112 : i32 to index
        %parallel_loop3A_418 = arith.constant 304 : index
        %parallel_loop3A_419 = tpu.vector_load %arg6[%parallel_loop3A_417, %parallel_loop3A_418] {strides = array<i32>} : memref<32x768xf32, #tpu.memory_space<vmem>>, vector<1x16xf32>,
        %parallel_loop3A_420 = vector.shape_cast %parallel_loop3A_419 : vector<1x16xf32> to vector<16xf32>
        %parallel_loop3A_421 = arith.constant 0 : i32
        %parallel_loop3A_422 = arith.addi %parallel_loop3A_421, %parallel_loop3A_112 : i32
        %parallel_loop3A_423 = arith.index_cast %parallel_loop3A_422 : i32 to index
        %parallel_loop3A_424 = arith.constant 304 : index
        %parallel_loop3A_425 = tpu.vector_load %arg5[%parallel_loop3A_423, %parallel_loop3A_424] {strides = array<i32>} : memref<32x768xf32, #tpu.memory_space<vmem>>, vector<1x16xf32>,
        %parallel_loop3A_426 = vector.shape_cast %parallel_loop3A_425 : vector<1x16xf32> to vector<16xf32>
        %parallel_loop3A_427 = arith.addf %parallel_loop3A_420, %parallel_loop3A_426 : vector<16xf32>
        %parallel_loop3A_428 = arith.index_cast %parallel_loop3A_112 : i32 to index
        %parallel_loop3A_429 = arith.constant 304 : index
        %parallel_loop3A_430 = tpu.vector_load %arg8[%parallel_loop3A_428, %parallel_loop3A_429] {strides = array<i32>} : memref<32x768xf32, #tpu.memory_space<vmem>>, vector<1x16xf32>,
        %parallel_loop3A_431 = vector.shape_cast %parallel_loop3A_430 : vector<1x16xf32> to vector<16xf32>
        %parallel_loop3A_432 = vector.shape_cast %parallel_loop3A_427 : vector<16xf32> to vector<1x16xf32>
        tpu.vector_store %arg8[%parallel_loop3A_428, %parallel_loop3A_429], %parallel_loop3A_432 {strides = array<i32>} : memref<32x768xf32, #tpu.memory_space<vmem>>, vector<1x16xf32>,
        %parallel_loop3A_433 = arith.index_cast %parallel_loop3A_112 : i32 to index
        %parallel_loop3A_434 = arith.constant 320 : index
        %parallel_loop3A_435 = tpu.vector_load %arg6[%parallel_loop3A_433, %parallel_loop3A_434] {strides = array<i32>} : memref<32x768xf32, #tpu.memory_space<vmem>>, vector<1x16xf32>,
        %parallel_loop3A_436 = vector.shape_cast %parallel_loop3A_435 : vector<1x16xf32> to vector<16xf32>
        %parallel_loop3A_437 = arith.constant 0 : i32
        %parallel_loop3A_438 = arith.addi %parallel_loop3A_437, %parallel_loop3A_112 : i32
        %parallel_loop3A_439 = arith.index_cast %parallel_loop3A_438 : i32 to index
        %parallel_loop3A_440 = arith.constant 320 : index
        %parallel_loop3A_441 = tpu.vector_load %arg5[%parallel_loop3A_439, %parallel_loop3A_440] {strides = array<i32>} : memref<32x768xf32, #tpu.memory_space<vmem>>, vector<1x16xf32>,
        %parallel_loop3A_442 = vector.shape_cast %parallel_loop3A_441 : vector<1x16xf32> to vector<16xf32>
        %parallel_loop3A_443 = arith.addf %parallel_loop3A_436, %parallel_loop3A_442 : vector<16xf32>
        %parallel_loop3A_444 = arith.index_cast %parallel_loop3A_112 : i32 to index
        %parallel_loop3A_445 = arith.constant 320 : index
        %parallel_loop3A_446 = tpu.vector_load %arg8[%parallel_loop3A_444, %parallel_loop3A_445] {strides = array<i32>} : memref<32x768xf32, #tpu.memory_space<vmem>>, vector<1x16xf32>,
        %parallel_loop3A_447 = vector.shape_cast %parallel_loop3A_446 : vector<1x16xf32> to vector<16xf32>
        %parallel_loop3A_448 = vector.shape_cast %parallel_loop3A_443 : vector<16xf32> to vector<1x16xf32>
        tpu.vector_store %arg8[%parallel_loop3A_444, %parallel_loop3A_445], %parallel_loop3A_448 {strides = array<i32>} : memref<32x768xf32, #tpu.memory_space<vmem>>, vector<1x16xf32>,
        %parallel_loop3A_449 = arith.index_cast %parallel_loop3A_112 : i32 to index
        %parallel_loop3A_450 = arith.constant 336 : index
        %parallel_loop3A_451 = tpu.vector_load %arg6[%parallel_loop3A_449, %parallel_loop3A_450] {strides = array<i32>} : memref<32x768xf32, #tpu.memory_space<vmem>>, vector<1x16xf32>,
        %parallel_loop3A_452 = vector.shape_cast %parallel_loop3A_451 : vector<1x16xf32> to vector<16xf32>
        %parallel_loop3A_453 = arith.constant 0 : i32
        %parallel_loop3A_454 = arith.addi %parallel_loop3A_453, %parallel_loop3A_112 : i32
        %parallel_loop3A_455 = arith.index_cast %parallel_loop3A_454 : i32 to index
        %parallel_loop3A_456 = arith.constant 336 : index
        %parallel_loop3A_457 = tpu.vector_load %arg5[%parallel_loop3A_455, %parallel_loop3A_456] {strides = array<i32>} : memref<32x768xf32, #tpu.memory_space<vmem>>, vector<1x16xf32>,
        %parallel_loop3A_458 = vector.shape_cast %parallel_loop3A_457 : vector<1x16xf32> to vector<16xf32>
        %parallel_loop3A_459 = arith.addf %parallel_loop3A_452, %parallel_loop3A_458 : vector<16xf32>
        %parallel_loop3A_460 = arith.index_cast %parallel_loop3A_112 : i32 to index
        %parallel_loop3A_461 = arith.constant 336 : index
        %parallel_loop3A_462 = tpu.vector_load %arg8[%parallel_loop3A_460, %parallel_loop3A_461] {strides = array<i32>} : memref<32x768xf32, #tpu.memory_space<vmem>>, vector<1x16xf32>,
        %parallel_loop3A_463 = vector.shape_cast %parallel_loop3A_462 : vector<1x16xf32> to vector<16xf32>
        %parallel_loop3A_464 = vector.shape_cast %parallel_loop3A_459 : vector<16xf32> to vector<1x16xf32>
        tpu.vector_store %arg8[%parallel_loop3A_460, %parallel_loop3A_461], %parallel_loop3A_464 {strides = array<i32>} : memref<32x768xf32, #tpu.memory_space<vmem>>, vector<1x16xf32>,
        %parallel_loop3A_465 = arith.index_cast %parallel_loop3A_112 : i32 to index
        %parallel_loop3A_466 = arith.constant 352 : index
        %parallel_loop3A_467 = tpu.vector_load %arg6[%parallel_loop3A_465, %parallel_loop3A_466] {strides = array<i32>} : memref<32x768xf32, #tpu.memory_space<vmem>>, vector<1x16xf32>,
        %parallel_loop3A_468 = vector.shape_cast %parallel_loop3A_467 : vector<1x16xf32> to vector<16xf32>
        %parallel_loop3A_469 = arith.constant 0 : i32
        %parallel_loop3A_470 = arith.addi %parallel_loop3A_469, %parallel_loop3A_112 : i32
        %parallel_loop3A_471 = arith.index_cast %parallel_loop3A_470 : i32 to index
        %parallel_loop3A_472 = arith.constant 352 : index
        %parallel_loop3A_473 = tpu.vector_load %arg5[%parallel_loop3A_471, %parallel_loop3A_472] {strides = array<i32>} : memref<32x768xf32, #tpu.memory_space<vmem>>, vector<1x16xf32>,
        %parallel_loop3A_474 = vector.shape_cast %parallel_loop3A_473 : vector<1x16xf32> to vector<16xf32>
        %parallel_loop3A_475 = arith.addf %parallel_loop3A_468, %parallel_loop3A_474 : vector<16xf32>
        %parallel_loop3A_476 = arith.index_cast %parallel_loop3A_112 : i32 to index
        %parallel_loop3A_477 = arith.constant 352 : index
        %parallel_loop3A_478 = tpu.vector_load %arg8[%parallel_loop3A_476, %parallel_loop3A_477] {strides = array<i32>} : memref<32x768xf32, #tpu.memory_space<vmem>>, vector<1x16xf32>,
        %parallel_loop3A_479 = vector.shape_cast %parallel_loop3A_478 : vector<1x16xf32> to vector<16xf32>
        %parallel_loop3A_480 = vector.shape_cast %parallel_loop3A_475 : vector<16xf32> to vector<1x16xf32>
        tpu.vector_store %arg8[%parallel_loop3A_476, %parallel_loop3A_477], %parallel_loop3A_480 {strides = array<i32>} : memref<32x768xf32, #tpu.memory_space<vmem>>, vector<1x16xf32>,
        %parallel_loop3A_481 = arith.index_cast %parallel_loop3A_112 : i32 to index
        %parallel_loop3A_482 = arith.constant 368 : index
        %parallel_loop3A_483 = tpu.vector_load %arg6[%parallel_loop3A_481, %parallel_loop3A_482] {strides = array<i32>} : memref<32x768xf32, #tpu.memory_space<vmem>>, vector<1x16xf32>,
        %parallel_loop3A_484 = vector.shape_cast %parallel_loop3A_483 : vector<1x16xf32> to vector<16xf32>
        %parallel_loop3A_485 = arith.constant 0 : i32
        %parallel_loop3A_486 = arith.addi %parallel_loop3A_485, %parallel_loop3A_112 : i32
        %parallel_loop3A_487 = arith.index_cast %parallel_loop3A_486 : i32 to index
        %parallel_loop3A_488 = arith.constant 368 : index
        %parallel_loop3A_489 = tpu.vector_load %arg5[%parallel_loop3A_487, %parallel_loop3A_488] {strides = array<i32>} : memref<32x768xf32, #tpu.memory_space<vmem>>, vector<1x16xf32>,
        %parallel_loop3A_490 = vector.shape_cast %parallel_loop3A_489 : vector<1x16xf32> to vector<16xf32>
        %parallel_loop3A_491 = arith.addf %parallel_loop3A_484, %parallel_loop3A_490 : vector<16xf32>
        %parallel_loop3A_492 = arith.index_cast %parallel_loop3A_112 : i32 to index
        %parallel_loop3A_493 = arith.constant 368 : index
        %parallel_loop3A_494 = tpu.vector_load %arg8[%parallel_loop3A_492, %parallel_loop3A_493] {strides = array<i32>} : memref<32x768xf32, #tpu.memory_space<vmem>>, vector<1x16xf32>,
        %parallel_loop3A_495 = vector.shape_cast %parallel_loop3A_494 : vector<1x16xf32> to vector<16xf32>
        %parallel_loop3A_496 = vector.shape_cast %parallel_loop3A_491 : vector<16xf32> to vector<1x16xf32>
        tpu.vector_store %arg8[%parallel_loop3A_492, %parallel_loop3A_493], %parallel_loop3A_496 {strides = array<i32>} : memref<32x768xf32, #tpu.memory_space<vmem>>, vector<1x16xf32>,
        %parallel_loop3A_497 = arith.index_cast %parallel_loop3A_112 : i32 to index
        %parallel_loop3A_498 = arith.constant 384 : index
        %parallel_loop3A_499 = tpu.vector_load %arg6[%parallel_loop3A_497, %parallel_loop3A_498] {strides = array<i32>} : memref<32x768xf32, #tpu.memory_space<vmem>>, vector<1x16xf32>,
        %parallel_loop3A_500 = vector.shape_cast %parallel_loop3A_499 : vector<1x16xf32> to vector<16xf32>
        %parallel_loop3A_501 = arith.constant 0 : i32
        %parallel_loop3A_502 = arith.addi %parallel_loop3A_501, %parallel_loop3A_112 : i32
        %parallel_loop3A_503 = arith.index_cast %parallel_loop3A_502 : i32 to index
        %parallel_loop3A_504 = arith.constant 384 : index
        %parallel_loop3A_505 = tpu.vector_load %arg5[%parallel_loop3A_503, %parallel_loop3A_504] {strides = array<i32>} : memref<32x768xf32, #tpu.memory_space<vmem>>, vector<1x16xf32>,
        %parallel_loop3A_506 = vector.shape_cast %parallel_loop3A_505 : vector<1x16xf32> to vector<16xf32>
        %parallel_loop3A_507 = arith.addf %parallel_loop3A_500, %parallel_loop3A_506 : vector<16xf32>
        %parallel_loop3A_508 = arith.index_cast %parallel_loop3A_112 : i32 to index
        %parallel_loop3A_509 = arith.constant 384 : index
        %parallel_loop3A_510 = tpu.vector_load %arg8[%parallel_loop3A_508, %parallel_loop3A_509] {strides = array<i32>} : memref<32x768xf32, #tpu.memory_space<vmem>>, vector<1x16xf32>,
        %parallel_loop3A_511 = vector.shape_cast %parallel_loop3A_510 : vector<1x16xf32> to vector<16xf32>
        %parallel_loop3A_512 = vector.shape_cast %parallel_loop3A_507 : vector<16xf32> to vector<1x16xf32>
        tpu.vector_store %arg8[%parallel_loop3A_508, %parallel_loop3A_509], %parallel_loop3A_512 {strides = array<i32>} : memref<32x768xf32, #tpu.memory_space<vmem>>, vector<1x16xf32>,
        %parallel_loop3A_513 = arith.index_cast %parallel_loop3A_112 : i32 to index
        %parallel_loop3A_514 = arith.constant 400 : index
        %parallel_loop3A_515 = tpu.vector_load %arg6[%parallel_loop3A_513, %parallel_loop3A_514] {strides = array<i32>} : memref<32x768xf32, #tpu.memory_space<vmem>>, vector<1x16xf32>,
        %parallel_loop3A_516 = vector.shape_cast %parallel_loop3A_515 : vector<1x16xf32> to vector<16xf32>
        %parallel_loop3A_517 = arith.constant 0 : i32
        %parallel_loop3A_518 = arith.addi %parallel_loop3A_517, %parallel_loop3A_112 : i32
        %parallel_loop3A_519 = arith.index_cast %parallel_loop3A_518 : i32 to index
        %parallel_loop3A_520 = arith.constant 400 : index
        %parallel_loop3A_521 = tpu.vector_load %arg5[%parallel_loop3A_519, %parallel_loop3A_520] {strides = array<i32>} : memref<32x768xf32, #tpu.memory_space<vmem>>, vector<1x16xf32>,
        %parallel_loop3A_522 = vector.shape_cast %parallel_loop3A_521 : vector<1x16xf32> to vector<16xf32>
        %parallel_loop3A_523 = arith.addf %parallel_loop3A_516, %parallel_loop3A_522 : vector<16xf32>
        %parallel_loop3A_524 = arith.index_cast %parallel_loop3A_112 : i32 to index
        %parallel_loop3A_525 = arith.constant 400 : index
        %parallel_loop3A_526 = tpu.vector_load %arg8[%parallel_loop3A_524, %parallel_loop3A_525] {strides = array<i32>} : memref<32x768xf32, #tpu.memory_space<vmem>>, vector<1x16xf32>,
        %parallel_loop3A_527 = vector.shape_cast %parallel_loop3A_526 : vector<1x16xf32> to vector<16xf32>
        %parallel_loop3A_528 = vector.shape_cast %parallel_loop3A_523 : vector<16xf32> to vector<1x16xf32>
        tpu.vector_store %arg8[%parallel_loop3A_524, %parallel_loop3A_525], %parallel_loop3A_528 {strides = array<i32>} : memref<32x768xf32, #tpu.memory_space<vmem>>, vector<1x16xf32>,
        %parallel_loop3A_529 = arith.index_cast %parallel_loop3A_112 : i32 to index
        %parallel_loop3A_530 = arith.constant 416 : index
        %parallel_loop3A_531 = tpu.vector_load %arg6[%parallel_loop3A_529, %parallel_loop3A_530] {strides = array<i32>} : memref<32x768xf32, #tpu.memory_space<vmem>>, vector<1x16xf32>,
        %parallel_loop3A_532 = vector.shape_cast %parallel_loop3A_531 : vector<1x16xf32> to vector<16xf32>
        %parallel_loop3A_533 = arith.constant 0 : i32
        %parallel_loop3A_534 = arith.addi %parallel_loop3A_533, %parallel_loop3A_112 : i32
        %parallel_loop3A_535 = arith.index_cast %parallel_loop3A_534 : i32 to index
        %parallel_loop3A_536 = arith.constant 416 : index
        %parallel_loop3A_537 = tpu.vector_load %arg5[%parallel_loop3A_535, %parallel_loop3A_536] {strides = array<i32>} : memref<32x768xf32, #tpu.memory_space<vmem>>, vector<1x16xf32>,
        %parallel_loop3A_538 = vector.shape_cast %parallel_loop3A_537 : vector<1x16xf32> to vector<16xf32>
        %parallel_loop3A_539 = arith.addf %parallel_loop3A_532, %parallel_loop3A_538 : vector<16xf32>
        %parallel_loop3A_540 = arith.index_cast %parallel_loop3A_112 : i32 to index
        %parallel_loop3A_541 = arith.constant 416 : index
        %parallel_loop3A_542 = tpu.vector_load %arg8[%parallel_loop3A_540, %parallel_loop3A_541] {strides = array<i32>} : memref<32x768xf32, #tpu.memory_space<vmem>>, vector<1x16xf32>,
        %parallel_loop3A_543 = vector.shape_cast %parallel_loop3A_542 : vector<1x16xf32> to vector<16xf32>
        %parallel_loop3A_544 = vector.shape_cast %parallel_loop3A_539 : vector<16xf32> to vector<1x16xf32>
        tpu.vector_store %arg8[%parallel_loop3A_540, %parallel_loop3A_541], %parallel_loop3A_544 {strides = array<i32>} : memref<32x768xf32, #tpu.memory_space<vmem>>, vector<1x16xf32>,
        %parallel_loop3A_545 = arith.index_cast %parallel_loop3A_112 : i32 to index
        %parallel_loop3A_546 = arith.constant 432 : index
        %parallel_loop3A_547 = tpu.vector_load %arg6[%parallel_loop3A_545, %parallel_loop3A_546] {strides = array<i32>} : memref<32x768xf32, #tpu.memory_space<vmem>>, vector<1x16xf32>,
        %parallel_loop3A_548 = vector.shape_cast %parallel_loop3A_547 : vector<1x16xf32> to vector<16xf32>
        %parallel_loop3A_549 = arith.constant 0 : i32
        %parallel_loop3A_550 = arith.addi %parallel_loop3A_549, %parallel_loop3A_112 : i32
        %parallel_loop3A_551 = arith.index_cast %parallel_loop3A_550 : i32 to index
        %parallel_loop3A_552 = arith.constant 432 : index
        %parallel_loop3A_553 = tpu.vector_load %arg5[%parallel_loop3A_551, %parallel_loop3A_552] {strides = array<i32>} : memref<32x768xf32, #tpu.memory_space<vmem>>, vector<1x16xf32>,
        %parallel_loop3A_554 = vector.shape_cast %parallel_loop3A_553 : vector<1x16xf32> to vector<16xf32>
        %parallel_loop3A_555 = arith.addf %parallel_loop3A_548, %parallel_loop3A_554 : vector<16xf32>
        %parallel_loop3A_556 = arith.index_cast %parallel_loop3A_112 : i32 to index
        %parallel_loop3A_557 = arith.constant 432 : index
        %parallel_loop3A_558 = tpu.vector_load %arg8[%parallel_loop3A_556, %parallel_loop3A_557] {strides = array<i32>} : memref<32x768xf32, #tpu.memory_space<vmem>>, vector<1x16xf32>,
        %parallel_loop3A_559 = vector.shape_cast %parallel_loop3A_558 : vector<1x16xf32> to vector<16xf32>
        %parallel_loop3A_560 = vector.shape_cast %parallel_loop3A_555 : vector<16xf32> to vector<1x16xf32>
        tpu.vector_store %arg8[%parallel_loop3A_556, %parallel_loop3A_557], %parallel_loop3A_560 {strides = array<i32>} : memref<32x768xf32, #tpu.memory_space<vmem>>, vector<1x16xf32>,
        %parallel_loop3A_561 = arith.index_cast %parallel_loop3A_112 : i32 to index
        %parallel_loop3A_562 = arith.constant 448 : index
        %parallel_loop3A_563 = tpu.vector_load %arg6[%parallel_loop3A_561, %parallel_loop3A_562] {strides = array<i32>} : memref<32x768xf32, #tpu.memory_space<vmem>>, vector<1x16xf32>,
        %parallel_loop3A_564 = vector.shape_cast %parallel_loop3A_563 : vector<1x16xf32> to vector<16xf32>
        %parallel_loop3A_565 = arith.constant 0 : i32
        %parallel_loop3A_566 = arith.addi %parallel_loop3A_565, %parallel_loop3A_112 : i32
        %parallel_loop3A_567 = arith.index_cast %parallel_loop3A_566 : i32 to index
        %parallel_loop3A_568 = arith.constant 448 : index
        %parallel_loop3A_569 = tpu.vector_load %arg5[%parallel_loop3A_567, %parallel_loop3A_568] {strides = array<i32>} : memref<32x768xf32, #tpu.memory_space<vmem>>, vector<1x16xf32>,
        %parallel_loop3A_570 = vector.shape_cast %parallel_loop3A_569 : vector<1x16xf32> to vector<16xf32>
        %parallel_loop3A_571 = arith.addf %parallel_loop3A_564, %parallel_loop3A_570 : vector<16xf32>
        %parallel_loop3A_572 = arith.index_cast %parallel_loop3A_112 : i32 to index
        %parallel_loop3A_573 = arith.constant 448 : index
        %parallel_loop3A_574 = tpu.vector_load %arg8[%parallel_loop3A_572, %parallel_loop3A_573] {strides = array<i32>} : memref<32x768xf32, #tpu.memory_space<vmem>>, vector<1x16xf32>,
        %parallel_loop3A_575 = vector.shape_cast %parallel_loop3A_574 : vector<1x16xf32> to vector<16xf32>
        %parallel_loop3A_576 = vector.shape_cast %parallel_loop3A_571 : vector<16xf32> to vector<1x16xf32>
        tpu.vector_store %arg8[%parallel_loop3A_572, %parallel_loop3A_573], %parallel_loop3A_576 {strides = array<i32>} : memref<32x768xf32, #tpu.memory_space<vmem>>, vector<1x16xf32>,
        %parallel_loop3A_577 = arith.index_cast %parallel_loop3A_112 : i32 to index
        %parallel_loop3A_578 = arith.constant 464 : index
        %parallel_loop3A_579 = tpu.vector_load %arg6[%parallel_loop3A_577, %parallel_loop3A_578] {strides = array<i32>} : memref<32x768xf32, #tpu.memory_space<vmem>>, vector<1x16xf32>,
        %parallel_loop3A_580 = vector.shape_cast %parallel_loop3A_579 : vector<1x16xf32> to vector<16xf32>
        %parallel_loop3A_581 = arith.constant 0 : i32
        %parallel_loop3A_582 = arith.addi %parallel_loop3A_581, %parallel_loop3A_112 : i32
        %parallel_loop3A_583 = arith.index_cast %parallel_loop3A_582 : i32 to index
        %parallel_loop3A_584 = arith.constant 464 : index
        %parallel_loop3A_585 = tpu.vector_load %arg5[%parallel_loop3A_583, %parallel_loop3A_584] {strides = array<i32>} : memref<32x768xf32, #tpu.memory_space<vmem>>, vector<1x16xf32>,
        %parallel_loop3A_586 = vector.shape_cast %parallel_loop3A_585 : vector<1x16xf32> to vector<16xf32>
        %parallel_loop3A_587 = arith.addf %parallel_loop3A_580, %parallel_loop3A_586 : vector<16xf32>
        %parallel_loop3A_588 = arith.index_cast %parallel_loop3A_112 : i32 to index
        %parallel_loop3A_589 = arith.constant 464 : index
        %parallel_loop3A_590 = tpu.vector_load %arg8[%parallel_loop3A_588, %parallel_loop3A_589] {strides = array<i32>} : memref<32x768xf32, #tpu.memory_space<vmem>>, vector<1x16xf32>,
        %parallel_loop3A_591 = vector.shape_cast %parallel_loop3A_590 : vector<1x16xf32> to vector<16xf32>
        %parallel_loop3A_592 = vector.shape_cast %parallel_loop3A_587 : vector<16xf32> to vector<1x16xf32>
        tpu.vector_store %arg8[%parallel_loop3A_588, %parallel_loop3A_589], %parallel_loop3A_592 {strides = array<i32>} : memref<32x768xf32, #tpu.memory_space<vmem>>, vector<1x16xf32>,
        %parallel_loop3A_593 = arith.index_cast %parallel_loop3A_112 : i32 to index
        %parallel_loop3A_594 = arith.constant 480 : index
        %parallel_loop3A_595 = tpu.vector_load %arg6[%parallel_loop3A_593, %parallel_loop3A_594] {strides = array<i32>} : memref<32x768xf32, #tpu.memory_space<vmem>>, vector<1x16xf32>,
        %parallel_loop3A_596 = vector.shape_cast %parallel_loop3A_595 : vector<1x16xf32> to vector<16xf32>
        %parallel_loop3A_597 = arith.constant 0 : i32
        %parallel_loop3A_598 = arith.addi %parallel_loop3A_597, %parallel_loop3A_112 : i32
        %parallel_loop3A_599 = arith.index_cast %parallel_loop3A_598 : i32 to index
        %parallel_loop3A_600 = arith.constant 480 : index
        %parallel_loop3A_601 = tpu.vector_load %arg5[%parallel_loop3A_599, %parallel_loop3A_600] {strides = array<i32>} : memref<32x768xf32, #tpu.memory_space<vmem>>, vector<1x16xf32>,
        %parallel_loop3A_602 = vector.shape_cast %parallel_loop3A_601 : vector<1x16xf32> to vector<16xf32>
        %parallel_loop3A_603 = arith.addf %parallel_loop3A_596, %parallel_loop3A_602 : vector<16xf32>
        %parallel_loop3A_604 = arith.index_cast %parallel_loop3A_112 : i32 to index
        %parallel_loop3A_605 = arith.constant 480 : index
        %parallel_loop3A_606 = tpu.vector_load %arg8[%parallel_loop3A_604, %parallel_loop3A_605] {strides = array<i32>} : memref<32x768xf32, #tpu.memory_space<vmem>>, vector<1x16xf32>,
        %parallel_loop3A_607 = vector.shape_cast %parallel_loop3A_606 : vector<1x16xf32> to vector<16xf32>
        %parallel_loop3A_608 = vector.shape_cast %parallel_loop3A_603 : vector<16xf32> to vector<1x16xf32>
        tpu.vector_store %arg8[%parallel_loop3A_604, %parallel_loop3A_605], %parallel_loop3A_608 {strides = array<i32>} : memref<32x768xf32, #tpu.memory_space<vmem>>, vector<1x16xf32>,
        %parallel_loop3A_609 = arith.index_cast %parallel_loop3A_112 : i32 to index
        %parallel_loop3A_610 = arith.constant 496 : index
        %parallel_loop3A_611 = tpu.vector_load %arg6[%parallel_loop3A_609, %parallel_loop3A_610] {strides = array<i32>} : memref<32x768xf32, #tpu.memory_space<vmem>>, vector<1x16xf32>,
        %parallel_loop3A_612 = vector.shape_cast %parallel_loop3A_611 : vector<1x16xf32> to vector<16xf32>
        %parallel_loop3A_613 = arith.constant 0 : i32
        %parallel_loop3A_614 = arith.addi %parallel_loop3A_613, %parallel_loop3A_112 : i32
        %parallel_loop3A_615 = arith.index_cast %parallel_loop3A_614 : i32 to index
        %parallel_loop3A_616 = arith.constant 496 : index
        %parallel_loop3A_617 = tpu.vector_load %arg5[%parallel_loop3A_615, %parallel_loop3A_616] {strides = array<i32>} : memref<32x768xf32, #tpu.memory_space<vmem>>, vector<1x16xf32>,
        %parallel_loop3A_618 = vector.shape_cast %parallel_loop3A_617 : vector<1x16xf32> to vector<16xf32>
        %parallel_loop3A_619 = arith.addf %parallel_loop3A_612, %parallel_loop3A_618 : vector<16xf32>
        %parallel_loop3A_620 = arith.index_cast %parallel_loop3A_112 : i32 to index
        %parallel_loop3A_621 = arith.constant 496 : index
        %parallel_loop3A_622 = tpu.vector_load %arg8[%parallel_loop3A_620, %parallel_loop3A_621] {strides = array<i32>} : memref<32x768xf32, #tpu.memory_space<vmem>>, vector<1x16xf32>,
        %parallel_loop3A_623 = vector.shape_cast %parallel_loop3A_622 : vector<1x16xf32> to vector<16xf32>
        %parallel_loop3A_624 = vector.shape_cast %parallel_loop3A_619 : vector<16xf32> to vector<1x16xf32>
        tpu.vector_store %arg8[%parallel_loop3A_620, %parallel_loop3A_621], %parallel_loop3A_624 {strides = array<i32>} : memref<32x768xf32, #tpu.memory_space<vmem>>, vector<1x16xf32>,
        %parallel_loop3A_625 = arith.index_cast %parallel_loop3A_112 : i32 to index
        %parallel_loop3A_626 = arith.constant 512 : index
        %parallel_loop3A_627 = tpu.vector_load %arg6[%parallel_loop3A_625, %parallel_loop3A_626] {strides = array<i32>} : memref<32x768xf32, #tpu.memory_space<vmem>>, vector<1x16xf32>,
        %parallel_loop3A_628 = vector.shape_cast %parallel_loop3A_627 : vector<1x16xf32> to vector<16xf32>
        %parallel_loop3A_629 = arith.constant 0 : i32
        %parallel_loop3A_630 = arith.addi %parallel_loop3A_629, %parallel_loop3A_112 : i32
        %parallel_loop3A_631 = arith.index_cast %parallel_loop3A_630 : i32 to index
        %parallel_loop3A_632 = arith.constant 512 : index
        %parallel_loop3A_633 = tpu.vector_load %arg5[%parallel_loop3A_631, %parallel_loop3A_632] {strides = array<i32>} : memref<32x768xf32, #tpu.memory_space<vmem>>, vector<1x16xf32>,
        %parallel_loop3A_634 = vector.shape_cast %parallel_loop3A_633 : vector<1x16xf32> to vector<16xf32>
        %parallel_loop3A_635 = arith.addf %parallel_loop3A_628, %parallel_loop3A_634 : vector<16xf32>
        %parallel_loop3A_636 = arith.index_cast %parallel_loop3A_112 : i32 to index
        %parallel_loop3A_637 = arith.constant 512 : index
        %parallel_loop3A_638 = tpu.vector_load %arg8[%parallel_loop3A_636, %parallel_loop3A_637] {strides = array<i32>} : memref<32x768xf32, #tpu.memory_space<vmem>>, vector<1x16xf32>,
        %parallel_loop3A_639 = vector.shape_cast %parallel_loop3A_638 : vector<1x16xf32> to vector<16xf32>
        %parallel_loop3A_640 = vector.shape_cast %parallel_loop3A_635 : vector<16xf32> to vector<1x16xf32>
        tpu.vector_store %arg8[%parallel_loop3A_636, %parallel_loop3A_637], %parallel_loop3A_640 {strides = array<i32>} : memref<32x768xf32, #tpu.memory_space<vmem>>, vector<1x16xf32>,
        %parallel_loop3A_641 = arith.index_cast %parallel_loop3A_112 : i32 to index
        %parallel_loop3A_642 = arith.constant 528 : index
        %parallel_loop3A_643 = tpu.vector_load %arg6[%parallel_loop3A_641, %parallel_loop3A_642] {strides = array<i32>} : memref<32x768xf32, #tpu.memory_space<vmem>>, vector<1x16xf32>,
        %parallel_loop3A_644 = vector.shape_cast %parallel_loop3A_643 : vector<1x16xf32> to vector<16xf32>
        %parallel_loop3A_645 = arith.constant 0 : i32
        %parallel_loop3A_646 = arith.addi %parallel_loop3A_645, %parallel_loop3A_112 : i32
        %parallel_loop3A_647 = arith.index_cast %parallel_loop3A_646 : i32 to index
        %parallel_loop3A_648 = arith.constant 528 : index
        %parallel_loop3A_649 = tpu.vector_load %arg5[%parallel_loop3A_647, %parallel_loop3A_648] {strides = array<i32>} : memref<32x768xf32, #tpu.memory_space<vmem>>, vector<1x16xf32>,
        %parallel_loop3A_650 = vector.shape_cast %parallel_loop3A_649 : vector<1x16xf32> to vector<16xf32>
        %parallel_loop3A_651 = arith.addf %parallel_loop3A_644, %parallel_loop3A_650 : vector<16xf32>
        %parallel_loop3A_652 = arith.index_cast %parallel_loop3A_112 : i32 to index
        %parallel_loop3A_653 = arith.constant 528 : index
        %parallel_loop3A_654 = tpu.vector_load %arg8[%parallel_loop3A_652, %parallel_loop3A_653] {strides = array<i32>} : memref<32x768xf32, #tpu.memory_space<vmem>>, vector<1x16xf32>,
        %parallel_loop3A_655 = vector.shape_cast %parallel_loop3A_654 : vector<1x16xf32> to vector<16xf32>
        %parallel_loop3A_656 = vector.shape_cast %parallel_loop3A_651 : vector<16xf32> to vector<1x16xf32>
        tpu.vector_store %arg8[%parallel_loop3A_652, %parallel_loop3A_653], %parallel_loop3A_656 {strides = array<i32>} : memref<32x768xf32, #tpu.memory_space<vmem>>, vector<1x16xf32>,
        %parallel_loop3A_657 = arith.index_cast %parallel_loop3A_112 : i32 to index
        %parallel_loop3A_658 = arith.constant 544 : index
        %parallel_loop3A_659 = tpu.vector_load %arg6[%parallel_loop3A_657, %parallel_loop3A_658] {strides = array<i32>} : memref<32x768xf32, #tpu.memory_space<vmem>>, vector<1x16xf32>,
        %parallel_loop3A_660 = vector.shape_cast %parallel_loop3A_659 : vector<1x16xf32> to vector<16xf32>
        %parallel_loop3A_661 = arith.constant 0 : i32
        %parallel_loop3A_662 = arith.addi %parallel_loop3A_661, %parallel_loop3A_112 : i32
        %parallel_loop3A_663 = arith.index_cast %parallel_loop3A_662 : i32 to index
        %parallel_loop3A_664 = arith.constant 544 : index
        %parallel_loop3A_665 = tpu.vector_load %arg5[%parallel_loop3A_663, %parallel_loop3A_664] {strides = array<i32>} : memref<32x768xf32, #tpu.memory_space<vmem>>, vector<1x16xf32>,
        %parallel_loop3A_666 = vector.shape_cast %parallel_loop3A_665 : vector<1x16xf32> to vector<16xf32>
        %parallel_loop3A_667 = arith.addf %parallel_loop3A_660, %parallel_loop3A_666 : vector<16xf32>
        %parallel_loop3A_668 = arith.index_cast %parallel_loop3A_112 : i32 to index
        %parallel_loop3A_669 = arith.constant 544 : index
        %parallel_loop3A_670 = tpu.vector_load %arg8[%parallel_loop3A_668, %parallel_loop3A_669] {strides = array<i32>} : memref<32x768xf32, #tpu.memory_space<vmem>>, vector<1x16xf32>,
        %parallel_loop3A_671 = vector.shape_cast %parallel_loop3A_670 : vector<1x16xf32> to vector<16xf32>
        %parallel_loop3A_672 = vector.shape_cast %parallel_loop3A_667 : vector<16xf32> to vector<1x16xf32>
        tpu.vector_store %arg8[%parallel_loop3A_668, %parallel_loop3A_669], %parallel_loop3A_672 {strides = array<i32>} : memref<32x768xf32, #tpu.memory_space<vmem>>, vector<1x16xf32>,
        %parallel_loop3A_673 = arith.index_cast %parallel_loop3A_112 : i32 to index
        %parallel_loop3A_674 = arith.constant 560 : index
        %parallel_loop3A_675 = tpu.vector_load %arg6[%parallel_loop3A_673, %parallel_loop3A_674] {strides = array<i32>} : memref<32x768xf32, #tpu.memory_space<vmem>>, vector<1x16xf32>,
        %parallel_loop3A_676 = vector.shape_cast %parallel_loop3A_675 : vector<1x16xf32> to vector<16xf32>
        %parallel_loop3A_677 = arith.constant 0 : i32
        %parallel_loop3A_678 = arith.addi %parallel_loop3A_677, %parallel_loop3A_112 : i32
        %parallel_loop3A_679 = arith.index_cast %parallel_loop3A_678 : i32 to index
        %parallel_loop3A_680 = arith.constant 560 : index
        %parallel_loop3A_681 = tpu.vector_load %arg5[%parallel_loop3A_679, %parallel_loop3A_680] {strides = array<i32>} : memref<32x768xf32, #tpu.memory_space<vmem>>, vector<1x16xf32>,
        %parallel_loop3A_682 = vector.shape_cast %parallel_loop3A_681 : vector<1x16xf32> to vector<16xf32>
        %parallel_loop3A_683 = arith.addf %parallel_loop3A_676, %parallel_loop3A_682 : vector<16xf32>
        %parallel_loop3A_684 = arith.index_cast %parallel_loop3A_112 : i32 to index
        %parallel_loop3A_685 = arith.constant 560 : index
        %parallel_loop3A_686 = tpu.vector_load %arg8[%parallel_loop3A_684, %parallel_loop3A_685] {strides = array<i32>} : memref<32x768xf32, #tpu.memory_space<vmem>>, vector<1x16xf32>,
        %parallel_loop3A_687 = vector.shape_cast %parallel_loop3A_686 : vector<1x16xf32> to vector<16xf32>
        %parallel_loop3A_688 = vector.shape_cast %parallel_loop3A_683 : vector<16xf32> to vector<1x16xf32>
        tpu.vector_store %arg8[%parallel_loop3A_684, %parallel_loop3A_685], %parallel_loop3A_688 {strides = array<i32>} : memref<32x768xf32, #tpu.memory_space<vmem>>, vector<1x16xf32>,
        %parallel_loop3A_689 = arith.index_cast %parallel_loop3A_112 : i32 to index
        %parallel_loop3A_690 = arith.constant 576 : index
        %parallel_loop3A_691 = tpu.vector_load %arg6[%parallel_loop3A_689, %parallel_loop3A_690] {strides = array<i32>} : memref<32x768xf32, #tpu.memory_space<vmem>>, vector<1x16xf32>,
        %parallel_loop3A_692 = vector.shape_cast %parallel_loop3A_691 : vector<1x16xf32> to vector<16xf32>
        %parallel_loop3A_693 = arith.constant 0 : i32
        %parallel_loop3A_694 = arith.addi %parallel_loop3A_693, %parallel_loop3A_112 : i32
        %parallel_loop3A_695 = arith.index_cast %parallel_loop3A_694 : i32 to index
        %parallel_loop3A_696 = arith.constant 576 : index
        %parallel_loop3A_697 = tpu.vector_load %arg5[%parallel_loop3A_695, %parallel_loop3A_696] {strides = array<i32>} : memref<32x768xf32, #tpu.memory_space<vmem>>, vector<1x16xf32>,
        %parallel_loop3A_698 = vector.shape_cast %parallel_loop3A_697 : vector<1x16xf32> to vector<16xf32>
        %parallel_loop3A_699 = arith.addf %parallel_loop3A_692, %parallel_loop3A_698 : vector<16xf32>
        %parallel_loop3A_700 = arith.index_cast %parallel_loop3A_112 : i32 to index
        %parallel_loop3A_701 = arith.constant 576 : index
        %parallel_loop3A_702 = tpu.vector_load %arg8[%parallel_loop3A_700, %parallel_loop3A_701] {strides = array<i32>} : memref<32x768xf32, #tpu.memory_space<vmem>>, vector<1x16xf32>,
        %parallel_loop3A_703 = vector.shape_cast %parallel_loop3A_702 : vector<1x16xf32> to vector<16xf32>
        %parallel_loop3A_704 = vector.shape_cast %parallel_loop3A_699 : vector<16xf32> to vector<1x16xf32>
        tpu.vector_store %arg8[%parallel_loop3A_700, %parallel_loop3A_701], %parallel_loop3A_704 {strides = array<i32>} : memref<32x768xf32, #tpu.memory_space<vmem>>, vector<1x16xf32>,
        %parallel_loop3A_705 = arith.index_cast %parallel_loop3A_112 : i32 to index
        %parallel_loop3A_706 = arith.constant 592 : index
        %parallel_loop3A_707 = tpu.vector_load %arg6[%parallel_loop3A_705, %parallel_loop3A_706] {strides = array<i32>} : memref<32x768xf32, #tpu.memory_space<vmem>>, vector<1x16xf32>,
        %parallel_loop3A_708 = vector.shape_cast %parallel_loop3A_707 : vector<1x16xf32> to vector<16xf32>
        %parallel_loop3A_709 = arith.constant 0 : i32
        %parallel_loop3A_710 = arith.addi %parallel_loop3A_709, %parallel_loop3A_112 : i32
        %parallel_loop3A_711 = arith.index_cast %parallel_loop3A_710 : i32 to index
        %parallel_loop3A_712 = arith.constant 592 : index
        %parallel_loop3A_713 = tpu.vector_load %arg5[%parallel_loop3A_711, %parallel_loop3A_712] {strides = array<i32>} : memref<32x768xf32, #tpu.memory_space<vmem>>, vector<1x16xf32>,
        %parallel_loop3A_714 = vector.shape_cast %parallel_loop3A_713 : vector<1x16xf32> to vector<16xf32>
        %parallel_loop3A_715 = arith.addf %parallel_loop3A_708, %parallel_loop3A_714 : vector<16xf32>
        %parallel_loop3A_716 = arith.index_cast %parallel_loop3A_112 : i32 to index
        %parallel_loop3A_717 = arith.constant 592 : index
        %parallel_loop3A_718 = tpu.vector_load %arg8[%parallel_loop3A_716, %parallel_loop3A_717] {strides = array<i32>} : memref<32x768xf32, #tpu.memory_space<vmem>>, vector<1x16xf32>,
        %parallel_loop3A_719 = vector.shape_cast %parallel_loop3A_718 : vector<1x16xf32> to vector<16xf32>
        %parallel_loop3A_720 = vector.shape_cast %parallel_loop3A_715 : vector<16xf32> to vector<1x16xf32>
        tpu.vector_store %arg8[%parallel_loop3A_716, %parallel_loop3A_717], %parallel_loop3A_720 {strides = array<i32>} : memref<32x768xf32, #tpu.memory_space<vmem>>, vector<1x16xf32>,
        %parallel_loop3A_721 = arith.index_cast %parallel_loop3A_112 : i32 to index
        %parallel_loop3A_722 = arith.constant 608 : index
        %parallel_loop3A_723 = tpu.vector_load %arg6[%parallel_loop3A_721, %parallel_loop3A_722] {strides = array<i32>} : memref<32x768xf32, #tpu.memory_space<vmem>>, vector<1x16xf32>,
        %parallel_loop3A_724 = vector.shape_cast %parallel_loop3A_723 : vector<1x16xf32> to vector<16xf32>
        %parallel_loop3A_725 = arith.constant 0 : i32
        %parallel_loop3A_726 = arith.addi %parallel_loop3A_725, %parallel_loop3A_112 : i32
        %parallel_loop3A_727 = arith.index_cast %parallel_loop3A_726 : i32 to index
        %parallel_loop3A_728 = arith.constant 608 : index
        %parallel_loop3A_729 = tpu.vector_load %arg5[%parallel_loop3A_727, %parallel_loop3A_728] {strides = array<i32>} : memref<32x768xf32, #tpu.memory_space<vmem>>, vector<1x16xf32>,
        %parallel_loop3A_730 = vector.shape_cast %parallel_loop3A_729 : vector<1x16xf32> to vector<16xf32>
        %parallel_loop3A_731 = arith.addf %parallel_loop3A_724, %parallel_loop3A_730 : vector<16xf32>
        %parallel_loop3A_732 = arith.index_cast %parallel_loop3A_112 : i32 to index
        %parallel_loop3A_733 = arith.constant 608 : index
        %parallel_loop3A_734 = tpu.vector_load %arg8[%parallel_loop3A_732, %parallel_loop3A_733] {strides = array<i32>} : memref<32x768xf32, #tpu.memory_space<vmem>>, vector<1x16xf32>,
        %parallel_loop3A_735 = vector.shape_cast %parallel_loop3A_734 : vector<1x16xf32> to vector<16xf32>
        %parallel_loop3A_736 = vector.shape_cast %parallel_loop3A_731 : vector<16xf32> to vector<1x16xf32>
        tpu.vector_store %arg8[%parallel_loop3A_732, %parallel_loop3A_733], %parallel_loop3A_736 {strides = array<i32>} : memref<32x768xf32, #tpu.memory_space<vmem>>, vector<1x16xf32>,
        %parallel_loop3A_737 = arith.index_cast %parallel_loop3A_112 : i32 to index
        %parallel_loop3A_738 = arith.constant 624 : index
        %parallel_loop3A_739 = tpu.vector_load %arg6[%parallel_loop3A_737, %parallel_loop3A_738] {strides = array<i32>} : memref<32x768xf32, #tpu.memory_space<vmem>>, vector<1x16xf32>,
        %parallel_loop3A_740 = vector.shape_cast %parallel_loop3A_739 : vector<1x16xf32> to vector<16xf32>
        %parallel_loop3A_741 = arith.constant 0 : i32
        %parallel_loop3A_742 = arith.addi %parallel_loop3A_741, %parallel_loop3A_112 : i32
        %parallel_loop3A_743 = arith.index_cast %parallel_loop3A_742 : i32 to index
        %parallel_loop3A_744 = arith.constant 624 : index
        %parallel_loop3A_745 = tpu.vector_load %arg5[%parallel_loop3A_743, %parallel_loop3A_744] {strides = array<i32>} : memref<32x768xf32, #tpu.memory_space<vmem>>, vector<1x16xf32>,
        %parallel_loop3A_746 = vector.shape_cast %parallel_loop3A_745 : vector<1x16xf32> to vector<16xf32>
        %parallel_loop3A_747 = arith.addf %parallel_loop3A_740, %parallel_loop3A_746 : vector<16xf32>
        %parallel_loop3A_748 = arith.index_cast %parallel_loop3A_112 : i32 to index
        %parallel_loop3A_749 = arith.constant 624 : index
        %parallel_loop3A_750 = tpu.vector_load %arg8[%parallel_loop3A_748, %parallel_loop3A_749] {strides = array<i32>} : memref<32x768xf32, #tpu.memory_space<vmem>>, vector<1x16xf32>,
        %parallel_loop3A_751 = vector.shape_cast %parallel_loop3A_750 : vector<1x16xf32> to vector<16xf32>
        %parallel_loop3A_752 = vector.shape_cast %parallel_loop3A_747 : vector<16xf32> to vector<1x16xf32>
        tpu.vector_store %arg8[%parallel_loop3A_748, %parallel_loop3A_749], %parallel_loop3A_752 {strides = array<i32>} : memref<32x768xf32, #tpu.memory_space<vmem>>, vector<1x16xf32>,
        %parallel_loop3A_753 = arith.index_cast %parallel_loop3A_112 : i32 to index
        %parallel_loop3A_754 = arith.constant 640 : index
        %parallel_loop3A_755 = tpu.vector_load %arg6[%parallel_loop3A_753, %parallel_loop3A_754] {strides = array<i32>} : memref<32x768xf32, #tpu.memory_space<vmem>>, vector<1x16xf32>,
        %parallel_loop3A_756 = vector.shape_cast %parallel_loop3A_755 : vector<1x16xf32> to vector<16xf32>
        %parallel_loop3A_757 = arith.constant 0 : i32
        %parallel_loop3A_758 = arith.addi %parallel_loop3A_757, %parallel_loop3A_112 : i32
        %parallel_loop3A_759 = arith.index_cast %parallel_loop3A_758 : i32 to index
        %parallel_loop3A_760 = arith.constant 640 : index
        %parallel_loop3A_761 = tpu.vector_load %arg5[%parallel_loop3A_759, %parallel_loop3A_760] {strides = array<i32>} : memref<32x768xf32, #tpu.memory_space<vmem>>, vector<1x16xf32>,
        %parallel_loop3A_762 = vector.shape_cast %parallel_loop3A_761 : vector<1x16xf32> to vector<16xf32>
        %parallel_loop3A_763 = arith.addf %parallel_loop3A_756, %parallel_loop3A_762 : vector<16xf32>
        %parallel_loop3A_764 = arith.index_cast %parallel_loop3A_112 : i32 to index
        %parallel_loop3A_765 = arith.constant 640 : index
        %parallel_loop3A_766 = tpu.vector_load %arg8[%parallel_loop3A_764, %parallel_loop3A_765] {strides = array<i32>} : memref<32x768xf32, #tpu.memory_space<vmem>>, vector<1x16xf32>,
        %parallel_loop3A_767 = vector.shape_cast %parallel_loop3A_766 : vector<1x16xf32> to vector<16xf32>
        %parallel_loop3A_768 = vector.shape_cast %parallel_loop3A_763 : vector<16xf32> to vector<1x16xf32>
        tpu.vector_store %arg8[%parallel_loop3A_764, %parallel_loop3A_765], %parallel_loop3A_768 {strides = array<i32>} : memref<32x768xf32, #tpu.memory_space<vmem>>, vector<1x16xf32>,
        %parallel_loop3A_769 = arith.index_cast %parallel_loop3A_112 : i32 to index
        %parallel_loop3A_770 = arith.constant 656 : index
        %parallel_loop3A_771 = tpu.vector_load %arg6[%parallel_loop3A_769, %parallel_loop3A_770] {strides = array<i32>} : memref<32x768xf32, #tpu.memory_space<vmem>>, vector<1x16xf32>,
        %parallel_loop3A_772 = vector.shape_cast %parallel_loop3A_771 : vector<1x16xf32> to vector<16xf32>
        %parallel_loop3A_773 = arith.constant 0 : i32
        %parallel_loop3A_774 = arith.addi %parallel_loop3A_773, %parallel_loop3A_112 : i32
        %parallel_loop3A_775 = arith.index_cast %parallel_loop3A_774 : i32 to index
        %parallel_loop3A_776 = arith.constant 656 : index
        %parallel_loop3A_777 = tpu.vector_load %arg5[%parallel_loop3A_775, %parallel_loop3A_776] {strides = array<i32>} : memref<32x768xf32, #tpu.memory_space<vmem>>, vector<1x16xf32>,
        %parallel_loop3A_778 = vector.shape_cast %parallel_loop3A_777 : vector<1x16xf32> to vector<16xf32>
        %parallel_loop3A_779 = arith.addf %parallel_loop3A_772, %parallel_loop3A_778 : vector<16xf32>
        %parallel_loop3A_780 = arith.index_cast %parallel_loop3A_112 : i32 to index
        %parallel_loop3A_781 = arith.constant 656 : index
        %parallel_loop3A_782 = tpu.vector_load %arg8[%parallel_loop3A_780, %parallel_loop3A_781] {strides = array<i32>} : memref<32x768xf32, #tpu.memory_space<vmem>>, vector<1x16xf32>,
        %parallel_loop3A_783 = vector.shape_cast %parallel_loop3A_782 : vector<1x16xf32> to vector<16xf32>
        %parallel_loop3A_784 = vector.shape_cast %parallel_loop3A_779 : vector<16xf32> to vector<1x16xf32>
        tpu.vector_store %arg8[%parallel_loop3A_780, %parallel_loop3A_781], %parallel_loop3A_784 {strides = array<i32>} : memref<32x768xf32, #tpu.memory_space<vmem>>, vector<1x16xf32>,
        %parallel_loop3A_785 = arith.index_cast %parallel_loop3A_112 : i32 to index
        %parallel_loop3A_786 = arith.constant 672 : index
        %parallel_loop3A_787 = tpu.vector_load %arg6[%parallel_loop3A_785, %parallel_loop3A_786] {strides = array<i32>} : memref<32x768xf32, #tpu.memory_space<vmem>>, vector<1x16xf32>,
        %parallel_loop3A_788 = vector.shape_cast %parallel_loop3A_787 : vector<1x16xf32> to vector<16xf32>
        %parallel_loop3A_789 = arith.constant 0 : i32
        %parallel_loop3A_790 = arith.addi %parallel_loop3A_789, %parallel_loop3A_112 : i32
        %parallel_loop3A_791 = arith.index_cast %parallel_loop3A_790 : i32 to index
        %parallel_loop3A_792 = arith.constant 672 : index
        %parallel_loop3A_793 = tpu.vector_load %arg5[%parallel_loop3A_791, %parallel_loop3A_792] {strides = array<i32>} : memref<32x768xf32, #tpu.memory_space<vmem>>, vector<1x16xf32>,
        %parallel_loop3A_794 = vector.shape_cast %parallel_loop3A_793 : vector<1x16xf32> to vector<16xf32>
        %parallel_loop3A_795 = arith.addf %parallel_loop3A_788, %parallel_loop3A_794 : vector<16xf32>
        %parallel_loop3A_796 = arith.index_cast %parallel_loop3A_112 : i32 to index
        %parallel_loop3A_797 = arith.constant 672 : index
        %parallel_loop3A_798 = tpu.vector_load %arg8[%parallel_loop3A_796, %parallel_loop3A_797] {strides = array<i32>} : memref<32x768xf32, #tpu.memory_space<vmem>>, vector<1x16xf32>,
        %parallel_loop3A_799 = vector.shape_cast %parallel_loop3A_798 : vector<1x16xf32> to vector<16xf32>
        %parallel_loop3A_800 = vector.shape_cast %parallel_loop3A_795 : vector<16xf32> to vector<1x16xf32>
        tpu.vector_store %arg8[%parallel_loop3A_796, %parallel_loop3A_797], %parallel_loop3A_800 {strides = array<i32>} : memref<32x768xf32, #tpu.memory_space<vmem>>, vector<1x16xf32>,
        %parallel_loop3A_801 = arith.index_cast %parallel_loop3A_112 : i32 to index
        %parallel_loop3A_802 = arith.constant 688 : index
        %parallel_loop3A_803 = tpu.vector_load %arg6[%parallel_loop3A_801, %parallel_loop3A_802] {strides = array<i32>} : memref<32x768xf32, #tpu.memory_space<vmem>>, vector<1x16xf32>,
        %parallel_loop3A_804 = vector.shape_cast %parallel_loop3A_803 : vector<1x16xf32> to vector<16xf32>
        %parallel_loop3A_805 = arith.constant 0 : i32
        %parallel_loop3A_806 = arith.addi %parallel_loop3A_805, %parallel_loop3A_112 : i32
        %parallel_loop3A_807 = arith.index_cast %parallel_loop3A_806 : i32 to index
        %parallel_loop3A_808 = arith.constant 688 : index
        %parallel_loop3A_809 = tpu.vector_load %arg5[%parallel_loop3A_807, %parallel_loop3A_808] {strides = array<i32>} : memref<32x768xf32, #tpu.memory_space<vmem>>, vector<1x16xf32>,
        %parallel_loop3A_810 = vector.shape_cast %parallel_loop3A_809 : vector<1x16xf32> to vector<16xf32>
        %parallel_loop3A_811 = arith.addf %parallel_loop3A_804, %parallel_loop3A_810 : vector<16xf32>
        %parallel_loop3A_812 = arith.index_cast %parallel_loop3A_112 : i32 to index
        %parallel_loop3A_813 = arith.constant 688 : index
        %parallel_loop3A_814 = tpu.vector_load %arg8[%parallel_loop3A_812, %parallel_loop3A_813] {strides = array<i32>} : memref<32x768xf32, #tpu.memory_space<vmem>>, vector<1x16xf32>,
        %parallel_loop3A_815 = vector.shape_cast %parallel_loop3A_814 : vector<1x16xf32> to vector<16xf32>
        %parallel_loop3A_816 = vector.shape_cast %parallel_loop3A_811 : vector<16xf32> to vector<1x16xf32>
        tpu.vector_store %arg8[%parallel_loop3A_812, %parallel_loop3A_813], %parallel_loop3A_816 {strides = array<i32>} : memref<32x768xf32, #tpu.memory_space<vmem>>, vector<1x16xf32>,
        %parallel_loop3A_817 = arith.index_cast %parallel_loop3A_112 : i32 to index
        %parallel_loop3A_818 = arith.constant 704 : index
        %parallel_loop3A_819 = tpu.vector_load %arg6[%parallel_loop3A_817, %parallel_loop3A_818] {strides = array<i32>} : memref<32x768xf32, #tpu.memory_space<vmem>>, vector<1x16xf32>,
        %parallel_loop3A_820 = vector.shape_cast %parallel_loop3A_819 : vector<1x16xf32> to vector<16xf32>
        %parallel_loop3A_821 = arith.constant 0 : i32
        %parallel_loop3A_822 = arith.addi %parallel_loop3A_821, %parallel_loop3A_112 : i32
        %parallel_loop3A_823 = arith.index_cast %parallel_loop3A_822 : i32 to index
        %parallel_loop3A_824 = arith.constant 704 : index
        %parallel_loop3A_825 = tpu.vector_load %arg5[%parallel_loop3A_823, %parallel_loop3A_824] {strides = array<i32>} : memref<32x768xf32, #tpu.memory_space<vmem>>, vector<1x16xf32>,
        %parallel_loop3A_826 = vector.shape_cast %parallel_loop3A_825 : vector<1x16xf32> to vector<16xf32>
        %parallel_loop3A_827 = arith.addf %parallel_loop3A_820, %parallel_loop3A_826 : vector<16xf32>
        %parallel_loop3A_828 = arith.index_cast %parallel_loop3A_112 : i32 to index
        %parallel_loop3A_829 = arith.constant 704 : index
        %parallel_loop3A_830 = tpu.vector_load %arg8[%parallel_loop3A_828, %parallel_loop3A_829] {strides = array<i32>} : memref<32x768xf32, #tpu.memory_space<vmem>>, vector<1x16xf32>,
        %parallel_loop3A_831 = vector.shape_cast %parallel_loop3A_830 : vector<1x16xf32> to vector<16xf32>
        %parallel_loop3A_832 = vector.shape_cast %parallel_loop3A_827 : vector<16xf32> to vector<1x16xf32>
        tpu.vector_store %arg8[%parallel_loop3A_828, %parallel_loop3A_829], %parallel_loop3A_832 {strides = array<i32>} : memref<32x768xf32, #tpu.memory_space<vmem>>, vector<1x16xf32>,
        %parallel_loop3A_833 = arith.index_cast %parallel_loop3A_112 : i32 to index
        %parallel_loop3A_834 = arith.constant 720 : index
        %parallel_loop3A_835 = tpu.vector_load %arg6[%parallel_loop3A_833, %parallel_loop3A_834] {strides = array<i32>} : memref<32x768xf32, #tpu.memory_space<vmem>>, vector<1x16xf32>,
        %parallel_loop3A_836 = vector.shape_cast %parallel_loop3A_835 : vector<1x16xf32> to vector<16xf32>
        %parallel_loop3A_837 = arith.constant 0 : i32
        %parallel_loop3A_838 = arith.addi %parallel_loop3A_837, %parallel_loop3A_112 : i32
        %parallel_loop3A_839 = arith.index_cast %parallel_loop3A_838 : i32 to index
        %parallel_loop3A_840 = arith.constant 720 : index
        %parallel_loop3A_841 = tpu.vector_load %arg5[%parallel_loop3A_839, %parallel_loop3A_840] {strides = array<i32>} : memref<32x768xf32, #tpu.memory_space<vmem>>, vector<1x16xf32>,
        %parallel_loop3A_842 = vector.shape_cast %parallel_loop3A_841 : vector<1x16xf32> to vector<16xf32>
        %parallel_loop3A_843 = arith.addf %parallel_loop3A_836, %parallel_loop3A_842 : vector<16xf32>
        %parallel_loop3A_844 = arith.index_cast %parallel_loop3A_112 : i32 to index
        %parallel_loop3A_845 = arith.constant 720 : index
        %parallel_loop3A_846 = tpu.vector_load %arg8[%parallel_loop3A_844, %parallel_loop3A_845] {strides = array<i32>} : memref<32x768xf32, #tpu.memory_space<vmem>>, vector<1x16xf32>,
        %parallel_loop3A_847 = vector.shape_cast %parallel_loop3A_846 : vector<1x16xf32> to vector<16xf32>
        %parallel_loop3A_848 = vector.shape_cast %parallel_loop3A_843 : vector<16xf32> to vector<1x16xf32>
        tpu.vector_store %arg8[%parallel_loop3A_844, %parallel_loop3A_845], %parallel_loop3A_848 {strides = array<i32>} : memref<32x768xf32, #tpu.memory_space<vmem>>, vector<1x16xf32>,
        %parallel_loop3A_849 = arith.index_cast %parallel_loop3A_112 : i32 to index
        %parallel_loop3A_850 = arith.constant 736 : index
        %parallel_loop3A_851 = tpu.vector_load %arg6[%parallel_loop3A_849, %parallel_loop3A_850] {strides = array<i32>} : memref<32x768xf32, #tpu.memory_space<vmem>>, vector<1x16xf32>,
        %parallel_loop3A_852 = vector.shape_cast %parallel_loop3A_851 : vector<1x16xf32> to vector<16xf32>
        %parallel_loop3A_853 = arith.constant 0 : i32
        %parallel_loop3A_854 = arith.addi %parallel_loop3A_853, %parallel_loop3A_112 : i32
        %parallel_loop3A_855 = arith.index_cast %parallel_loop3A_854 : i32 to index
        %parallel_loop3A_856 = arith.constant 736 : index
        %parallel_loop3A_857 = tpu.vector_load %arg5[%parallel_loop3A_855, %parallel_loop3A_856] {strides = array<i32>} : memref<32x768xf32, #tpu.memory_space<vmem>>, vector<1x16xf32>,
        %parallel_loop3A_858 = vector.shape_cast %parallel_loop3A_857 : vector<1x16xf32> to vector<16xf32>
        %parallel_loop3A_859 = arith.addf %parallel_loop3A_852, %parallel_loop3A_858 : vector<16xf32>
        %parallel_loop3A_860 = arith.index_cast %parallel_loop3A_112 : i32 to index
        %parallel_loop3A_861 = arith.constant 736 : index
        %parallel_loop3A_862 = tpu.vector_load %arg8[%parallel_loop3A_860, %parallel_loop3A_861] {strides = array<i32>} : memref<32x768xf32, #tpu.memory_space<vmem>>, vector<1x16xf32>,
        %parallel_loop3A_863 = vector.shape_cast %parallel_loop3A_862 : vector<1x16xf32> to vector<16xf32>
        %parallel_loop3A_864 = vector.shape_cast %parallel_loop3A_859 : vector<16xf32> to vector<1x16xf32>
        tpu.vector_store %arg8[%parallel_loop3A_860, %parallel_loop3A_861], %parallel_loop3A_864 {strides = array<i32>} : memref<32x768xf32, #tpu.memory_space<vmem>>, vector<1x16xf32>,
        %parallel_loop3A_865 = arith.index_cast %parallel_loop3A_112 : i32 to index
        %parallel_loop3A_866 = arith.constant 752 : index
        %parallel_loop3A_867 = tpu.vector_load %arg6[%parallel_loop3A_865, %parallel_loop3A_866] {strides = array<i32>} : memref<32x768xf32, #tpu.memory_space<vmem>>, vector<1x16xf32>,
        %parallel_loop3A_868 = vector.shape_cast %parallel_loop3A_867 : vector<1x16xf32> to vector<16xf32>
        %parallel_loop3A_869 = arith.constant 0 : i32
        %parallel_loop3A_870 = arith.addi %parallel_loop3A_869, %parallel_loop3A_112 : i32
        %parallel_loop3A_871 = arith.index_cast %parallel_loop3A_870 : i32 to index
        %parallel_loop3A_872 = arith.constant 752 : index
        %parallel_loop3A_873 = tpu.vector_load %arg5[%parallel_loop3A_871, %parallel_loop3A_872] {strides = array<i32>} : memref<32x768xf32, #tpu.memory_space<vmem>>, vector<1x16xf32>,
        %parallel_loop3A_874 = vector.shape_cast %parallel_loop3A_873 : vector<1x16xf32> to vector<16xf32>
        %parallel_loop3A_875 = arith.addf %parallel_loop3A_868, %parallel_loop3A_874 : vector<16xf32>
        %parallel_loop3A_876 = arith.index_cast %parallel_loop3A_112 : i32 to index
        %parallel_loop3A_877 = arith.constant 752 : index
        %parallel_loop3A_878 = tpu.vector_load %arg8[%parallel_loop3A_876, %parallel_loop3A_877] {strides = array<i32>} : memref<32x768xf32, #tpu.memory_space<vmem>>, vector<1x16xf32>,
        %parallel_loop3A_879 = vector.shape_cast %parallel_loop3A_878 : vector<1x16xf32> to vector<16xf32>
        %parallel_loop3A_880 = vector.shape_cast %parallel_loop3A_875 : vector<16xf32> to vector<1x16xf32>
        tpu.vector_store %arg8[%parallel_loop3A_876, %parallel_loop3A_877], %parallel_loop3A_880 {strides = array<i32>} : memref<32x768xf32, #tpu.memory_space<vmem>>, vector<1x16xf32>,
      } {sc.loop_unroll_factor = 1 : i64, sc.parallel_access}
      %dma_start3A_63 = arith.constant 0 : i32
      %dma_start3A_64 = tpu.memref_slice %arg4[%add3A_50, %add3A_52, %dma_start3A_63] : memref<64x1024x768xf32, #tpu.memory_space<hbm>> -> memref<1x32x768xf32, #tpu.memory_space<hbm>>
      %dma_start3A_65 = tpu.memref_squeeze %dma_start3A_64 : memref<1x32x768xf32, #tpu.memory_space<hbm>> -> memref<32x768xf32, #tpu.memory_space<hbm>>
      %dma_start3A_66 = arith.constant 0 : i32
      %dma_start3A_67 = tpu.memref_slice %arg4[%add3A_50, %add3A_52, %dma_start3A_66] : memref<64x1024x768xf32, #tpu.memory_space<hbm>> -> memref<1x32x768xf32, #tpu.memory_space<hbm>>
      %dma_start3A_68 = tpu.memref_squeeze %dma_start3A_67 : memref<1x32x768xf32, #tpu.memory_space<hbm>> -> memref<32x768xf32, #tpu.memory_space<hbm>>
      tpu.enqueue_dma source(%arg8 : memref<32x768xf32, #tpu.memory_space<vmem>>) target(%dma_start3A_68 : memref<32x768xf32, #tpu.memory_space<hbm>>) target_semaphore(%arg12 : memref<!tpu.dma_semaphore, #tpu.memory_space<semaphore_mem>>)
      %add3A_69 = arith.constant 2 : i32
      %add3A_70 = arith.addi %add3A_46, %add3A_69 : i32
      %lt3A = arith.constant 64 : i32
      %lt3A_71 = arith.cmpi slt, %add3A_70, %lt3A : i32
      %convert_element_type3A_72 = arith.extui %lt3A_71 : i1 to i32
      %cond3A_73 = arith.constant 0 : i32
      %cond3A_74 = arith.cmpi ne, %convert_element_type3A_72, %cond3A_73 : i32
      scf.if %cond3A_74 {
        %add3A_112 = arith.constant 2 : i32
        %add3A_113 = arith.addi %add3A_50, %add3A_112 : i32
        %dma_start3A_114 = arith.constant 0 : i32
        %dma_start3A_115 = tpu.memref_slice %arg2[%add3A_113, %add3A_52, %dma_start3A_114] : memref<64x1024x768xf32, #tpu.memory_space<hbm>> -> memref<1x32x768xf32, #tpu.memory_space<hbm>>
        %dma_start3A_116 = tpu.memref_squeeze %dma_start3A_115 : memref<1x32x768xf32, #tpu.memory_space<hbm>> -> memref<32x768xf32, #tpu.memory_space<hbm>>
        %dma_start3A_117 = arith.constant 0 : i32
        %dma_start3A_118 = tpu.memref_slice %arg2[%add3A_113, %add3A_52, %dma_start3A_117] : memref<64x1024x768xf32, #tpu.memory_space<hbm>> -> memref<1x32x768xf32, #tpu.memory_space<hbm>>
        %dma_start3A_119 = tpu.memref_squeeze %dma_start3A_118 : memref<1x32x768xf32, #tpu.memory_space<hbm>> -> memref<32x768xf32, #tpu.memory_space<hbm>>
        tpu.enqueue_dma source(%dma_start3A_119 : memref<32x768xf32, #tpu.memory_space<hbm>>) target(%arg6 : memref<32x768xf32, #tpu.memory_space<vmem>>) target_semaphore(%arg10 : memref<!tpu.dma_semaphore, #tpu.memory_space<semaphore_mem>>)
      } else {
      }
      %mul3A_75 = arith.constant 2 : i32
      %mul3A_76 = arith.muli %scan3A_42, %mul3A_75 : i32
      %add3A_77 = arith.constant 1 : i32
      %add3A_78 = arith.addi %mul3A_76, %add3A_77 : i32
      %mul3A_79 = arith.constant 2 : i32
      %mul3A_80 = arith.muli %scan3A_42, %mul3A_79 : i32
      %add3A_81 = arith.constant 1 : i32
      %add3A_82 = arith.addi %mul3A_80, %add3A_81 : i32
      %add3A_83 = arith.constant 0 : i32
      %add3A_84 = arith.addi %mul3A_2, %add3A_83 : i32
      %dma_wait3A_85 = arith.constant 0 : i32
      %dma_wait3A_86 = tpu.memref_slice %arg2[%add3A_82, %add3A_84, %dma_wait3A_85] : memref<64x1024x768xf32, #tpu.memory_space<hbm>> -> memref<1x32x768xf32, #tpu.memory_space<hbm>>
      %dma_wait3A_87 = tpu.memref_squeeze %dma_wait3A_86 : memref<1x32x768xf32, #tpu.memory_space<hbm>> -> memref<32x768xf32, #tpu.memory_space<hbm>>
      %dma_wait3A_88 = arith.constant 0 : i32
      %dma_wait3A_89 = tpu.memref_slice %arg2[%add3A_82, %add3A_84, %dma_wait3A_88] : memref<64x1024x768xf32, #tpu.memory_space<hbm>> -> memref<1x32x768xf32, #tpu.memory_space<hbm>>
      %dma_wait3A_90 = tpu.memref_squeeze %dma_wait3A_89 : memref<1x32x768xf32, #tpu.memory_space<hbm>> -> memref<32x768xf32, #tpu.memory_space<hbm>>
      tpu.wait_dma2 semaphore(%arg11 : memref<!tpu.dma_semaphore, #tpu.memory_space<semaphore_mem>>) src(%dma_wait3A_90 : memref<32x768xf32, #tpu.memory_space<hbm>>) dst(%arg7 : memref<32x768xf32, #tpu.memory_space<vmem>>)
      %ge3A_91 = arith.constant 2 : i32
      %ge3A_92 = arith.cmpi sge, %add3A_78, %ge3A_91 : i32
      %convert_element_type3A_93 = arith.extui %ge3A_92 : i1 to i32
      %cond3A_94 = arith.constant 0 : i32
      %cond3A_95 = arith.cmpi ne, %convert_element_type3A_93, %cond3A_94 : i32
      scf.if %cond3A_95 {
        %dma_wait3A_112 = arith.constant 0 : i32
        %dma_wait3A_113 = tpu.memref_slice %arg4[%add3A_82, %add3A_84, %dma_wait3A_112] : memref<64x1024x768xf32, #tpu.memory_space<hbm>> -> memref<1x32x768xf32, #tpu.memory_space<hbm>>
        %dma_wait3A_114 = tpu.memref_squeeze %dma_wait3A_113 : memref<1x32x768xf32, #tpu.memory_space<hbm>> -> memref<32x768xf32, #tpu.memory_space<hbm>>
        %dma_wait3A_115 = arith.constant 0 : i32
        %dma_wait3A_116 = tpu.memref_slice %arg4[%add3A_82, %add3A_84, %dma_wait3A_115] : memref<64x1024x768xf32, #tpu.memory_space<hbm>> -> memref<1x32x768xf32, #tpu.memory_space<hbm>>
        %dma_wait3A_117 = tpu.memref_squeeze %dma_wait3A_116 : memref<1x32x768xf32, #tpu.memory_space<hbm>> -> memref<32x768xf32, #tpu.memory_space<hbm>>
        tpu.wait_dma2 semaphore(%arg13 : memref<!tpu.dma_semaphore, #tpu.memory_space<semaphore_mem>>) src(%arg9 : memref<32x768xf32, #tpu.memory_space<vmem>>) dst(%dma_wait3A_117 : memref<32x768xf32, #tpu.memory_space<hbm>>)
      } else {
      }
      %parallel_loop3A_96 = arith.constant 0 : i32
      %parallel_loop3A_97 = arith.constant 32 : i32
      %parallel_loop3A_98 = arith.constant 1 : i32
      scf.for %parallel_loop3A_112 = %parallel_loop3A_96 to %parallel_loop3A_97 step %parallel_loop3A_98  : i32 {
        %parallel_loop3A_113 = arith.index_cast %parallel_loop3A_112 : i32 to index
        %parallel_loop3A_114 = arith.constant 0 : index
        %parallel_loop3A_115 = tpu.vector_load %arg7[%parallel_loop3A_113, %parallel_loop3A_114] {strides = array<i32>} : memref<32x768xf32, #tpu.memory_space<vmem>>, vector<1x16xf32>,
        %parallel_loop3A_116 = vector.shape_cast %parallel_loop3A_115 : vector<1x16xf32> to vector<16xf32>
        %parallel_loop3A_117 = arith.constant 0 : i32
        %parallel_loop3A_118 = arith.addi %parallel_loop3A_117, %parallel_loop3A_112 : i32
        %parallel_loop3A_119 = arith.index_cast %parallel_loop3A_118 : i32 to index
        %parallel_loop3A_120 = arith.constant 0 : index
        %parallel_loop3A_121 = tpu.vector_load %arg5[%parallel_loop3A_119, %parallel_loop3A_120] {strides = array<i32>} : memref<32x768xf32, #tpu.memory_space<vmem>>, vector<1x16xf32>,
        %parallel_loop3A_122 = vector.shape_cast %parallel_loop3A_121 : vector<1x16xf32> to vector<16xf32>
        %parallel_loop3A_123 = arith.addf %parallel_loop3A_116, %parallel_loop3A_122 : vector<16xf32>
        %parallel_loop3A_124 = arith.index_cast %parallel_loop3A_112 : i32 to index
        %parallel_loop3A_125 = arith.constant 0 : index
        %parallel_loop3A_126 = tpu.vector_load %arg9[%parallel_loop3A_124, %parallel_loop3A_125] {strides = array<i32>} : memref<32x768xf32, #tpu.memory_space<vmem>>, vector<1x16xf32>,
        %parallel_loop3A_127 = vector.shape_cast %parallel_loop3A_126 : vector<1x16xf32> to vector<16xf32>
        %parallel_loop3A_128 = vector.shape_cast %parallel_loop3A_123 : vector<16xf32> to vector<1x16xf32>
        tpu.vector_store %arg9[%parallel_loop3A_124, %parallel_loop3A_125], %parallel_loop3A_128 {strides = array<i32>} : memref<32x768xf32, #tpu.memory_space<vmem>>, vector<1x16xf32>,
        %parallel_loop3A_129 = arith.index_cast %parallel_loop3A_112 : i32 to index
        %parallel_loop3A_130 = arith.constant 16 : index
        %parallel_loop3A_131 = tpu.vector_load %arg7[%parallel_loop3A_129, %parallel_loop3A_130] {strides = array<i32>} : memref<32x768xf32, #tpu.memory_space<vmem>>, vector<1x16xf32>,
        %parallel_loop3A_132 = vector.shape_cast %parallel_loop3A_131 : vector<1x16xf32> to vector<16xf32>
        %parallel_loop3A_133 = arith.constant 0 : i32
        %parallel_loop3A_134 = arith.addi %parallel_loop3A_133, %parallel_loop3A_112 : i32
        %parallel_loop3A_135 = arith.index_cast %parallel_loop3A_134 : i32 to index
        %parallel_loop3A_136 = arith.constant 16 : index
        %parallel_loop3A_137 = tpu.vector_load %arg5[%parallel_loop3A_135, %parallel_loop3A_136] {strides = array<i32>} : memref<32x768xf32, #tpu.memory_space<vmem>>, vector<1x16xf32>,
        %parallel_loop3A_138 = vector.shape_cast %parallel_loop3A_137 : vector<1x16xf32> to vector<16xf32>
        %parallel_loop3A_139 = arith.addf %parallel_loop3A_132, %parallel_loop3A_138 : vector<16xf32>
        %parallel_loop3A_140 = arith.index_cast %parallel_loop3A_112 : i32 to index
        %parallel_loop3A_141 = arith.constant 16 : index
        %parallel_loop3A_142 = tpu.vector_load %arg9[%parallel_loop3A_140, %parallel_loop3A_141] {strides = array<i32>} : memref<32x768xf32, #tpu.memory_space<vmem>>, vector<1x16xf32>,
        %parallel_loop3A_143 = vector.shape_cast %parallel_loop3A_142 : vector<1x16xf32> to vector<16xf32>
        %parallel_loop3A_144 = vector.shape_cast %parallel_loop3A_139 : vector<16xf32> to vector<1x16xf32>
        tpu.vector_store %arg9[%parallel_loop3A_140, %parallel_loop3A_141], %parallel_loop3A_144 {strides = array<i32>} : memref<32x768xf32, #tpu.memory_space<vmem>>, vector<1x16xf32>,
        %parallel_loop3A_145 = arith.index_cast %parallel_loop3A_112 : i32 to index
        %parallel_loop3A_146 = arith.constant 32 : index
        %parallel_loop3A_147 = tpu.vector_load %arg7[%parallel_loop3A_145, %parallel_loop3A_146] {strides = array<i32>} : memref<32x768xf32, #tpu.memory_space<vmem>>, vector<1x16xf32>,
        %parallel_loop3A_148 = vector.shape_cast %parallel_loop3A_147 : vector<1x16xf32> to vector<16xf32>
        %parallel_loop3A_149 = arith.constant 0 : i32
        %parallel_loop3A_150 = arith.addi %parallel_loop3A_149, %parallel_loop3A_112 : i32
        %parallel_loop3A_151 = arith.index_cast %parallel_loop3A_150 : i32 to index
        %parallel_loop3A_152 = arith.constant 32 : index
        %parallel_loop3A_153 = tpu.vector_load %arg5[%parallel_loop3A_151, %parallel_loop3A_152] {strides = array<i32>} : memref<32x768xf32, #tpu.memory_space<vmem>>, vector<1x16xf32>,
        %parallel_loop3A_154 = vector.shape_cast %parallel_loop3A_153 : vector<1x16xf32> to vector<16xf32>
        %parallel_loop3A_155 = arith.addf %parallel_loop3A_148, %parallel_loop3A_154 : vector<16xf32>
        %parallel_loop3A_156 = arith.index_cast %parallel_loop3A_112 : i32 to index
        %parallel_loop3A_157 = arith.constant 32 : index
        %parallel_loop3A_158 = tpu.vector_load %arg9[%parallel_loop3A_156, %parallel_loop3A_157] {strides = array<i32>} : memref<32x768xf32, #tpu.memory_space<vmem>>, vector<1x16xf32>,
        %parallel_loop3A_159 = vector.shape_cast %parallel_loop3A_158 : vector<1x16xf32> to vector<16xf32>
        %parallel_loop3A_160 = vector.shape_cast %parallel_loop3A_155 : vector<16xf32> to vector<1x16xf32>
        tpu.vector_store %arg9[%parallel_loop3A_156, %parallel_loop3A_157], %parallel_loop3A_160 {strides = array<i32>} : memref<32x768xf32, #tpu.memory_space<vmem>>, vector<1x16xf32>,
        %parallel_loop3A_161 = arith.index_cast %parallel_loop3A_112 : i32 to index
        %parallel_loop3A_162 = arith.constant 48 : index
        %parallel_loop3A_163 = tpu.vector_load %arg7[%parallel_loop3A_161, %parallel_loop3A_162] {strides = array<i32>} : memref<32x768xf32, #tpu.memory_space<vmem>>, vector<1x16xf32>,
        %parallel_loop3A_164 = vector.shape_cast %parallel_loop3A_163 : vector<1x16xf32> to vector<16xf32>
        %parallel_loop3A_165 = arith.constant 0 : i32
        %parallel_loop3A_166 = arith.addi %parallel_loop3A_165, %parallel_loop3A_112 : i32
        %parallel_loop3A_167 = arith.index_cast %parallel_loop3A_166 : i32 to index
        %parallel_loop3A_168 = arith.constant 48 : index
        %parallel_loop3A_169 = tpu.vector_load %arg5[%parallel_loop3A_167, %parallel_loop3A_168] {strides = array<i32>} : memref<32x768xf32, #tpu.memory_space<vmem>>, vector<1x16xf32>,
        %parallel_loop3A_170 = vector.shape_cast %parallel_loop3A_169 : vector<1x16xf32> to vector<16xf32>
        %parallel_loop3A_171 = arith.addf %parallel_loop3A_164, %parallel_loop3A_170 : vector<16xf32>
        %parallel_loop3A_172 = arith.index_cast %parallel_loop3A_112 : i32 to index
        %parallel_loop3A_173 = arith.constant 48 : index
        %parallel_loop3A_174 = tpu.vector_load %arg9[%parallel_loop3A_172, %parallel_loop3A_173] {strides = array<i32>} : memref<32x768xf32, #tpu.memory_space<vmem>>, vector<1x16xf32>,
        %parallel_loop3A_175 = vector.shape_cast %parallel_loop3A_174 : vector<1x16xf32> to vector<16xf32>
        %parallel_loop3A_176 = vector.shape_cast %parallel_loop3A_171 : vector<16xf32> to vector<1x16xf32>
        tpu.vector_store %arg9[%parallel_loop3A_172, %parallel_loop3A_173], %parallel_loop3A_176 {strides = array<i32>} : memref<32x768xf32, #tpu.memory_space<vmem>>, vector<1x16xf32>,
        %parallel_loop3A_177 = arith.index_cast %parallel_loop3A_112 : i32 to index
        %parallel_loop3A_178 = arith.constant 64 : index
        %parallel_loop3A_179 = tpu.vector_load %arg7[%parallel_loop3A_177, %parallel_loop3A_178] {strides = array<i32>} : memref<32x768xf32, #tpu.memory_space<vmem>>, vector<1x16xf32>,
        %parallel_loop3A_180 = vector.shape_cast %parallel_loop3A_179 : vector<1x16xf32> to vector<16xf32>
        %parallel_loop3A_181 = arith.constant 0 : i32
        %parallel_loop3A_182 = arith.addi %parallel_loop3A_181, %parallel_loop3A_112 : i32
        %parallel_loop3A_183 = arith.index_cast %parallel_loop3A_182 : i32 to index
        %parallel_loop3A_184 = arith.constant 64 : index
        %parallel_loop3A_185 = tpu.vector_load %arg5[%parallel_loop3A_183, %parallel_loop3A_184] {strides = array<i32>} : memref<32x768xf32, #tpu.memory_space<vmem>>, vector<1x16xf32>,
        %parallel_loop3A_186 = vector.shape_cast %parallel_loop3A_185 : vector<1x16xf32> to vector<16xf32>
        %parallel_loop3A_187 = arith.addf %parallel_loop3A_180, %parallel_loop3A_186 : vector<16xf32>
        %parallel_loop3A_188 = arith.index_cast %parallel_loop3A_112 : i32 to index
        %parallel_loop3A_189 = arith.constant 64 : index
        %parallel_loop3A_190 = tpu.vector_load %arg9[%parallel_loop3A_188, %parallel_loop3A_189] {strides = array<i32>} : memref<32x768xf32, #tpu.memory_space<vmem>>, vector<1x16xf32>,
        %parallel_loop3A_191 = vector.shape_cast %parallel_loop3A_190 : vector<1x16xf32> to vector<16xf32>
        %parallel_loop3A_192 = vector.shape_cast %parallel_loop3A_187 : vector<16xf32> to vector<1x16xf32>
        tpu.vector_store %arg9[%parallel_loop3A_188, %parallel_loop3A_189], %parallel_loop3A_192 {strides = array<i32>} : memref<32x768xf32, #tpu.memory_space<vmem>>, vector<1x16xf32>,
        %parallel_loop3A_193 = arith.index_cast %parallel_loop3A_112 : i32 to index
        %parallel_loop3A_194 = arith.constant 80 : index
        %parallel_loop3A_195 = tpu.vector_load %arg7[%parallel_loop3A_193, %parallel_loop3A_194] {strides = array<i32>} : memref<32x768xf32, #tpu.memory_space<vmem>>, vector<1x16xf32>,
        %parallel_loop3A_196 = vector.shape_cast %parallel_loop3A_195 : vector<1x16xf32> to vector<16xf32>
        %parallel_loop3A_197 = arith.constant 0 : i32
        %parallel_loop3A_198 = arith.addi %parallel_loop3A_197, %parallel_loop3A_112 : i32
        %parallel_loop3A_199 = arith.index_cast %parallel_loop3A_198 : i32 to index
        %parallel_loop3A_200 = arith.constant 80 : index
        %parallel_loop3A_201 = tpu.vector_load %arg5[%parallel_loop3A_199, %parallel_loop3A_200] {strides = array<i32>} : memref<32x768xf32, #tpu.memory_space<vmem>>, vector<1x16xf32>,
        %parallel_loop3A_202 = vector.shape_cast %parallel_loop3A_201 : vector<1x16xf32> to vector<16xf32>
        %parallel_loop3A_203 = arith.addf %parallel_loop3A_196, %parallel_loop3A_202 : vector<16xf32>
        %parallel_loop3A_204 = arith.index_cast %parallel_loop3A_112 : i32 to index
        %parallel_loop3A_205 = arith.constant 80 : index
        %parallel_loop3A_206 = tpu.vector_load %arg9[%parallel_loop3A_204, %parallel_loop3A_205] {strides = array<i32>} : memref<32x768xf32, #tpu.memory_space<vmem>>, vector<1x16xf32>,
        %parallel_loop3A_207 = vector.shape_cast %parallel_loop3A_206 : vector<1x16xf32> to vector<16xf32>
        %parallel_loop3A_208 = vector.shape_cast %parallel_loop3A_203 : vector<16xf32> to vector<1x16xf32>
        tpu.vector_store %arg9[%parallel_loop3A_204, %parallel_loop3A_205], %parallel_loop3A_208 {strides = array<i32>} : memref<32x768xf32, #tpu.memory_space<vmem>>, vector<1x16xf32>,
        %parallel_loop3A_209 = arith.index_cast %parallel_loop3A_112 : i32 to index
        %parallel_loop3A_210 = arith.constant 96 : index
        %parallel_loop3A_211 = tpu.vector_load %arg7[%parallel_loop3A_209, %parallel_loop3A_210] {strides = array<i32>} : memref<32x768xf32, #tpu.memory_space<vmem>>, vector<1x16xf32>,
        %parallel_loop3A_212 = vector.shape_cast %parallel_loop3A_211 : vector<1x16xf32> to vector<16xf32>
        %parallel_loop3A_213 = arith.constant 0 : i32
        %parallel_loop3A_214 = arith.addi %parallel_loop3A_213, %parallel_loop3A_112 : i32
        %parallel_loop3A_215 = arith.index_cast %parallel_loop3A_214 : i32 to index
        %parallel_loop3A_216 = arith.constant 96 : index
        %parallel_loop3A_217 = tpu.vector_load %arg5[%parallel_loop3A_215, %parallel_loop3A_216] {strides = array<i32>} : memref<32x768xf32, #tpu.memory_space<vmem>>, vector<1x16xf32>,
        %parallel_loop3A_218 = vector.shape_cast %parallel_loop3A_217 : vector<1x16xf32> to vector<16xf32>
        %parallel_loop3A_219 = arith.addf %parallel_loop3A_212, %parallel_loop3A_218 : vector<16xf32>
        %parallel_loop3A_220 = arith.index_cast %parallel_loop3A_112 : i32 to index
        %parallel_loop3A_221 = arith.constant 96 : index
        %parallel_loop3A_222 = tpu.vector_load %arg9[%parallel_loop3A_220, %parallel_loop3A_221] {strides = array<i32>} : memref<32x768xf32, #tpu.memory_space<vmem>>, vector<1x16xf32>,
        %parallel_loop3A_223 = vector.shape_cast %parallel_loop3A_222 : vector<1x16xf32> to vector<16xf32>
        %parallel_loop3A_224 = vector.shape_cast %parallel_loop3A_219 : vector<16xf32> to vector<1x16xf32>
        tpu.vector_store %arg9[%parallel_loop3A_220, %parallel_loop3A_221], %parallel_loop3A_224 {strides = array<i32>} : memref<32x768xf32, #tpu.memory_space<vmem>>, vector<1x16xf32>,
        %parallel_loop3A_225 = arith.index_cast %parallel_loop3A_112 : i32 to index
        %parallel_loop3A_226 = arith.constant 112 : index
        %parallel_loop3A_227 = tpu.vector_load %arg7[%parallel_loop3A_225, %parallel_loop3A_226] {strides = array<i32>} : memref<32x768xf32, #tpu.memory_space<vmem>>, vector<1x16xf32>,
        %parallel_loop3A_228 = vector.shape_cast %parallel_loop3A_227 : vector<1x16xf32> to vector<16xf32>
        %parallel_loop3A_229 = arith.constant 0 : i32
        %parallel_loop3A_230 = arith.addi %parallel_loop3A_229, %parallel_loop3A_112 : i32
        %parallel_loop3A_231 = arith.index_cast %parallel_loop3A_230 : i32 to index
        %parallel_loop3A_232 = arith.constant 112 : index
        %parallel_loop3A_233 = tpu.vector_load %arg5[%parallel_loop3A_231, %parallel_loop3A_232] {strides = array<i32>} : memref<32x768xf32, #tpu.memory_space<vmem>>, vector<1x16xf32>,
        %parallel_loop3A_234 = vector.shape_cast %parallel_loop3A_233 : vector<1x16xf32> to vector<16xf32>
        %parallel_loop3A_235 = arith.addf %parallel_loop3A_228, %parallel_loop3A_234 : vector<16xf32>
        %parallel_loop3A_236 = arith.index_cast %parallel_loop3A_112 : i32 to index
        %parallel_loop3A_237 = arith.constant 112 : index
        %parallel_loop3A_238 = tpu.vector_load %arg9[%parallel_loop3A_236, %parallel_loop3A_237] {strides = array<i32>} : memref<32x768xf32, #tpu.memory_space<vmem>>, vector<1x16xf32>,
        %parallel_loop3A_239 = vector.shape_cast %parallel_loop3A_238 : vector<1x16xf32> to vector<16xf32>
        %parallel_loop3A_240 = vector.shape_cast %parallel_loop3A_235 : vector<16xf32> to vector<1x16xf32>
        tpu.vector_store %arg9[%parallel_loop3A_236, %parallel_loop3A_237], %parallel_loop3A_240 {strides = array<i32>} : memref<32x768xf32, #tpu.memory_space<vmem>>, vector<1x16xf32>,
        %parallel_loop3A_241 = arith.index_cast %parallel_loop3A_112 : i32 to index
        %parallel_loop3A_242 = arith.constant 128 : index
        %parallel_loop3A_243 = tpu.vector_load %arg7[%parallel_loop3A_241, %parallel_loop3A_242] {strides = array<i32>} : memref<32x768xf32, #tpu.memory_space<vmem>>, vector<1x16xf32>,
        %parallel_loop3A_244 = vector.shape_cast %parallel_loop3A_243 : vector<1x16xf32> to vector<16xf32>
        %parallel_loop3A_245 = arith.constant 0 : i32
        %parallel_loop3A_246 = arith.addi %parallel_loop3A_245, %parallel_loop3A_112 : i32
        %parallel_loop3A_247 = arith.index_cast %parallel_loop3A_246 : i32 to index
        %parallel_loop3A_248 = arith.constant 128 : index
        %parallel_loop3A_249 = tpu.vector_load %arg5[%parallel_loop3A_247, %parallel_loop3A_248] {strides = array<i32>} : memref<32x768xf32, #tpu.memory_space<vmem>>, vector<1x16xf32>,
        %parallel_loop3A_250 = vector.shape_cast %parallel_loop3A_249 : vector<1x16xf32> to vector<16xf32>
        %parallel_loop3A_251 = arith.addf %parallel_loop3A_244, %parallel_loop3A_250 : vector<16xf32>
        %parallel_loop3A_252 = arith.index_cast %parallel_loop3A_112 : i32 to index
        %parallel_loop3A_253 = arith.constant 128 : index
        %parallel_loop3A_254 = tpu.vector_load %arg9[%parallel_loop3A_252, %parallel_loop3A_253] {strides = array<i32>} : memref<32x768xf32, #tpu.memory_space<vmem>>, vector<1x16xf32>,
        %parallel_loop3A_255 = vector.shape_cast %parallel_loop3A_254 : vector<1x16xf32> to vector<16xf32>
        %parallel_loop3A_256 = vector.shape_cast %parallel_loop3A_251 : vector<16xf32> to vector<1x16xf32>
        tpu.vector_store %arg9[%parallel_loop3A_252, %parallel_loop3A_253], %parallel_loop3A_256 {strides = array<i32>} : memref<32x768xf32, #tpu.memory_space<vmem>>, vector<1x16xf32>,
        %parallel_loop3A_257 = arith.index_cast %parallel_loop3A_112 : i32 to index
        %parallel_loop3A_258 = arith.constant 144 : index
        %parallel_loop3A_259 = tpu.vector_load %arg7[%parallel_loop3A_257, %parallel_loop3A_258] {strides = array<i32>} : memref<32x768xf32, #tpu.memory_space<vmem>>, vector<1x16xf32>,
        %parallel_loop3A_260 = vector.shape_cast %parallel_loop3A_259 : vector<1x16xf32> to vector<16xf32>
        %parallel_loop3A_261 = arith.constant 0 : i32
        %parallel_loop3A_262 = arith.addi %parallel_loop3A_261, %parallel_loop3A_112 : i32
        %parallel_loop3A_263 = arith.index_cast %parallel_loop3A_262 : i32 to index
        %parallel_loop3A_264 = arith.constant 144 : index
        %parallel_loop3A_265 = tpu.vector_load %arg5[%parallel_loop3A_263, %parallel_loop3A_264] {strides = array<i32>} : memref<32x768xf32, #tpu.memory_space<vmem>>, vector<1x16xf32>,
        %parallel_loop3A_266 = vector.shape_cast %parallel_loop3A_265 : vector<1x16xf32> to vector<16xf32>
        %parallel_loop3A_267 = arith.addf %parallel_loop3A_260, %parallel_loop3A_266 : vector<16xf32>
        %parallel_loop3A_268 = arith.index_cast %parallel_loop3A_112 : i32 to index
        %parallel_loop3A_269 = arith.constant 144 : index
        %parallel_loop3A_270 = tpu.vector_load %arg9[%parallel_loop3A_268, %parallel_loop3A_269] {strides = array<i32>} : memref<32x768xf32, #tpu.memory_space<vmem>>, vector<1x16xf32>,
        %parallel_loop3A_271 = vector.shape_cast %parallel_loop3A_270 : vector<1x16xf32> to vector<16xf32>
        %parallel_loop3A_272 = vector.shape_cast %parallel_loop3A_267 : vector<16xf32> to vector<1x16xf32>
        tpu.vector_store %arg9[%parallel_loop3A_268, %parallel_loop3A_269], %parallel_loop3A_272 {strides = array<i32>} : memref<32x768xf32, #tpu.memory_space<vmem>>, vector<1x16xf32>,
        %parallel_loop3A_273 = arith.index_cast %parallel_loop3A_112 : i32 to index
        %parallel_loop3A_274 = arith.constant 160 : index
        %parallel_loop3A_275 = tpu.vector_load %arg7[%parallel_loop3A_273, %parallel_loop3A_274] {strides = array<i32>} : memref<32x768xf32, #tpu.memory_space<vmem>>, vector<1x16xf32>,
        %parallel_loop3A_276 = vector.shape_cast %parallel_loop3A_275 : vector<1x16xf32> to vector<16xf32>
        %parallel_loop3A_277 = arith.constant 0 : i32
        %parallel_loop3A_278 = arith.addi %parallel_loop3A_277, %parallel_loop3A_112 : i32
        %parallel_loop3A_279 = arith.index_cast %parallel_loop3A_278 : i32 to index
        %parallel_loop3A_280 = arith.constant 160 : index
        %parallel_loop3A_281 = tpu.vector_load %arg5[%parallel_loop3A_279, %parallel_loop3A_280] {strides = array<i32>} : memref<32x768xf32, #tpu.memory_space<vmem>>, vector<1x16xf32>,
        %parallel_loop3A_282 = vector.shape_cast %parallel_loop3A_281 : vector<1x16xf32> to vector<16xf32>
        %parallel_loop3A_283 = arith.addf %parallel_loop3A_276, %parallel_loop3A_282 : vector<16xf32>
        %parallel_loop3A_284 = arith.index_cast %parallel_loop3A_112 : i32 to index
        %parallel_loop3A_285 = arith.constant 160 : index
        %parallel_loop3A_286 = tpu.vector_load %arg9[%parallel_loop3A_284, %parallel_loop3A_285] {strides = array<i32>} : memref<32x768xf32, #tpu.memory_space<vmem>>, vector<1x16xf32>,
        %parallel_loop3A_287 = vector.shape_cast %parallel_loop3A_286 : vector<1x16xf32> to vector<16xf32>
        %parallel_loop3A_288 = vector.shape_cast %parallel_loop3A_283 : vector<16xf32> to vector<1x16xf32>
        tpu.vector_store %arg9[%parallel_loop3A_284, %parallel_loop3A_285], %parallel_loop3A_288 {strides = array<i32>} : memref<32x768xf32, #tpu.memory_space<vmem>>, vector<1x16xf32>,
        %parallel_loop3A_289 = arith.index_cast %parallel_loop3A_112 : i32 to index
        %parallel_loop3A_290 = arith.constant 176 : index
        %parallel_loop3A_291 = tpu.vector_load %arg7[%parallel_loop3A_289, %parallel_loop3A_290] {strides = array<i32>} : memref<32x768xf32, #tpu.memory_space<vmem>>, vector<1x16xf32>,
        %parallel_loop3A_292 = vector.shape_cast %parallel_loop3A_291 : vector<1x16xf32> to vector<16xf32>
        %parallel_loop3A_293 = arith.constant 0 : i32
        %parallel_loop3A_294 = arith.addi %parallel_loop3A_293, %parallel_loop3A_112 : i32
        %parallel_loop3A_295 = arith.index_cast %parallel_loop3A_294 : i32 to index
        %parallel_loop3A_296 = arith.constant 176 : index
        %parallel_loop3A_297 = tpu.vector_load %arg5[%parallel_loop3A_295, %parallel_loop3A_296] {strides = array<i32>} : memref<32x768xf32, #tpu.memory_space<vmem>>, vector<1x16xf32>,
        %parallel_loop3A_298 = vector.shape_cast %parallel_loop3A_297 : vector<1x16xf32> to vector<16xf32>
        %parallel_loop3A_299 = arith.addf %parallel_loop3A_292, %parallel_loop3A_298 : vector<16xf32>
        %parallel_loop3A_300 = arith.index_cast %parallel_loop3A_112 : i32 to index
        %parallel_loop3A_301 = arith.constant 176 : index
        %parallel_loop3A_302 = tpu.vector_load %arg9[%parallel_loop3A_300, %parallel_loop3A_301] {strides = array<i32>} : memref<32x768xf32, #tpu.memory_space<vmem>>, vector<1x16xf32>,
        %parallel_loop3A_303 = vector.shape_cast %parallel_loop3A_302 : vector<1x16xf32> to vector<16xf32>
        %parallel_loop3A_304 = vector.shape_cast %parallel_loop3A_299 : vector<16xf32> to vector<1x16xf32>
        tpu.vector_store %arg9[%parallel_loop3A_300, %parallel_loop3A_301], %parallel_loop3A_304 {strides = array<i32>} : memref<32x768xf32, #tpu.memory_space<vmem>>, vector<1x16xf32>,
        %parallel_loop3A_305 = arith.index_cast %parallel_loop3A_112 : i32 to index
        %parallel_loop3A_306 = arith.constant 192 : index
        %parallel_loop3A_307 = tpu.vector_load %arg7[%parallel_loop3A_305, %parallel_loop3A_306] {strides = array<i32>} : memref<32x768xf32, #tpu.memory_space<vmem>>, vector<1x16xf32>,
        %parallel_loop3A_308 = vector.shape_cast %parallel_loop3A_307 : vector<1x16xf32> to vector<16xf32>
        %parallel_loop3A_309 = arith.constant 0 : i32
        %parallel_loop3A_310 = arith.addi %parallel_loop3A_309, %parallel_loop3A_112 : i32
        %parallel_loop3A_311 = arith.index_cast %parallel_loop3A_310 : i32 to index
        %parallel_loop3A_312 = arith.constant 192 : index
        %parallel_loop3A_313 = tpu.vector_load %arg5[%parallel_loop3A_311, %parallel_loop3A_312] {strides = array<i32>} : memref<32x768xf32, #tpu.memory_space<vmem>>, vector<1x16xf32>,
        %parallel_loop3A_314 = vector.shape_cast %parallel_loop3A_313 : vector<1x16xf32> to vector<16xf32>
        %parallel_loop3A_315 = arith.addf %parallel_loop3A_308, %parallel_loop3A_314 : vector<16xf32>
        %parallel_loop3A_316 = arith.index_cast %parallel_loop3A_112 : i32 to index
        %parallel_loop3A_317 = arith.constant 192 : index
        %parallel_loop3A_318 = tpu.vector_load %arg9[%parallel_loop3A_316, %parallel_loop3A_317] {strides = array<i32>} : memref<32x768xf32, #tpu.memory_space<vmem>>, vector<1x16xf32>,
        %parallel_loop3A_319 = vector.shape_cast %parallel_loop3A_318 : vector<1x16xf32> to vector<16xf32>
        %parallel_loop3A_320 = vector.shape_cast %parallel_loop3A_315 : vector<16xf32> to vector<1x16xf32>
        tpu.vector_store %arg9[%parallel_loop3A_316, %parallel_loop3A_317], %parallel_loop3A_320 {strides = array<i32>} : memref<32x768xf32, #tpu.memory_space<vmem>>, vector<1x16xf32>,
        %parallel_loop3A_321 = arith.index_cast %parallel_loop3A_112 : i32 to index
        %parallel_loop3A_322 = arith.constant 208 : index
        %parallel_loop3A_323 = tpu.vector_load %arg7[%parallel_loop3A_321, %parallel_loop3A_322] {strides = array<i32>} : memref<32x768xf32, #tpu.memory_space<vmem>>, vector<1x16xf32>,
        %parallel_loop3A_324 = vector.shape_cast %parallel_loop3A_323 : vector<1x16xf32> to vector<16xf32>
        %parallel_loop3A_325 = arith.constant 0 : i32
        %parallel_loop3A_326 = arith.addi %parallel_loop3A_325, %parallel_loop3A_112 : i32
        %parallel_loop3A_327 = arith.index_cast %parallel_loop3A_326 : i32 to index
        %parallel_loop3A_328 = arith.constant 208 : index
        %parallel_loop3A_329 = tpu.vector_load %arg5[%parallel_loop3A_327, %parallel_loop3A_328] {strides = array<i32>} : memref<32x768xf32, #tpu.memory_space<vmem>>, vector<1x16xf32>,
        %parallel_loop3A_330 = vector.shape_cast %parallel_loop3A_329 : vector<1x16xf32> to vector<16xf32>
        %parallel_loop3A_331 = arith.addf %parallel_loop3A_324, %parallel_loop3A_330 : vector<16xf32>
        %parallel_loop3A_332 = arith.index_cast %parallel_loop3A_112 : i32 to index
        %parallel_loop3A_333 = arith.constant 208 : index
        %parallel_loop3A_334 = tpu.vector_load %arg9[%parallel_loop3A_332, %parallel_loop3A_333] {strides = array<i32>} : memref<32x768xf32, #tpu.memory_space<vmem>>, vector<1x16xf32>,
        %parallel_loop3A_335 = vector.shape_cast %parallel_loop3A_334 : vector<1x16xf32> to vector<16xf32>
        %parallel_loop3A_336 = vector.shape_cast %parallel_loop3A_331 : vector<16xf32> to vector<1x16xf32>
        tpu.vector_store %arg9[%parallel_loop3A_332, %parallel_loop3A_333], %parallel_loop3A_336 {strides = array<i32>} : memref<32x768xf32, #tpu.memory_space<vmem>>, vector<1x16xf32>,
        %parallel_loop3A_337 = arith.index_cast %parallel_loop3A_112 : i32 to index
        %parallel_loop3A_338 = arith.constant 224 : index
        %parallel_loop3A_339 = tpu.vector_load %arg7[%parallel_loop3A_337, %parallel_loop3A_338] {strides = array<i32>} : memref<32x768xf32, #tpu.memory_space<vmem>>, vector<1x16xf32>,
        %parallel_loop3A_340 = vector.shape_cast %parallel_loop3A_339 : vector<1x16xf32> to vector<16xf32>
        %parallel_loop3A_341 = arith.constant 0 : i32
        %parallel_loop3A_342 = arith.addi %parallel_loop3A_341, %parallel_loop3A_112 : i32
        %parallel_loop3A_343 = arith.index_cast %parallel_loop3A_342 : i32 to index
        %parallel_loop3A_344 = arith.constant 224 : index
        %parallel_loop3A_345 = tpu.vector_load %arg5[%parallel_loop3A_343, %parallel_loop3A_344] {strides = array<i32>} : memref<32x768xf32, #tpu.memory_space<vmem>>, vector<1x16xf32>,
        %parallel_loop3A_346 = vector.shape_cast %parallel_loop3A_345 : vector<1x16xf32> to vector<16xf32>
        %parallel_loop3A_347 = arith.addf %parallel_loop3A_340, %parallel_loop3A_346 : vector<16xf32>
        %parallel_loop3A_348 = arith.index_cast %parallel_loop3A_112 : i32 to index
        %parallel_loop3A_349 = arith.constant 224 : index
        %parallel_loop3A_350 = tpu.vector_load %arg9[%parallel_loop3A_348, %parallel_loop3A_349] {strides = array<i32>} : memref<32x768xf32, #tpu.memory_space<vmem>>, vector<1x16xf32>,
        %parallel_loop3A_351 = vector.shape_cast %parallel_loop3A_350 : vector<1x16xf32> to vector<16xf32>
        %parallel_loop3A_352 = vector.shape_cast %parallel_loop3A_347 : vector<16xf32> to vector<1x16xf32>
        tpu.vector_store %arg9[%parallel_loop3A_348, %parallel_loop3A_349], %parallel_loop3A_352 {strides = array<i32>} : memref<32x768xf32, #tpu.memory_space<vmem>>, vector<1x16xf32>,
        %parallel_loop3A_353 = arith.index_cast %parallel_loop3A_112 : i32 to index
        %parallel_loop3A_354 = arith.constant 240 : index
        %parallel_loop3A_355 = tpu.vector_load %arg7[%parallel_loop3A_353, %parallel_loop3A_354] {strides = array<i32>} : memref<32x768xf32, #tpu.memory_space<vmem>>, vector<1x16xf32>,
        %parallel_loop3A_356 = vector.shape_cast %parallel_loop3A_355 : vector<1x16xf32> to vector<16xf32>
        %parallel_loop3A_357 = arith.constant 0 : i32
        %parallel_loop3A_358 = arith.addi %parallel_loop3A_357, %parallel_loop3A_112 : i32
        %parallel_loop3A_359 = arith.index_cast %parallel_loop3A_358 : i32 to index
        %parallel_loop3A_360 = arith.constant 240 : index
        %parallel_loop3A_361 = tpu.vector_load %arg5[%parallel_loop3A_359, %parallel_loop3A_360] {strides = array<i32>} : memref<32x768xf32, #tpu.memory_space<vmem>>, vector<1x16xf32>,
        %parallel_loop3A_362 = vector.shape_cast %parallel_loop3A_361 : vector<1x16xf32> to vector<16xf32>
        %parallel_loop3A_363 = arith.addf %parallel_loop3A_356, %parallel_loop3A_362 : vector<16xf32>
        %parallel_loop3A_364 = arith.index_cast %parallel_loop3A_112 : i32 to index
        %parallel_loop3A_365 = arith.constant 240 : index
        %parallel_loop3A_366 = tpu.vector_load %arg9[%parallel_loop3A_364, %parallel_loop3A_365] {strides = array<i32>} : memref<32x768xf32, #tpu.memory_space<vmem>>, vector<1x16xf32>,
        %parallel_loop3A_367 = vector.shape_cast %parallel_loop3A_366 : vector<1x16xf32> to vector<16xf32>
        %parallel_loop3A_368 = vector.shape_cast %parallel_loop3A_363 : vector<16xf32> to vector<1x16xf32>
        tpu.vector_store %arg9[%parallel_loop3A_364, %parallel_loop3A_365], %parallel_loop3A_368 {strides = array<i32>} : memref<32x768xf32, #tpu.memory_space<vmem>>, vector<1x16xf32>,
        %parallel_loop3A_369 = arith.index_cast %parallel_loop3A_112 : i32 to index
        %parallel_loop3A_370 = arith.constant 256 : index
        %parallel_loop3A_371 = tpu.vector_load %arg7[%parallel_loop3A_369, %parallel_loop3A_370] {strides = array<i32>} : memref<32x768xf32, #tpu.memory_space<vmem>>, vector<1x16xf32>,
        %parallel_loop3A_372 = vector.shape_cast %parallel_loop3A_371 : vector<1x16xf32> to vector<16xf32>
        %parallel_loop3A_373 = arith.constant 0 : i32
        %parallel_loop3A_374 = arith.addi %parallel_loop3A_373, %parallel_loop3A_112 : i32
        %parallel_loop3A_375 = arith.index_cast %parallel_loop3A_374 : i32 to index
        %parallel_loop3A_376 = arith.constant 256 : index
        %parallel_loop3A_377 = tpu.vector_load %arg5[%parallel_loop3A_375, %parallel_loop3A_376] {strides = array<i32>} : memref<32x768xf32, #tpu.memory_space<vmem>>, vector<1x16xf32>,
        %parallel_loop3A_378 = vector.shape_cast %parallel_loop3A_377 : vector<1x16xf32> to vector<16xf32>
        %parallel_loop3A_379 = arith.addf %parallel_loop3A_372, %parallel_loop3A_378 : vector<16xf32>
        %parallel_loop3A_380 = arith.index_cast %parallel_loop3A_112 : i32 to index
        %parallel_loop3A_381 = arith.constant 256 : index
        %parallel_loop3A_382 = tpu.vector_load %arg9[%parallel_loop3A_380, %parallel_loop3A_381] {strides = array<i32>} : memref<32x768xf32, #tpu.memory_space<vmem>>, vector<1x16xf32>,
        %parallel_loop3A_383 = vector.shape_cast %parallel_loop3A_382 : vector<1x16xf32> to vector<16xf32>
        %parallel_loop3A_384 = vector.shape_cast %parallel_loop3A_379 : vector<16xf32> to vector<1x16xf32>
        tpu.vector_store %arg9[%parallel_loop3A_380, %parallel_loop3A_381], %parallel_loop3A_384 {strides = array<i32>} : memref<32x768xf32, #tpu.memory_space<vmem>>, vector<1x16xf32>,
        %parallel_loop3A_385 = arith.index_cast %parallel_loop3A_112 : i32 to index
        %parallel_loop3A_386 = arith.constant 272 : index
        %parallel_loop3A_387 = tpu.vector_load %arg7[%parallel_loop3A_385, %parallel_loop3A_386] {strides = array<i32>} : memref<32x768xf32, #tpu.memory_space<vmem>>, vector<1x16xf32>,
        %parallel_loop3A_388 = vector.shape_cast %parallel_loop3A_387 : vector<1x16xf32> to vector<16xf32>
        %parallel_loop3A_389 = arith.constant 0 : i32
        %parallel_loop3A_390 = arith.addi %parallel_loop3A_389, %parallel_loop3A_112 : i32
        %parallel_loop3A_391 = arith.index_cast %parallel_loop3A_390 : i32 to index
        %parallel_loop3A_392 = arith.constant 272 : index
        %parallel_loop3A_393 = tpu.vector_load %arg5[%parallel_loop3A_391, %parallel_loop3A_392] {strides = array<i32>} : memref<32x768xf32, #tpu.memory_space<vmem>>, vector<1x16xf32>,
        %parallel_loop3A_394 = vector.shape_cast %parallel_loop3A_393 : vector<1x16xf32> to vector<16xf32>
        %parallel_loop3A_395 = arith.addf %parallel_loop3A_388, %parallel_loop3A_394 : vector<16xf32>
        %parallel_loop3A_396 = arith.index_cast %parallel_loop3A_112 : i32 to index
        %parallel_loop3A_397 = arith.constant 272 : index
        %parallel_loop3A_398 = tpu.vector_load %arg9[%parallel_loop3A_396, %parallel_loop3A_397] {strides = array<i32>} : memref<32x768xf32, #tpu.memory_space<vmem>>, vector<1x16xf32>,
        %parallel_loop3A_399 = vector.shape_cast %parallel_loop3A_398 : vector<1x16xf32> to vector<16xf32>
        %parallel_loop3A_400 = vector.shape_cast %parallel_loop3A_395 : vector<16xf32> to vector<1x16xf32>
        tpu.vector_store %arg9[%parallel_loop3A_396, %parallel_loop3A_397], %parallel_loop3A_400 {strides = array<i32>} : memref<32x768xf32, #tpu.memory_space<vmem>>, vector<1x16xf32>,
        %parallel_loop3A_401 = arith.index_cast %parallel_loop3A_112 : i32 to index
        %parallel_loop3A_402 = arith.constant 288 : index
        %parallel_loop3A_403 = tpu.vector_load %arg7[%parallel_loop3A_401, %parallel_loop3A_402] {strides = array<i32>} : memref<32x768xf32, #tpu.memory_space<vmem>>, vector<1x16xf32>,
        %parallel_loop3A_404 = vector.shape_cast %parallel_loop3A_403 : vector<1x16xf32> to vector<16xf32>
        %parallel_loop3A_405 = arith.constant 0 : i32
        %parallel_loop3A_406 = arith.addi %parallel_loop3A_405, %parallel_loop3A_112 : i32
        %parallel_loop3A_407 = arith.index_cast %parallel_loop3A_406 : i32 to index
        %parallel_loop3A_408 = arith.constant 288 : index
        %parallel_loop3A_409 = tpu.vector_load %arg5[%parallel_loop3A_407, %parallel_loop3A_408] {strides = array<i32>} : memref<32x768xf32, #tpu.memory_space<vmem>>, vector<1x16xf32>,
        %parallel_loop3A_410 = vector.shape_cast %parallel_loop3A_409 : vector<1x16xf32> to vector<16xf32>
        %parallel_loop3A_411 = arith.addf %parallel_loop3A_404, %parallel_loop3A_410 : vector<16xf32>
        %parallel_loop3A_412 = arith.index_cast %parallel_loop3A_112 : i32 to index
        %parallel_loop3A_413 = arith.constant 288 : index
        %parallel_loop3A_414 = tpu.vector_load %arg9[%parallel_loop3A_412, %parallel_loop3A_413] {strides = array<i32>} : memref<32x768xf32, #tpu.memory_space<vmem>>, vector<1x16xf32>,
        %parallel_loop3A_415 = vector.shape_cast %parallel_loop3A_414 : vector<1x16xf32> to vector<16xf32>
        %parallel_loop3A_416 = vector.shape_cast %parallel_loop3A_411 : vector<16xf32> to vector<1x16xf32>
        tpu.vector_store %arg9[%parallel_loop3A_412, %parallel_loop3A_413], %parallel_loop3A_416 {strides = array<i32>} : memref<32x768xf32, #tpu.memory_space<vmem>>, vector<1x16xf32>,
        %parallel_loop3A_417 = arith.index_cast %parallel_loop3A_112 : i32 to index
        %parallel_loop3A_418 = arith.constant 304 : index
        %parallel_loop3A_419 = tpu.vector_load %arg7[%parallel_loop3A_417, %parallel_loop3A_418] {strides = array<i32>} : memref<32x768xf32, #tpu.memory_space<vmem>>, vector<1x16xf32>,
        %parallel_loop3A_420 = vector.shape_cast %parallel_loop3A_419 : vector<1x16xf32> to vector<16xf32>
        %parallel_loop3A_421 = arith.constant 0 : i32
        %parallel_loop3A_422 = arith.addi %parallel_loop3A_421, %parallel_loop3A_112 : i32
        %parallel_loop3A_423 = arith.index_cast %parallel_loop3A_422 : i32 to index
        %parallel_loop3A_424 = arith.constant 304 : index
        %parallel_loop3A_425 = tpu.vector_load %arg5[%parallel_loop3A_423, %parallel_loop3A_424] {strides = array<i32>} : memref<32x768xf32, #tpu.memory_space<vmem>>, vector<1x16xf32>,
        %parallel_loop3A_426 = vector.shape_cast %parallel_loop3A_425 : vector<1x16xf32> to vector<16xf32>
        %parallel_loop3A_427 = arith.addf %parallel_loop3A_420, %parallel_loop3A_426 : vector<16xf32>
        %parallel_loop3A_428 = arith.index_cast %parallel_loop3A_112 : i32 to index
        %parallel_loop3A_429 = arith.constant 304 : index
        %parallel_loop3A_430 = tpu.vector_load %arg9[%parallel_loop3A_428, %parallel_loop3A_429] {strides = array<i32>} : memref<32x768xf32, #tpu.memory_space<vmem>>, vector<1x16xf32>,
        %parallel_loop3A_431 = vector.shape_cast %parallel_loop3A_430 : vector<1x16xf32> to vector<16xf32>
        %parallel_loop3A_432 = vector.shape_cast %parallel_loop3A_427 : vector<16xf32> to vector<1x16xf32>
        tpu.vector_store %arg9[%parallel_loop3A_428, %parallel_loop3A_429], %parallel_loop3A_432 {strides = array<i32>} : memref<32x768xf32, #tpu.memory_space<vmem>>, vector<1x16xf32>,
        %parallel_loop3A_433 = arith.index_cast %parallel_loop3A_112 : i32 to index
        %parallel_loop3A_434 = arith.constant 320 : index
        %parallel_loop3A_435 = tpu.vector_load %arg7[%parallel_loop3A_433, %parallel_loop3A_434] {strides = array<i32>} : memref<32x768xf32, #tpu.memory_space<vmem>>, vector<1x16xf32>,
        %parallel_loop3A_436 = vector.shape_cast %parallel_loop3A_435 : vector<1x16xf32> to vector<16xf32>
        %parallel_loop3A_437 = arith.constant 0 : i32
        %parallel_loop3A_438 = arith.addi %parallel_loop3A_437, %parallel_loop3A_112 : i32
        %parallel_loop3A_439 = arith.index_cast %parallel_loop3A_438 : i32 to index
        %parallel_loop3A_440 = arith.constant 320 : index
        %parallel_loop3A_441 = tpu.vector_load %arg5[%parallel_loop3A_439, %parallel_loop3A_440] {strides = array<i32>} : memref<32x768xf32, #tpu.memory_space<vmem>>, vector<1x16xf32>,
        %parallel_loop3A_442 = vector.shape_cast %parallel_loop3A_441 : vector<1x16xf32> to vector<16xf32>
        %parallel_loop3A_443 = arith.addf %parallel_loop3A_436, %parallel_loop3A_442 : vector<16xf32>
        %parallel_loop3A_444 = arith.index_cast %parallel_loop3A_112 : i32 to index
        %parallel_loop3A_445 = arith.constant 320 : index
        %parallel_loop3A_446 = tpu.vector_load %arg9[%parallel_loop3A_444, %parallel_loop3A_445] {strides = array<i32>} : memref<32x768xf32, #tpu.memory_space<vmem>>, vector<1x16xf32>,
        %parallel_loop3A_447 = vector.shape_cast %parallel_loop3A_446 : vector<1x16xf32> to vector<16xf32>
        %parallel_loop3A_448 = vector.shape_cast %parallel_loop3A_443 : vector<16xf32> to vector<1x16xf32>
        tpu.vector_store %arg9[%parallel_loop3A_444, %parallel_loop3A_445], %parallel_loop3A_448 {strides = array<i32>} : memref<32x768xf32, #tpu.memory_space<vmem>>, vector<1x16xf32>,
        %parallel_loop3A_449 = arith.index_cast %parallel_loop3A_112 : i32 to index
        %parallel_loop3A_450 = arith.constant 336 : index
        %parallel_loop3A_451 = tpu.vector_load %arg7[%parallel_loop3A_449, %parallel_loop3A_450] {strides = array<i32>} : memref<32x768xf32, #tpu.memory_space<vmem>>, vector<1x16xf32>,
        %parallel_loop3A_452 = vector.shape_cast %parallel_loop3A_451 : vector<1x16xf32> to vector<16xf32>
        %parallel_loop3A_453 = arith.constant 0 : i32
        %parallel_loop3A_454 = arith.addi %parallel_loop3A_453, %parallel_loop3A_112 : i32
        %parallel_loop3A_455 = arith.index_cast %parallel_loop3A_454 : i32 to index
        %parallel_loop3A_456 = arith.constant 336 : index
        %parallel_loop3A_457 = tpu.vector_load %arg5[%parallel_loop3A_455, %parallel_loop3A_456] {strides = array<i32>} : memref<32x768xf32, #tpu.memory_space<vmem>>, vector<1x16xf32>,
        %parallel_loop3A_458 = vector.shape_cast %parallel_loop3A_457 : vector<1x16xf32> to vector<16xf32>
        %parallel_loop3A_459 = arith.addf %parallel_loop3A_452, %parallel_loop3A_458 : vector<16xf32>
        %parallel_loop3A_460 = arith.index_cast %parallel_loop3A_112 : i32 to index
        %parallel_loop3A_461 = arith.constant 336 : index
        %parallel_loop3A_462 = tpu.vector_load %arg9[%parallel_loop3A_460, %parallel_loop3A_461] {strides = array<i32>} : memref<32x768xf32, #tpu.memory_space<vmem>>, vector<1x16xf32>,
        %parallel_loop3A_463 = vector.shape_cast %parallel_loop3A_462 : vector<1x16xf32> to vector<16xf32>
        %parallel_loop3A_464 = vector.shape_cast %parallel_loop3A_459 : vector<16xf32> to vector<1x16xf32>
        tpu.vector_store %arg9[%parallel_loop3A_460, %parallel_loop3A_461], %parallel_loop3A_464 {strides = array<i32>} : memref<32x768xf32, #tpu.memory_space<vmem>>, vector<1x16xf32>,
        %parallel_loop3A_465 = arith.index_cast %parallel_loop3A_112 : i32 to index
        %parallel_loop3A_466 = arith.constant 352 : index
        %parallel_loop3A_467 = tpu.vector_load %arg7[%parallel_loop3A_465, %parallel_loop3A_466] {strides = array<i32>} : memref<32x768xf32, #tpu.memory_space<vmem>>, vector<1x16xf32>,
        %parallel_loop3A_468 = vector.shape_cast %parallel_loop3A_467 : vector<1x16xf32> to vector<16xf32>
        %parallel_loop3A_469 = arith.constant 0 : i32
        %parallel_loop3A_470 = arith.addi %parallel_loop3A_469, %parallel_loop3A_112 : i32
        %parallel_loop3A_471 = arith.index_cast %parallel_loop3A_470 : i32 to index
        %parallel_loop3A_472 = arith.constant 352 : index
        %parallel_loop3A_473 = tpu.vector_load %arg5[%parallel_loop3A_471, %parallel_loop3A_472] {strides = array<i32>} : memref<32x768xf32, #tpu.memory_space<vmem>>, vector<1x16xf32>,
        %parallel_loop3A_474 = vector.shape_cast %parallel_loop3A_473 : vector<1x16xf32> to vector<16xf32>
        %parallel_loop3A_475 = arith.addf %parallel_loop3A_468, %parallel_loop3A_474 : vector<16xf32>
        %parallel_loop3A_476 = arith.index_cast %parallel_loop3A_112 : i32 to index
        %parallel_loop3A_477 = arith.constant 352 : index
        %parallel_loop3A_478 = tpu.vector_load %arg9[%parallel_loop3A_476, %parallel_loop3A_477] {strides = array<i32>} : memref<32x768xf32, #tpu.memory_space<vmem>>, vector<1x16xf32>,
        %parallel_loop3A_479 = vector.shape_cast %parallel_loop3A_478 : vector<1x16xf32> to vector<16xf32>
        %parallel_loop3A_480 = vector.shape_cast %parallel_loop3A_475 : vector<16xf32> to vector<1x16xf32>
        tpu.vector_store %arg9[%parallel_loop3A_476, %parallel_loop3A_477], %parallel_loop3A_480 {strides = array<i32>} : memref<32x768xf32, #tpu.memory_space<vmem>>, vector<1x16xf32>,
        %parallel_loop3A_481 = arith.index_cast %parallel_loop3A_112 : i32 to index
        %parallel_loop3A_482 = arith.constant 368 : index
        %parallel_loop3A_483 = tpu.vector_load %arg7[%parallel_loop3A_481, %parallel_loop3A_482] {strides = array<i32>} : memref<32x768xf32, #tpu.memory_space<vmem>>, vector<1x16xf32>,
        %parallel_loop3A_484 = vector.shape_cast %parallel_loop3A_483 : vector<1x16xf32> to vector<16xf32>
        %parallel_loop3A_485 = arith.constant 0 : i32
        %parallel_loop3A_486 = arith.addi %parallel_loop3A_485, %parallel_loop3A_112 : i32
        %parallel_loop3A_487 = arith.index_cast %parallel_loop3A_486 : i32 to index
        %parallel_loop3A_488 = arith.constant 368 : index
        %parallel_loop3A_489 = tpu.vector_load %arg5[%parallel_loop3A_487, %parallel_loop3A_488] {strides = array<i32>} : memref<32x768xf32, #tpu.memory_space<vmem>>, vector<1x16xf32>,
        %parallel_loop3A_490 = vector.shape_cast %parallel_loop3A_489 : vector<1x16xf32> to vector<16xf32>
        %parallel_loop3A_491 = arith.addf %parallel_loop3A_484, %parallel_loop3A_490 : vector<16xf32>
        %parallel_loop3A_492 = arith.index_cast %parallel_loop3A_112 : i32 to index
        %parallel_loop3A_493 = arith.constant 368 : index
        %parallel_loop3A_494 = tpu.vector_load %arg9[%parallel_loop3A_492, %parallel_loop3A_493] {strides = array<i32>} : memref<32x768xf32, #tpu.memory_space<vmem>>, vector<1x16xf32>,
        %parallel_loop3A_495 = vector.shape_cast %parallel_loop3A_494 : vector<1x16xf32> to vector<16xf32>
        %parallel_loop3A_496 = vector.shape_cast %parallel_loop3A_491 : vector<16xf32> to vector<1x16xf32>
        tpu.vector_store %arg9[%parallel_loop3A_492, %parallel_loop3A_493], %parallel_loop3A_496 {strides = array<i32>} : memref<32x768xf32, #tpu.memory_space<vmem>>, vector<1x16xf32>,
        %parallel_loop3A_497 = arith.index_cast %parallel_loop3A_112 : i32 to index
        %parallel_loop3A_498 = arith.constant 384 : index
        %parallel_loop3A_499 = tpu.vector_load %arg7[%parallel_loop3A_497, %parallel_loop3A_498] {strides = array<i32>} : memref<32x768xf32, #tpu.memory_space<vmem>>, vector<1x16xf32>,
        %parallel_loop3A_500 = vector.shape_cast %parallel_loop3A_499 : vector<1x16xf32> to vector<16xf32>
        %parallel_loop3A_501 = arith.constant 0 : i32
        %parallel_loop3A_502 = arith.addi %parallel_loop3A_501, %parallel_loop3A_112 : i32
        %parallel_loop3A_503 = arith.index_cast %parallel_loop3A_502 : i32 to index
        %parallel_loop3A_504 = arith.constant 384 : index
        %parallel_loop3A_505 = tpu.vector_load %arg5[%parallel_loop3A_503, %parallel_loop3A_504] {strides = array<i32>} : memref<32x768xf32, #tpu.memory_space<vmem>>, vector<1x16xf32>,
        %parallel_loop3A_506 = vector.shape_cast %parallel_loop3A_505 : vector<1x16xf32> to vector<16xf32>
        %parallel_loop3A_507 = arith.addf %parallel_loop3A_500, %parallel_loop3A_506 : vector<16xf32>
        %parallel_loop3A_508 = arith.index_cast %parallel_loop3A_112 : i32 to index
        %parallel_loop3A_509 = arith.constant 384 : index
        %parallel_loop3A_510 = tpu.vector_load %arg9[%parallel_loop3A_508, %parallel_loop3A_509] {strides = array<i32>} : memref<32x768xf32, #tpu.memory_space<vmem>>, vector<1x16xf32>,
        %parallel_loop3A_511 = vector.shape_cast %parallel_loop3A_510 : vector<1x16xf32> to vector<16xf32>
        %parallel_loop3A_512 = vector.shape_cast %parallel_loop3A_507 : vector<16xf32> to vector<1x16xf32>
        tpu.vector_store %arg9[%parallel_loop3A_508, %parallel_loop3A_509], %parallel_loop3A_512 {strides = array<i32>} : memref<32x768xf32, #tpu.memory_space<vmem>>, vector<1x16xf32>,
        %parallel_loop3A_513 = arith.index_cast %parallel_loop3A_112 : i32 to index
        %parallel_loop3A_514 = arith.constant 400 : index
        %parallel_loop3A_515 = tpu.vector_load %arg7[%parallel_loop3A_513, %parallel_loop3A_514] {strides = array<i32>} : memref<32x768xf32, #tpu.memory_space<vmem>>, vector<1x16xf32>,
        %parallel_loop3A_516 = vector.shape_cast %parallel_loop3A_515 : vector<1x16xf32> to vector<16xf32>
        %parallel_loop3A_517 = arith.constant 0 : i32
        %parallel_loop3A_518 = arith.addi %parallel_loop3A_517, %parallel_loop3A_112 : i32
        %parallel_loop3A_519 = arith.index_cast %parallel_loop3A_518 : i32 to index
        %parallel_loop3A_520 = arith.constant 400 : index
        %parallel_loop3A_521 = tpu.vector_load %arg5[%parallel_loop3A_519, %parallel_loop3A_520] {strides = array<i32>} : memref<32x768xf32, #tpu.memory_space<vmem>>, vector<1x16xf32>,
        %parallel_loop3A_522 = vector.shape_cast %parallel_loop3A_521 : vector<1x16xf32> to vector<16xf32>
        %parallel_loop3A_523 = arith.addf %parallel_loop3A_516, %parallel_loop3A_522 : vector<16xf32>
        %parallel_loop3A_524 = arith.index_cast %parallel_loop3A_112 : i32 to index
        %parallel_loop3A_525 = arith.constant 400 : index
        %parallel_loop3A_526 = tpu.vector_load %arg9[%parallel_loop3A_524, %parallel_loop3A_525] {strides = array<i32>} : memref<32x768xf32, #tpu.memory_space<vmem>>, vector<1x16xf32>,
        %parallel_loop3A_527 = vector.shape_cast %parallel_loop3A_526 : vector<1x16xf32> to vector<16xf32>
        %parallel_loop3A_528 = vector.shape_cast %parallel_loop3A_523 : vector<16xf32> to vector<1x16xf32>
        tpu.vector_store %arg9[%parallel_loop3A_524, %parallel_loop3A_525], %parallel_loop3A_528 {strides = array<i32>} : memref<32x768xf32, #tpu.memory_space<vmem>>, vector<1x16xf32>,
        %parallel_loop3A_529 = arith.index_cast %parallel_loop3A_112 : i32 to index
        %parallel_loop3A_530 = arith.constant 416 : index
        %parallel_loop3A_531 = tpu.vector_load %arg7[%parallel_loop3A_529, %parallel_loop3A_530] {strides = array<i32>} : memref<32x768xf32, #tpu.memory_space<vmem>>, vector<1x16xf32>,
        %parallel_loop3A_532 = vector.shape_cast %parallel_loop3A_531 : vector<1x16xf32> to vector<16xf32>
        %parallel_loop3A_533 = arith.constant 0 : i32
        %parallel_loop3A_534 = arith.addi %parallel_loop3A_533, %parallel_loop3A_112 : i32
        %parallel_loop3A_535 = arith.index_cast %parallel_loop3A_534 : i32 to index
        %parallel_loop3A_536 = arith.constant 416 : index
        %parallel_loop3A_537 = tpu.vector_load %arg5[%parallel_loop3A_535, %parallel_loop3A_536] {strides = array<i32>} : memref<32x768xf32, #tpu.memory_space<vmem>>, vector<1x16xf32>,
        %parallel_loop3A_538 = vector.shape_cast %parallel_loop3A_537 : vector<1x16xf32> to vector<16xf32>
        %parallel_loop3A_539 = arith.addf %parallel_loop3A_532, %parallel_loop3A_538 : vector<16xf32>
        %parallel_loop3A_540 = arith.index_cast %parallel_loop3A_112 : i32 to index
        %parallel_loop3A_541 = arith.constant 416 : index
        %parallel_loop3A_542 = tpu.vector_load %arg9[%parallel_loop3A_540, %parallel_loop3A_541] {strides = array<i32>} : memref<32x768xf32, #tpu.memory_space<vmem>>, vector<1x16xf32>,
        %parallel_loop3A_543 = vector.shape_cast %parallel_loop3A_542 : vector<1x16xf32> to vector<16xf32>
        %parallel_loop3A_544 = vector.shape_cast %parallel_loop3A_539 : vector<16xf32> to vector<1x16xf32>
        tpu.vector_store %arg9[%parallel_loop3A_540, %parallel_loop3A_541], %parallel_loop3A_544 {strides = array<i32>} : memref<32x768xf32, #tpu.memory_space<vmem>>, vector<1x16xf32>,
        %parallel_loop3A_545 = arith.index_cast %parallel_loop3A_112 : i32 to index
        %parallel_loop3A_546 = arith.constant 432 : index
        %parallel_loop3A_547 = tpu.vector_load %arg7[%parallel_loop3A_545, %parallel_loop3A_546] {strides = array<i32>} : memref<32x768xf32, #tpu.memory_space<vmem>>, vector<1x16xf32>,
        %parallel_loop3A_548 = vector.shape_cast %parallel_loop3A_547 : vector<1x16xf32> to vector<16xf32>
        %parallel_loop3A_549 = arith.constant 0 : i32
        %parallel_loop3A_550 = arith.addi %parallel_loop3A_549, %parallel_loop3A_112 : i32
        %parallel_loop3A_551 = arith.index_cast %parallel_loop3A_550 : i32 to index
        %parallel_loop3A_552 = arith.constant 432 : index
        %parallel_loop3A_553 = tpu.vector_load %arg5[%parallel_loop3A_551, %parallel_loop3A_552] {strides = array<i32>} : memref<32x768xf32, #tpu.memory_space<vmem>>, vector<1x16xf32>,
        %parallel_loop3A_554 = vector.shape_cast %parallel_loop3A_553 : vector<1x16xf32> to vector<16xf32>
        %parallel_loop3A_555 = arith.addf %parallel_loop3A_548, %parallel_loop3A_554 : vector<16xf32>
        %parallel_loop3A_556 = arith.index_cast %parallel_loop3A_112 : i32 to index
        %parallel_loop3A_557 = arith.constant 432 : index
        %parallel_loop3A_558 = tpu.vector_load %arg9[%parallel_loop3A_556, %parallel_loop3A_557] {strides = array<i32>} : memref<32x768xf32, #tpu.memory_space<vmem>>, vector<1x16xf32>,
        %parallel_loop3A_559 = vector.shape_cast %parallel_loop3A_558 : vector<1x16xf32> to vector<16xf32>
        %parallel_loop3A_560 = vector.shape_cast %parallel_loop3A_555 : vector<16xf32> to vector<1x16xf32>
        tpu.vector_store %arg9[%parallel_loop3A_556, %parallel_loop3A_557], %parallel_loop3A_560 {strides = array<i32>} : memref<32x768xf32, #tpu.memory_space<vmem>>, vector<1x16xf32>,
        %parallel_loop3A_561 = arith.index_cast %parallel_loop3A_112 : i32 to index
        %parallel_loop3A_562 = arith.constant 448 : index
        %parallel_loop3A_563 = tpu.vector_load %arg7[%parallel_loop3A_561, %parallel_loop3A_562] {strides = array<i32>} : memref<32x768xf32, #tpu.memory_space<vmem>>, vector<1x16xf32>,
        %parallel_loop3A_564 = vector.shape_cast %parallel_loop3A_563 : vector<1x16xf32> to vector<16xf32>
        %parallel_loop3A_565 = arith.constant 0 : i32
        %parallel_loop3A_566 = arith.addi %parallel_loop3A_565, %parallel_loop3A_112 : i32
        %parallel_loop3A_567 = arith.index_cast %parallel_loop3A_566 : i32 to index
        %parallel_loop3A_568 = arith.constant 448 : index
        %parallel_loop3A_569 = tpu.vector_load %arg5[%parallel_loop3A_567, %parallel_loop3A_568] {strides = array<i32>} : memref<32x768xf32, #tpu.memory_space<vmem>>, vector<1x16xf32>,
        %parallel_loop3A_570 = vector.shape_cast %parallel_loop3A_569 : vector<1x16xf32> to vector<16xf32>
        %parallel_loop3A_571 = arith.addf %parallel_loop3A_564, %parallel_loop3A_570 : vector<16xf32>
        %parallel_loop3A_572 = arith.index_cast %parallel_loop3A_112 : i32 to index
        %parallel_loop3A_573 = arith.constant 448 : index
        %parallel_loop3A_574 = tpu.vector_load %arg9[%parallel_loop3A_572, %parallel_loop3A_573] {strides = array<i32>} : memref<32x768xf32, #tpu.memory_space<vmem>>, vector<1x16xf32>,
        %parallel_loop3A_575 = vector.shape_cast %parallel_loop3A_574 : vector<1x16xf32> to vector<16xf32>
        %parallel_loop3A_576 = vector.shape_cast %parallel_loop3A_571 : vector<16xf32> to vector<1x16xf32>
        tpu.vector_store %arg9[%parallel_loop3A_572, %parallel_loop3A_573], %parallel_loop3A_576 {strides = array<i32>} : memref<32x768xf32, #tpu.memory_space<vmem>>, vector<1x16xf32>,
        %parallel_loop3A_577 = arith.index_cast %parallel_loop3A_112 : i32 to index
        %parallel_loop3A_578 = arith.constant 464 : index
        %parallel_loop3A_579 = tpu.vector_load %arg7[%parallel_loop3A_577, %parallel_loop3A_578] {strides = array<i32>} : memref<32x768xf32, #tpu.memory_space<vmem>>, vector<1x16xf32>,
        %parallel_loop3A_580 = vector.shape_cast %parallel_loop3A_579 : vector<1x16xf32> to vector<16xf32>
        %parallel_loop3A_581 = arith.constant 0 : i32
        %parallel_loop3A_582 = arith.addi %parallel_loop3A_581, %parallel_loop3A_112 : i32
        %parallel_loop3A_583 = arith.index_cast %parallel_loop3A_582 : i32 to index
        %parallel_loop3A_584 = arith.constant 464 : index
        %parallel_loop3A_585 = tpu.vector_load %arg5[%parallel_loop3A_583, %parallel_loop3A_584] {strides = array<i32>} : memref<32x768xf32, #tpu.memory_space<vmem>>, vector<1x16xf32>,
        %parallel_loop3A_586 = vector.shape_cast %parallel_loop3A_585 : vector<1x16xf32> to vector<16xf32>
        %parallel_loop3A_587 = arith.addf %parallel_loop3A_580, %parallel_loop3A_586 : vector<16xf32>
        %parallel_loop3A_588 = arith.index_cast %parallel_loop3A_112 : i32 to index
        %parallel_loop3A_589 = arith.constant 464 : index
        %parallel_loop3A_590 = tpu.vector_load %arg9[%parallel_loop3A_588, %parallel_loop3A_589] {strides = array<i32>} : memref<32x768xf32, #tpu.memory_space<vmem>>, vector<1x16xf32>,
        %parallel_loop3A_591 = vector.shape_cast %parallel_loop3A_590 : vector<1x16xf32> to vector<16xf32>
        %parallel_loop3A_592 = vector.shape_cast %parallel_loop3A_587 : vector<16xf32> to vector<1x16xf32>
        tpu.vector_store %arg9[%parallel_loop3A_588, %parallel_loop3A_589], %parallel_loop3A_592 {strides = array<i32>} : memref<32x768xf32, #tpu.memory_space<vmem>>, vector<1x16xf32>,
        %parallel_loop3A_593 = arith.index_cast %parallel_loop3A_112 : i32 to index
        %parallel_loop3A_594 = arith.constant 480 : index
        %parallel_loop3A_595 = tpu.vector_load %arg7[%parallel_loop3A_593, %parallel_loop3A_594] {strides = array<i32>} : memref<32x768xf32, #tpu.memory_space<vmem>>, vector<1x16xf32>,
        %parallel_loop3A_596 = vector.shape_cast %parallel_loop3A_595 : vector<1x16xf32> to vector<16xf32>
        %parallel_loop3A_597 = arith.constant 0 : i32
        %parallel_loop3A_598 = arith.addi %parallel_loop3A_597, %parallel_loop3A_112 : i32
        %parallel_loop3A_599 = arith.index_cast %parallel_loop3A_598 : i32 to index
        %parallel_loop3A_600 = arith.constant 480 : index
        %parallel_loop3A_601 = tpu.vector_load %arg5[%parallel_loop3A_599, %parallel_loop3A_600] {strides = array<i32>} : memref<32x768xf32, #tpu.memory_space<vmem>>, vector<1x16xf32>,
        %parallel_loop3A_602 = vector.shape_cast %parallel_loop3A_601 : vector<1x16xf32> to vector<16xf32>
        %parallel_loop3A_603 = arith.addf %parallel_loop3A_596, %parallel_loop3A_602 : vector<16xf32>
        %parallel_loop3A_604 = arith.index_cast %parallel_loop3A_112 : i32 to index
        %parallel_loop3A_605 = arith.constant 480 : index
        %parallel_loop3A_606 = tpu.vector_load %arg9[%parallel_loop3A_604, %parallel_loop3A_605] {strides = array<i32>} : memref<32x768xf32, #tpu.memory_space<vmem>>, vector<1x16xf32>,
        %parallel_loop3A_607 = vector.shape_cast %parallel_loop3A_606 : vector<1x16xf32> to vector<16xf32>
        %parallel_loop3A_608 = vector.shape_cast %parallel_loop3A_603 : vector<16xf32> to vector<1x16xf32>
        tpu.vector_store %arg9[%parallel_loop3A_604, %parallel_loop3A_605], %parallel_loop3A_608 {strides = array<i32>} : memref<32x768xf32, #tpu.memory_space<vmem>>, vector<1x16xf32>,
        %parallel_loop3A_609 = arith.index_cast %parallel_loop3A_112 : i32 to index
        %parallel_loop3A_610 = arith.constant 496 : index
        %parallel_loop3A_611 = tpu.vector_load %arg7[%parallel_loop3A_609, %parallel_loop3A_610] {strides = array<i32>} : memref<32x768xf32, #tpu.memory_space<vmem>>, vector<1x16xf32>,
        %parallel_loop3A_612 = vector.shape_cast %parallel_loop3A_611 : vector<1x16xf32> to vector<16xf32>
        %parallel_loop3A_613 = arith.constant 0 : i32
        %parallel_loop3A_614 = arith.addi %parallel_loop3A_613, %parallel_loop3A_112 : i32
        %parallel_loop3A_615 = arith.index_cast %parallel_loop3A_614 : i32 to index
        %parallel_loop3A_616 = arith.constant 496 : index
        %parallel_loop3A_617 = tpu.vector_load %arg5[%parallel_loop3A_615, %parallel_loop3A_616] {strides = array<i32>} : memref<32x768xf32, #tpu.memory_space<vmem>>, vector<1x16xf32>,
        %parallel_loop3A_618 = vector.shape_cast %parallel_loop3A_617 : vector<1x16xf32> to vector<16xf32>
        %parallel_loop3A_619 = arith.addf %parallel_loop3A_612, %parallel_loop3A_618 : vector<16xf32>
        %parallel_loop3A_620 = arith.index_cast %parallel_loop3A_112 : i32 to index
        %parallel_loop3A_621 = arith.constant 496 : index
        %parallel_loop3A_622 = tpu.vector_load %arg9[%parallel_loop3A_620, %parallel_loop3A_621] {strides = array<i32>} : memref<32x768xf32, #tpu.memory_space<vmem>>, vector<1x16xf32>,
        %parallel_loop3A_623 = vector.shape_cast %parallel_loop3A_622 : vector<1x16xf32> to vector<16xf32>
        %parallel_loop3A_624 = vector.shape_cast %parallel_loop3A_619 : vector<16xf32> to vector<1x16xf32>
        tpu.vector_store %arg9[%parallel_loop3A_620, %parallel_loop3A_621], %parallel_loop3A_624 {strides = array<i32>} : memref<32x768xf32, #tpu.memory_space<vmem>>, vector<1x16xf32>,
        %parallel_loop3A_625 = arith.index_cast %parallel_loop3A_112 : i32 to index
        %parallel_loop3A_626 = arith.constant 512 : index
        %parallel_loop3A_627 = tpu.vector_load %arg7[%parallel_loop3A_625, %parallel_loop3A_626] {strides = array<i32>} : memref<32x768xf32, #tpu.memory_space<vmem>>, vector<1x16xf32>,
        %parallel_loop3A_628 = vector.shape_cast %parallel_loop3A_627 : vector<1x16xf32> to vector<16xf32>
        %parallel_loop3A_629 = arith.constant 0 : i32
        %parallel_loop3A_630 = arith.addi %parallel_loop3A_629, %parallel_loop3A_112 : i32
        %parallel_loop3A_631 = arith.index_cast %parallel_loop3A_630 : i32 to index
        %parallel_loop3A_632 = arith.constant 512 : index
        %parallel_loop3A_633 = tpu.vector_load %arg5[%parallel_loop3A_631, %parallel_loop3A_632] {strides = array<i32>} : memref<32x768xf32, #tpu.memory_space<vmem>>, vector<1x16xf32>,
        %parallel_loop3A_634 = vector.shape_cast %parallel_loop3A_633 : vector<1x16xf32> to vector<16xf32>
        %parallel_loop3A_635 = arith.addf %parallel_loop3A_628, %parallel_loop3A_634 : vector<16xf32>
        %parallel_loop3A_636 = arith.index_cast %parallel_loop3A_112 : i32 to index
        %parallel_loop3A_637 = arith.constant 512 : index
        %parallel_loop3A_638 = tpu.vector_load %arg9[%parallel_loop3A_636, %parallel_loop3A_637] {strides = array<i32>} : memref<32x768xf32, #tpu.memory_space<vmem>>, vector<1x16xf32>,
        %parallel_loop3A_639 = vector.shape_cast %parallel_loop3A_638 : vector<1x16xf32> to vector<16xf32>
        %parallel_loop3A_640 = vector.shape_cast %parallel_loop3A_635 : vector<16xf32> to vector<1x16xf32>
        tpu.vector_store %arg9[%parallel_loop3A_636, %parallel_loop3A_637], %parallel_loop3A_640 {strides = array<i32>} : memref<32x768xf32, #tpu.memory_space<vmem>>, vector<1x16xf32>,
        %parallel_loop3A_641 = arith.index_cast %parallel_loop3A_112 : i32 to index
        %parallel_loop3A_642 = arith.constant 528 : index
        %parallel_loop3A_643 = tpu.vector_load %arg7[%parallel_loop3A_641, %parallel_loop3A_642] {strides = array<i32>} : memref<32x768xf32, #tpu.memory_space<vmem>>, vector<1x16xf32>,
        %parallel_loop3A_644 = vector.shape_cast %parallel_loop3A_643 : vector<1x16xf32> to vector<16xf32>
        %parallel_loop3A_645 = arith.constant 0 : i32
        %parallel_loop3A_646 = arith.addi %parallel_loop3A_645, %parallel_loop3A_112 : i32
        %parallel_loop3A_647 = arith.index_cast %parallel_loop3A_646 : i32 to index
        %parallel_loop3A_648 = arith.constant 528 : index
        %parallel_loop3A_649 = tpu.vector_load %arg5[%parallel_loop3A_647, %parallel_loop3A_648] {strides = array<i32>} : memref<32x768xf32, #tpu.memory_space<vmem>>, vector<1x16xf32>,
        %parallel_loop3A_650 = vector.shape_cast %parallel_loop3A_649 : vector<1x16xf32> to vector<16xf32>
        %parallel_loop3A_651 = arith.addf %parallel_loop3A_644, %parallel_loop3A_650 : vector<16xf32>
        %parallel_loop3A_652 = arith.index_cast %parallel_loop3A_112 : i32 to index
        %parallel_loop3A_653 = arith.constant 528 : index
        %parallel_loop3A_654 = tpu.vector_load %arg9[%parallel_loop3A_652, %parallel_loop3A_653] {strides = array<i32>} : memref<32x768xf32, #tpu.memory_space<vmem>>, vector<1x16xf32>,
        %parallel_loop3A_655 = vector.shape_cast %parallel_loop3A_654 : vector<1x16xf32> to vector<16xf32>
        %parallel_loop3A_656 = vector.shape_cast %parallel_loop3A_651 : vector<16xf32> to vector<1x16xf32>
        tpu.vector_store %arg9[%parallel_loop3A_652, %parallel_loop3A_653], %parallel_loop3A_656 {strides = array<i32>} : memref<32x768xf32, #tpu.memory_space<vmem>>, vector<1x16xf32>,
        %parallel_loop3A_657 = arith.index_cast %parallel_loop3A_112 : i32 to index
        %parallel_loop3A_658 = arith.constant 544 : index
        %parallel_loop3A_659 = tpu.vector_load %arg7[%parallel_loop3A_657, %parallel_loop3A_658] {strides = array<i32>} : memref<32x768xf32, #tpu.memory_space<vmem>>, vector<1x16xf32>,
        %parallel_loop3A_660 = vector.shape_cast %parallel_loop3A_659 : vector<1x16xf32> to vector<16xf32>
        %parallel_loop3A_661 = arith.constant 0 : i32
        %parallel_loop3A_662 = arith.addi %parallel_loop3A_661, %parallel_loop3A_112 : i32
        %parallel_loop3A_663 = arith.index_cast %parallel_loop3A_662 : i32 to index
        %parallel_loop3A_664 = arith.constant 544 : index
        %parallel_loop3A_665 = tpu.vector_load %arg5[%parallel_loop3A_663, %parallel_loop3A_664] {strides = array<i32>} : memref<32x768xf32, #tpu.memory_space<vmem>>, vector<1x16xf32>,
        %parallel_loop3A_666 = vector.shape_cast %parallel_loop3A_665 : vector<1x16xf32> to vector<16xf32>
        %parallel_loop3A_667 = arith.addf %parallel_loop3A_660, %parallel_loop3A_666 : vector<16xf32>
        %parallel_loop3A_668 = arith.index_cast %parallel_loop3A_112 : i32 to index
        %parallel_loop3A_669 = arith.constant 544 : index
        %parallel_loop3A_670 = tpu.vector_load %arg9[%parallel_loop3A_668, %parallel_loop3A_669] {strides = array<i32>} : memref<32x768xf32, #tpu.memory_space<vmem>>, vector<1x16xf32>,
        %parallel_loop3A_671 = vector.shape_cast %parallel_loop3A_670 : vector<1x16xf32> to vector<16xf32>
        %parallel_loop3A_672 = vector.shape_cast %parallel_loop3A_667 : vector<16xf32> to vector<1x16xf32>
        tpu.vector_store %arg9[%parallel_loop3A_668, %parallel_loop3A_669], %parallel_loop3A_672 {strides = array<i32>} : memref<32x768xf32, #tpu.memory_space<vmem>>, vector<1x16xf32>,
        %parallel_loop3A_673 = arith.index_cast %parallel_loop3A_112 : i32 to index
        %parallel_loop3A_674 = arith.constant 560 : index
        %parallel_loop3A_675 = tpu.vector_load %arg7[%parallel_loop3A_673, %parallel_loop3A_674] {strides = array<i32>} : memref<32x768xf32, #tpu.memory_space<vmem>>, vector<1x16xf32>,
        %parallel_loop3A_676 = vector.shape_cast %parallel_loop3A_675 : vector<1x16xf32> to vector<16xf32>
        %parallel_loop3A_677 = arith.constant 0 : i32
        %parallel_loop3A_678 = arith.addi %parallel_loop3A_677, %parallel_loop3A_112 : i32
        %parallel_loop3A_679 = arith.index_cast %parallel_loop3A_678 : i32 to index
        %parallel_loop3A_680 = arith.constant 560 : index
        %parallel_loop3A_681 = tpu.vector_load %arg5[%parallel_loop3A_679, %parallel_loop3A_680] {strides = array<i32>} : memref<32x768xf32, #tpu.memory_space<vmem>>, vector<1x16xf32>,
        %parallel_loop3A_682 = vector.shape_cast %parallel_loop3A_681 : vector<1x16xf32> to vector<16xf32>
        %parallel_loop3A_683 = arith.addf %parallel_loop3A_676, %parallel_loop3A_682 : vector<16xf32>
        %parallel_loop3A_684 = arith.index_cast %parallel_loop3A_112 : i32 to index
        %parallel_loop3A_685 = arith.constant 560 : index
        %parallel_loop3A_686 = tpu.vector_load %arg9[%parallel_loop3A_684, %parallel_loop3A_685] {strides = array<i32>} : memref<32x768xf32, #tpu.memory_space<vmem>>, vector<1x16xf32>,
        %parallel_loop3A_687 = vector.shape_cast %parallel_loop3A_686 : vector<1x16xf32> to vector<16xf32>
        %parallel_loop3A_688 = vector.shape_cast %parallel_loop3A_683 : vector<16xf32> to vector<1x16xf32>
        tpu.vector_store %arg9[%parallel_loop3A_684, %parallel_loop3A_685], %parallel_loop3A_688 {strides = array<i32>} : memref<32x768xf32, #tpu.memory_space<vmem>>, vector<1x16xf32>,
        %parallel_loop3A_689 = arith.index_cast %parallel_loop3A_112 : i32 to index
        %parallel_loop3A_690 = arith.constant 576 : index
        %parallel_loop3A_691 = tpu.vector_load %arg7[%parallel_loop3A_689, %parallel_loop3A_690] {strides = array<i32>} : memref<32x768xf32, #tpu.memory_space<vmem>>, vector<1x16xf32>,
        %parallel_loop3A_692 = vector.shape_cast %parallel_loop3A_691 : vector<1x16xf32> to vector<16xf32>
        %parallel_loop3A_693 = arith.constant 0 : i32
        %parallel_loop3A_694 = arith.addi %parallel_loop3A_693, %parallel_loop3A_112 : i32
        %parallel_loop3A_695 = arith.index_cast %parallel_loop3A_694 : i32 to index
        %parallel_loop3A_696 = arith.constant 576 : index
        %parallel_loop3A_697 = tpu.vector_load %arg5[%parallel_loop3A_695, %parallel_loop3A_696] {strides = array<i32>} : memref<32x768xf32, #tpu.memory_space<vmem>>, vector<1x16xf32>,
        %parallel_loop3A_698 = vector.shape_cast %parallel_loop3A_697 : vector<1x16xf32> to vector<16xf32>
        %parallel_loop3A_699 = arith.addf %parallel_loop3A_692, %parallel_loop3A_698 : vector<16xf32>
        %parallel_loop3A_700 = arith.index_cast %parallel_loop3A_112 : i32 to index
        %parallel_loop3A_701 = arith.constant 576 : index
        %parallel_loop3A_702 = tpu.vector_load %arg9[%parallel_loop3A_700, %parallel_loop3A_701] {strides = array<i32>} : memref<32x768xf32, #tpu.memory_space<vmem>>, vector<1x16xf32>,
        %parallel_loop3A_703 = vector.shape_cast %parallel_loop3A_702 : vector<1x16xf32> to vector<16xf32>
        %parallel_loop3A_704 = vector.shape_cast %parallel_loop3A_699 : vector<16xf32> to vector<1x16xf32>
        tpu.vector_store %arg9[%parallel_loop3A_700, %parallel_loop3A_701], %parallel_loop3A_704 {strides = array<i32>} : memref<32x768xf32, #tpu.memory_space<vmem>>, vector<1x16xf32>,
        %parallel_loop3A_705 = arith.index_cast %parallel_loop3A_112 : i32 to index
        %parallel_loop3A_706 = arith.constant 592 : index
        %parallel_loop3A_707 = tpu.vector_load %arg7[%parallel_loop3A_705, %parallel_loop3A_706] {strides = array<i32>} : memref<32x768xf32, #tpu.memory_space<vmem>>, vector<1x16xf32>,
        %parallel_loop3A_708 = vector.shape_cast %parallel_loop3A_707 : vector<1x16xf32> to vector<16xf32>
        %parallel_loop3A_709 = arith.constant 0 : i32
        %parallel_loop3A_710 = arith.addi %parallel_loop3A_709, %parallel_loop3A_112 : i32
        %parallel_loop3A_711 = arith.index_cast %parallel_loop3A_710 : i32 to index
        %parallel_loop3A_712 = arith.constant 592 : index
        %parallel_loop3A_713 = tpu.vector_load %arg5[%parallel_loop3A_711, %parallel_loop3A_712] {strides = array<i32>} : memref<32x768xf32, #tpu.memory_space<vmem>>, vector<1x16xf32>,
        %parallel_loop3A_714 = vector.shape_cast %parallel_loop3A_713 : vector<1x16xf32> to vector<16xf32>
        %parallel_loop3A_715 = arith.addf %parallel_loop3A_708, %parallel_loop3A_714 : vector<16xf32>
        %parallel_loop3A_716 = arith.index_cast %parallel_loop3A_112 : i32 to index
        %parallel_loop3A_717 = arith.constant 592 : index
        %parallel_loop3A_718 = tpu.vector_load %arg9[%parallel_loop3A_716, %parallel_loop3A_717] {strides = array<i32>} : memref<32x768xf32, #tpu.memory_space<vmem>>, vector<1x16xf32>,
        %parallel_loop3A_719 = vector.shape_cast %parallel_loop3A_718 : vector<1x16xf32> to vector<16xf32>
        %parallel_loop3A_720 = vector.shape_cast %parallel_loop3A_715 : vector<16xf32> to vector<1x16xf32>
        tpu.vector_store %arg9[%parallel_loop3A_716, %parallel_loop3A_717], %parallel_loop3A_720 {strides = array<i32>} : memref<32x768xf32, #tpu.memory_space<vmem>>, vector<1x16xf32>,
        %parallel_loop3A_721 = arith.index_cast %parallel_loop3A_112 : i32 to index
        %parallel_loop3A_722 = arith.constant 608 : index
        %parallel_loop3A_723 = tpu.vector_load %arg7[%parallel_loop3A_721, %parallel_loop3A_722] {strides = array<i32>} : memref<32x768xf32, #tpu.memory_space<vmem>>, vector<1x16xf32>,
        %parallel_loop3A_724 = vector.shape_cast %parallel_loop3A_723 : vector<1x16xf32> to vector<16xf32>
        %parallel_loop3A_725 = arith.constant 0 : i32
        %parallel_loop3A_726 = arith.addi %parallel_loop3A_725, %parallel_loop3A_112 : i32
        %parallel_loop3A_727 = arith.index_cast %parallel_loop3A_726 : i32 to index
        %parallel_loop3A_728 = arith.constant 608 : index
        %parallel_loop3A_729 = tpu.vector_load %arg5[%parallel_loop3A_727, %parallel_loop3A_728] {strides = array<i32>} : memref<32x768xf32, #tpu.memory_space<vmem>>, vector<1x16xf32>,
        %parallel_loop3A_730 = vector.shape_cast %parallel_loop3A_729 : vector<1x16xf32> to vector<16xf32>
        %parallel_loop3A_731 = arith.addf %parallel_loop3A_724, %parallel_loop3A_730 : vector<16xf32>
        %parallel_loop3A_732 = arith.index_cast %parallel_loop3A_112 : i32 to index
        %parallel_loop3A_733 = arith.constant 608 : index
        %parallel_loop3A_734 = tpu.vector_load %arg9[%parallel_loop3A_732, %parallel_loop3A_733] {strides = array<i32>} : memref<32x768xf32, #tpu.memory_space<vmem>>, vector<1x16xf32>,
        %parallel_loop3A_735 = vector.shape_cast %parallel_loop3A_734 : vector<1x16xf32> to vector<16xf32>
        %parallel_loop3A_736 = vector.shape_cast %parallel_loop3A_731 : vector<16xf32> to vector<1x16xf32>
        tpu.vector_store %arg9[%parallel_loop3A_732, %parallel_loop3A_733], %parallel_loop3A_736 {strides = array<i32>} : memref<32x768xf32, #tpu.memory_space<vmem>>, vector<1x16xf32>,
        %parallel_loop3A_737 = arith.index_cast %parallel_loop3A_112 : i32 to index
        %parallel_loop3A_738 = arith.constant 624 : index
        %parallel_loop3A_739 = tpu.vector_load %arg7[%parallel_loop3A_737, %parallel_loop3A_738] {strides = array<i32>} : memref<32x768xf32, #tpu.memory_space<vmem>>, vector<1x16xf32>,
        %parallel_loop3A_740 = vector.shape_cast %parallel_loop3A_739 : vector<1x16xf32> to vector<16xf32>
        %parallel_loop3A_741 = arith.constant 0 : i32
        %parallel_loop3A_742 = arith.addi %parallel_loop3A_741, %parallel_loop3A_112 : i32
        %parallel_loop3A_743 = arith.index_cast %parallel_loop3A_742 : i32 to index
        %parallel_loop3A_744 = arith.constant 624 : index
        %parallel_loop3A_745 = tpu.vector_load %arg5[%parallel_loop3A_743, %parallel_loop3A_744] {strides = array<i32>} : memref<32x768xf32, #tpu.memory_space<vmem>>, vector<1x16xf32>,
        %parallel_loop3A_746 = vector.shape_cast %parallel_loop3A_745 : vector<1x16xf32> to vector<16xf32>
        %parallel_loop3A_747 = arith.addf %parallel_loop3A_740, %parallel_loop3A_746 : vector<16xf32>
        %parallel_loop3A_748 = arith.index_cast %parallel_loop3A_112 : i32 to index
        %parallel_loop3A_749 = arith.constant 624 : index
        %parallel_loop3A_750 = tpu.vector_load %arg9[%parallel_loop3A_748, %parallel_loop3A_749] {strides = array<i32>} : memref<32x768xf32, #tpu.memory_space<vmem>>, vector<1x16xf32>,
        %parallel_loop3A_751 = vector.shape_cast %parallel_loop3A_750 : vector<1x16xf32> to vector<16xf32>
        %parallel_loop3A_752 = vector.shape_cast %parallel_loop3A_747 : vector<16xf32> to vector<1x16xf32>
        tpu.vector_store %arg9[%parallel_loop3A_748, %parallel_loop3A_749], %parallel_loop3A_752 {strides = array<i32>} : memref<32x768xf32, #tpu.memory_space<vmem>>, vector<1x16xf32>,
        %parallel_loop3A_753 = arith.index_cast %parallel_loop3A_112 : i32 to index
        %parallel_loop3A_754 = arith.constant 640 : index
        %parallel_loop3A_755 = tpu.vector_load %arg7[%parallel_loop3A_753, %parallel_loop3A_754] {strides = array<i32>} : memref<32x768xf32, #tpu.memory_space<vmem>>, vector<1x16xf32>,
        %parallel_loop3A_756 = vector.shape_cast %parallel_loop3A_755 : vector<1x16xf32> to vector<16xf32>
        %parallel_loop3A_757 = arith.constant 0 : i32
        %parallel_loop3A_758 = arith.addi %parallel_loop3A_757, %parallel_loop3A_112 : i32
        %parallel_loop3A_759 = arith.index_cast %parallel_loop3A_758 : i32 to index
        %parallel_loop3A_760 = arith.constant 640 : index
        %parallel_loop3A_761 = tpu.vector_load %arg5[%parallel_loop3A_759, %parallel_loop3A_760] {strides = array<i32>} : memref<32x768xf32, #tpu.memory_space<vmem>>, vector<1x16xf32>,
        %parallel_loop3A_762 = vector.shape_cast %parallel_loop3A_761 : vector<1x16xf32> to vector<16xf32>
        %parallel_loop3A_763 = arith.addf %parallel_loop3A_756, %parallel_loop3A_762 : vector<16xf32>
        %parallel_loop3A_764 = arith.index_cast %parallel_loop3A_112 : i32 to index
        %parallel_loop3A_765 = arith.constant 640 : index
        %parallel_loop3A_766 = tpu.vector_load %arg9[%parallel_loop3A_764, %parallel_loop3A_765] {strides = array<i32>} : memref<32x768xf32, #tpu.memory_space<vmem>>, vector<1x16xf32>,
        %parallel_loop3A_767 = vector.shape_cast %parallel_loop3A_766 : vector<1x16xf32> to vector<16xf32>
        %parallel_loop3A_768 = vector.shape_cast %parallel_loop3A_763 : vector<16xf32> to vector<1x16xf32>
        tpu.vector_store %arg9[%parallel_loop3A_764, %parallel_loop3A_765], %parallel_loop3A_768 {strides = array<i32>} : memref<32x768xf32, #tpu.memory_space<vmem>>, vector<1x16xf32>,
        %parallel_loop3A_769 = arith.index_cast %parallel_loop3A_112 : i32 to index
        %parallel_loop3A_770 = arith.constant 656 : index
        %parallel_loop3A_771 = tpu.vector_load %arg7[%parallel_loop3A_769, %parallel_loop3A_770] {strides = array<i32>} : memref<32x768xf32, #tpu.memory_space<vmem>>, vector<1x16xf32>,
        %parallel_loop3A_772 = vector.shape_cast %parallel_loop3A_771 : vector<1x16xf32> to vector<16xf32>
        %parallel_loop3A_773 = arith.constant 0 : i32
        %parallel_loop3A_774 = arith.addi %parallel_loop3A_773, %parallel_loop3A_112 : i32
        %parallel_loop3A_775 = arith.index_cast %parallel_loop3A_774 : i32 to index
        %parallel_loop3A_776 = arith.constant 656 : index
        %parallel_loop3A_777 = tpu.vector_load %arg5[%parallel_loop3A_775, %parallel_loop3A_776] {strides = array<i32>} : memref<32x768xf32, #tpu.memory_space<vmem>>, vector<1x16xf32>,
        %parallel_loop3A_778 = vector.shape_cast %parallel_loop3A_777 : vector<1x16xf32> to vector<16xf32>
        %parallel_loop3A_779 = arith.addf %parallel_loop3A_772, %parallel_loop3A_778 : vector<16xf32>
        %parallel_loop3A_780 = arith.index_cast %parallel_loop3A_112 : i32 to index
        %parallel_loop3A_781 = arith.constant 656 : index
        %parallel_loop3A_782 = tpu.vector_load %arg9[%parallel_loop3A_780, %parallel_loop3A_781] {strides = array<i32>} : memref<32x768xf32, #tpu.memory_space<vmem>>, vector<1x16xf32>,
        %parallel_loop3A_783 = vector.shape_cast %parallel_loop3A_782 : vector<1x16xf32> to vector<16xf32>
        %parallel_loop3A_784 = vector.shape_cast %parallel_loop3A_779 : vector<16xf32> to vector<1x16xf32>
        tpu.vector_store %arg9[%parallel_loop3A_780, %parallel_loop3A_781], %parallel_loop3A_784 {strides = array<i32>} : memref<32x768xf32, #tpu.memory_space<vmem>>, vector<1x16xf32>,
        %parallel_loop3A_785 = arith.index_cast %parallel_loop3A_112 : i32 to index
        %parallel_loop3A_786 = arith.constant 672 : index
        %parallel_loop3A_787 = tpu.vector_load %arg7[%parallel_loop3A_785, %parallel_loop3A_786] {strides = array<i32>} : memref<32x768xf32, #tpu.memory_space<vmem>>, vector<1x16xf32>,
        %parallel_loop3A_788 = vector.shape_cast %parallel_loop3A_787 : vector<1x16xf32> to vector<16xf32>
        %parallel_loop3A_789 = arith.constant 0 : i32
        %parallel_loop3A_790 = arith.addi %parallel_loop3A_789, %parallel_loop3A_112 : i32
        %parallel_loop3A_791 = arith.index_cast %parallel_loop3A_790 : i32 to index
        %parallel_loop3A_792 = arith.constant 672 : index
        %parallel_loop3A_793 = tpu.vector_load %arg5[%parallel_loop3A_791, %parallel_loop3A_792] {strides = array<i32>} : memref<32x768xf32, #tpu.memory_space<vmem>>, vector<1x16xf32>,
        %parallel_loop3A_794 = vector.shape_cast %parallel_loop3A_793 : vector<1x16xf32> to vector<16xf32>
        %parallel_loop3A_795 = arith.addf %parallel_loop3A_788, %parallel_loop3A_794 : vector<16xf32>
        %parallel_loop3A_796 = arith.index_cast %parallel_loop3A_112 : i32 to index
        %parallel_loop3A_797 = arith.constant 672 : index
        %parallel_loop3A_798 = tpu.vector_load %arg9[%parallel_loop3A_796, %parallel_loop3A_797] {strides = array<i32>} : memref<32x768xf32, #tpu.memory_space<vmem>>, vector<1x16xf32>,
        %parallel_loop3A_799 = vector.shape_cast %parallel_loop3A_798 : vector<1x16xf32> to vector<16xf32>
        %parallel_loop3A_800 = vector.shape_cast %parallel_loop3A_795 : vector<16xf32> to vector<1x16xf32>
        tpu.vector_store %arg9[%parallel_loop3A_796, %parallel_loop3A_797], %parallel_loop3A_800 {strides = array<i32>} : memref<32x768xf32, #tpu.memory_space<vmem>>, vector<1x16xf32>,
        %parallel_loop3A_801 = arith.index_cast %parallel_loop3A_112 : i32 to index
        %parallel_loop3A_802 = arith.constant 688 : index
        %parallel_loop3A_803 = tpu.vector_load %arg7[%parallel_loop3A_801, %parallel_loop3A_802] {strides = array<i32>} : memref<32x768xf32, #tpu.memory_space<vmem>>, vector<1x16xf32>,
        %parallel_loop3A_804 = vector.shape_cast %parallel_loop3A_803 : vector<1x16xf32> to vector<16xf32>
        %parallel_loop3A_805 = arith.constant 0 : i32
        %parallel_loop3A_806 = arith.addi %parallel_loop3A_805, %parallel_loop3A_112 : i32
        %parallel_loop3A_807 = arith.index_cast %parallel_loop3A_806 : i32 to index
        %parallel_loop3A_808 = arith.constant 688 : index
        %parallel_loop3A_809 = tpu.vector_load %arg5[%parallel_loop3A_807, %parallel_loop3A_808] {strides = array<i32>} : memref<32x768xf32, #tpu.memory_space<vmem>>, vector<1x16xf32>,
        %parallel_loop3A_810 = vector.shape_cast %parallel_loop3A_809 : vector<1x16xf32> to vector<16xf32>
        %parallel_loop3A_811 = arith.addf %parallel_loop3A_804, %parallel_loop3A_810 : vector<16xf32>
        %parallel_loop3A_812 = arith.index_cast %parallel_loop3A_112 : i32 to index
        %parallel_loop3A_813 = arith.constant 688 : index
        %parallel_loop3A_814 = tpu.vector_load %arg9[%parallel_loop3A_812, %parallel_loop3A_813] {strides = array<i32>} : memref<32x768xf32, #tpu.memory_space<vmem>>, vector<1x16xf32>,
        %parallel_loop3A_815 = vector.shape_cast %parallel_loop3A_814 : vector<1x16xf32> to vector<16xf32>
        %parallel_loop3A_816 = vector.shape_cast %parallel_loop3A_811 : vector<16xf32> to vector<1x16xf32>
        tpu.vector_store %arg9[%parallel_loop3A_812, %parallel_loop3A_813], %parallel_loop3A_816 {strides = array<i32>} : memref<32x768xf32, #tpu.memory_space<vmem>>, vector<1x16xf32>,
        %parallel_loop3A_817 = arith.index_cast %parallel_loop3A_112 : i32 to index
        %parallel_loop3A_818 = arith.constant 704 : index
        %parallel_loop3A_819 = tpu.vector_load %arg7[%parallel_loop3A_817, %parallel_loop3A_818] {strides = array<i32>} : memref<32x768xf32, #tpu.memory_space<vmem>>, vector<1x16xf32>,
        %parallel_loop3A_820 = vector.shape_cast %parallel_loop3A_819 : vector<1x16xf32> to vector<16xf32>
        %parallel_loop3A_821 = arith.constant 0 : i32
        %parallel_loop3A_822 = arith.addi %parallel_loop3A_821, %parallel_loop3A_112 : i32
        %parallel_loop3A_823 = arith.index_cast %parallel_loop3A_822 : i32 to index
        %parallel_loop3A_824 = arith.constant 704 : index
        %parallel_loop3A_825 = tpu.vector_load %arg5[%parallel_loop3A_823, %parallel_loop3A_824] {strides = array<i32>} : memref<32x768xf32, #tpu.memory_space<vmem>>, vector<1x16xf32>,
        %parallel_loop3A_826 = vector.shape_cast %parallel_loop3A_825 : vector<1x16xf32> to vector<16xf32>
        %parallel_loop3A_827 = arith.addf %parallel_loop3A_820, %parallel_loop3A_826 : vector<16xf32>
        %parallel_loop3A_828 = arith.index_cast %parallel_loop3A_112 : i32 to index
        %parallel_loop3A_829 = arith.constant 704 : index
        %parallel_loop3A_830 = tpu.vector_load %arg9[%parallel_loop3A_828, %parallel_loop3A_829] {strides = array<i32>} : memref<32x768xf32, #tpu.memory_space<vmem>>, vector<1x16xf32>,
        %parallel_loop3A_831 = vector.shape_cast %parallel_loop3A_830 : vector<1x16xf32> to vector<16xf32>
        %parallel_loop3A_832 = vector.shape_cast %parallel_loop3A_827 : vector<16xf32> to vector<1x16xf32>
        tpu.vector_store %arg9[%parallel_loop3A_828, %parallel_loop3A_829], %parallel_loop3A_832 {strides = array<i32>} : memref<32x768xf32, #tpu.memory_space<vmem>>, vector<1x16xf32>,
        %parallel_loop3A_833 = arith.index_cast %parallel_loop3A_112 : i32 to index
        %parallel_loop3A_834 = arith.constant 720 : index
        %parallel_loop3A_835 = tpu.vector_load %arg7[%parallel_loop3A_833, %parallel_loop3A_834] {strides = array<i32>} : memref<32x768xf32, #tpu.memory_space<vmem>>, vector<1x16xf32>,
        %parallel_loop3A_836 = vector.shape_cast %parallel_loop3A_835 : vector<1x16xf32> to vector<16xf32>
        %parallel_loop3A_837 = arith.constant 0 : i32
        %parallel_loop3A_838 = arith.addi %parallel_loop3A_837, %parallel_loop3A_112 : i32
        %parallel_loop3A_839 = arith.index_cast %parallel_loop3A_838 : i32 to index
        %parallel_loop3A_840 = arith.constant 720 : index
        %parallel_loop3A_841 = tpu.vector_load %arg5[%parallel_loop3A_839, %parallel_loop3A_840] {strides = array<i32>} : memref<32x768xf32, #tpu.memory_space<vmem>>, vector<1x16xf32>,
        %parallel_loop3A_842 = vector.shape_cast %parallel_loop3A_841 : vector<1x16xf32> to vector<16xf32>
        %parallel_loop3A_843 = arith.addf %parallel_loop3A_836, %parallel_loop3A_842 : vector<16xf32>
        %parallel_loop3A_844 = arith.index_cast %parallel_loop3A_112 : i32 to index
        %parallel_loop3A_845 = arith.constant 720 : index
        %parallel_loop3A_846 = tpu.vector_load %arg9[%parallel_loop3A_844, %parallel_loop3A_845] {strides = array<i32>} : memref<32x768xf32, #tpu.memory_space<vmem>>, vector<1x16xf32>,
        %parallel_loop3A_847 = vector.shape_cast %parallel_loop3A_846 : vector<1x16xf32> to vector<16xf32>
        %parallel_loop3A_848 = vector.shape_cast %parallel_loop3A_843 : vector<16xf32> to vector<1x16xf32>
        tpu.vector_store %arg9[%parallel_loop3A_844, %parallel_loop3A_845], %parallel_loop3A_848 {strides = array<i32>} : memref<32x768xf32, #tpu.memory_space<vmem>>, vector<1x16xf32>,
        %parallel_loop3A_849 = arith.index_cast %parallel_loop3A_112 : i32 to index
        %parallel_loop3A_850 = arith.constant 736 : index
        %parallel_loop3A_851 = tpu.vector_load %arg7[%parallel_loop3A_849, %parallel_loop3A_850] {strides = array<i32>} : memref<32x768xf32, #tpu.memory_space<vmem>>, vector<1x16xf32>,
        %parallel_loop3A_852 = vector.shape_cast %parallel_loop3A_851 : vector<1x16xf32> to vector<16xf32>
        %parallel_loop3A_853 = arith.constant 0 : i32
        %parallel_loop3A_854 = arith.addi %parallel_loop3A_853, %parallel_loop3A_112 : i32
        %parallel_loop3A_855 = arith.index_cast %parallel_loop3A_854 : i32 to index
        %parallel_loop3A_856 = arith.constant 736 : index
        %parallel_loop3A_857 = tpu.vector_load %arg5[%parallel_loop3A_855, %parallel_loop3A_856] {strides = array<i32>} : memref<32x768xf32, #tpu.memory_space<vmem>>, vector<1x16xf32>,
        %parallel_loop3A_858 = vector.shape_cast %parallel_loop3A_857 : vector<1x16xf32> to vector<16xf32>
        %parallel_loop3A_859 = arith.addf %parallel_loop3A_852, %parallel_loop3A_858 : vector<16xf32>
        %parallel_loop3A_860 = arith.index_cast %parallel_loop3A_112 : i32 to index
        %parallel_loop3A_861 = arith.constant 736 : index
        %parallel_loop3A_862 = tpu.vector_load %arg9[%parallel_loop3A_860, %parallel_loop3A_861] {strides = array<i32>} : memref<32x768xf32, #tpu.memory_space<vmem>>, vector<1x16xf32>,
        %parallel_loop3A_863 = vector.shape_cast %parallel_loop3A_862 : vector<1x16xf32> to vector<16xf32>
        %parallel_loop3A_864 = vector.shape_cast %parallel_loop3A_859 : vector<16xf32> to vector<1x16xf32>
        tpu.vector_store %arg9[%parallel_loop3A_860, %parallel_loop3A_861], %parallel_loop3A_864 {strides = array<i32>} : memref<32x768xf32, #tpu.memory_space<vmem>>, vector<1x16xf32>,
        %parallel_loop3A_865 = arith.index_cast %parallel_loop3A_112 : i32 to index
        %parallel_loop3A_866 = arith.constant 752 : index
        %parallel_loop3A_867 = tpu.vector_load %arg7[%parallel_loop3A_865, %parallel_loop3A_866] {strides = array<i32>} : memref<32x768xf32, #tpu.memory_space<vmem>>, vector<1x16xf32>,
        %parallel_loop3A_868 = vector.shape_cast %parallel_loop3A_867 : vector<1x16xf32> to vector<16xf32>
        %parallel_loop3A_869 = arith.constant 0 : i32
        %parallel_loop3A_870 = arith.addi %parallel_loop3A_869, %parallel_loop3A_112 : i32
        %parallel_loop3A_871 = arith.index_cast %parallel_loop3A_870 : i32 to index
        %parallel_loop3A_872 = arith.constant 752 : index
        %parallel_loop3A_873 = tpu.vector_load %arg5[%parallel_loop3A_871, %parallel_loop3A_872] {strides = array<i32>} : memref<32x768xf32, #tpu.memory_space<vmem>>, vector<1x16xf32>,
        %parallel_loop3A_874 = vector.shape_cast %parallel_loop3A_873 : vector<1x16xf32> to vector<16xf32>
        %parallel_loop3A_875 = arith.addf %parallel_loop3A_868, %parallel_loop3A_874 : vector<16xf32>
        %parallel_loop3A_876 = arith.index_cast %parallel_loop3A_112 : i32 to index
        %parallel_loop3A_877 = arith.constant 752 : index
        %parallel_loop3A_878 = tpu.vector_load %arg9[%parallel_loop3A_876, %parallel_loop3A_877] {strides = array<i32>} : memref<32x768xf32, #tpu.memory_space<vmem>>, vector<1x16xf32>,
        %parallel_loop3A_879 = vector.shape_cast %parallel_loop3A_878 : vector<1x16xf32> to vector<16xf32>
        %parallel_loop3A_880 = vector.shape_cast %parallel_loop3A_875 : vector<16xf32> to vector<1x16xf32>
        tpu.vector_store %arg9[%parallel_loop3A_876, %parallel_loop3A_877], %parallel_loop3A_880 {strides = array<i32>} : memref<32x768xf32, #tpu.memory_space<vmem>>, vector<1x16xf32>,
      } {sc.loop_unroll_factor = 1 : i64, sc.parallel_access}
      %dma_start3A_99 = arith.constant 0 : i32
      %dma_start3A_100 = tpu.memref_slice %arg4[%add3A_82, %add3A_84, %dma_start3A_99] : memref<64x1024x768xf32, #tpu.memory_space<hbm>> -> memref<1x32x768xf32, #tpu.memory_space<hbm>>
      %dma_start3A_101 = tpu.memref_squeeze %dma_start3A_100 : memref<1x32x768xf32, #tpu.memory_space<hbm>> -> memref<32x768xf32, #tpu.memory_space<hbm>>
      %dma_start3A_102 = arith.constant 0 : i32
      %dma_start3A_103 = tpu.memref_slice %arg4[%add3A_82, %add3A_84, %dma_start3A_102] : memref<64x1024x768xf32, #tpu.memory_space<hbm>> -> memref<1x32x768xf32, #tpu.memory_space<hbm>>
      %dma_start3A_104 = tpu.memref_squeeze %dma_start3A_103 : memref<1x32x768xf32, #tpu.memory_space<hbm>> -> memref<32x768xf32, #tpu.memory_space<hbm>>
      tpu.enqueue_dma source(%arg9 : memref<32x768xf32, #tpu.memory_space<vmem>>) target(%dma_start3A_104 : memref<32x768xf32, #tpu.memory_space<hbm>>) target_semaphore(%arg13 : memref<!tpu.dma_semaphore, #tpu.memory_space<semaphore_mem>>)
      %add3A_105 = arith.constant 2 : i32
      %add3A_106 = arith.addi %add3A_78, %add3A_105 : i32
      %lt3A_107 = arith.constant 64 : i32
      %lt3A_108 = arith.cmpi slt, %add3A_106, %lt3A_107 : i32
      %convert_element_type3A_109 = arith.extui %lt3A_108 : i1 to i32
      %cond3A_110 = arith.constant 0 : i32
      %cond3A_111 = arith.cmpi ne, %convert_element_type3A_109, %cond3A_110 : i32
      scf.if %cond3A_111 {
        %add3A_112 = arith.constant 2 : i32
        %add3A_113 = arith.addi %add3A_82, %add3A_112 : i32
        %dma_start3A_114 = arith.constant 0 : i32
        %dma_start3A_115 = tpu.memref_slice %arg2[%add3A_113, %add3A_84, %dma_start3A_114] : memref<64x1024x768xf32, #tpu.memory_space<hbm>> -> memref<1x32x768xf32, #tpu.memory_space<hbm>>
        %dma_start3A_116 = tpu.memref_squeeze %dma_start3A_115 : memref<1x32x768xf32, #tpu.memory_space<hbm>> -> memref<32x768xf32, #tpu.memory_space<hbm>>
        %dma_start3A_117 = arith.constant 0 : i32
        %dma_start3A_118 = tpu.memref_slice %arg2[%add3A_113, %add3A_84, %dma_start3A_117] : memref<64x1024x768xf32, #tpu.memory_space<hbm>> -> memref<1x32x768xf32, #tpu.memory_space<hbm>>
        %dma_start3A_119 = tpu.memref_squeeze %dma_start3A_118 : memref<1x32x768xf32, #tpu.memory_space<hbm>> -> memref<32x768xf32, #tpu.memory_space<hbm>>
        tpu.enqueue_dma source(%dma_start3A_119 : memref<32x768xf32, #tpu.memory_space<hbm>>) target(%arg7 : memref<32x768xf32, #tpu.memory_space<vmem>>) target_semaphore(%arg11 : memref<!tpu.dma_semaphore, #tpu.memory_space<semaphore_mem>>)
      } else {
      }
    }
    %scan3A_24 = arith.constant 32 : i32
    %add3A_25 = arith.constant 0 : i32
    %add3A_26 = arith.addi %mul3A_2, %add3A_25 : i32
    %dma_wait3A = arith.constant 62 : i32
    %dma_wait3A_27 = arith.constant 0 : i32
    %dma_wait3A_28 = tpu.memref_slice %arg4[%dma_wait3A, %add3A_26, %dma_wait3A_27] : memref<64x1024x768xf32, #tpu.memory_space<hbm>> -> memref<1x32x768xf32, #tpu.memory_space<hbm>>
    %dma_wait3A_29 = tpu.memref_squeeze %dma_wait3A_28 : memref<1x32x768xf32, #tpu.memory_space<hbm>> -> memref<32x768xf32, #tpu.memory_space<hbm>>
    %dma_wait3A_30 = arith.constant 0 : i32
    %dma_wait3A_31 = tpu.memref_slice %arg4[%dma_wait3A, %add3A_26, %dma_wait3A_30] : memref<64x1024x768xf32, #tpu.memory_space<hbm>> -> memref<1x32x768xf32, #tpu.memory_space<hbm>>
    %dma_wait3A_32 = tpu.memref_squeeze %dma_wait3A_31 : memref<1x32x768xf32, #tpu.memory_space<hbm>> -> memref<32x768xf32, #tpu.memory_space<hbm>>
    tpu.wait_dma2 semaphore(%arg12 : memref<!tpu.dma_semaphore, #tpu.memory_space<semaphore_mem>>) src(%arg8 : memref<32x768xf32, #tpu.memory_space<vmem>>) dst(%dma_wait3A_32 : memref<32x768xf32, #tpu.memory_space<hbm>>)
    %add3A_33 = arith.constant 0 : i32
    %add3A_34 = arith.addi %mul3A_2, %add3A_33 : i32
    %dma_wait3A_35 = arith.constant 63 : i32
    %dma_wait3A_36 = arith.constant 0 : i32
    %dma_wait3A_37 = tpu.memref_slice %arg4[%dma_wait3A_35, %add3A_34, %dma_wait3A_36] : memref<64x1024x768xf32, #tpu.memory_space<hbm>> -> memref<1x32x768xf32, #tpu.memory_space<hbm>>
    %dma_wait3A_38 = tpu.memref_squeeze %dma_wait3A_37 : memref<1x32x768xf32, #tpu.memory_space<hbm>> -> memref<32x768xf32, #tpu.memory_space<hbm>>
    %dma_wait3A_39 = arith.constant 0 : i32
    %dma_wait3A_40 = tpu.memref_slice %arg4[%dma_wait3A_35, %add3A_34, %dma_wait3A_39] : memref<64x1024x768xf32, #tpu.memory_space<hbm>> -> memref<1x32x768xf32, #tpu.memory_space<hbm>>
    %dma_wait3A_41 = tpu.memref_squeeze %dma_wait3A_40 : memref<1x32x768xf32, #tpu.memory_space<hbm>> -> memref<32x768xf32, #tpu.memory_space<hbm>>
    tpu.wait_dma2 semaphore(%arg13 : memref<!tpu.dma_semaphore, #tpu.memory_space<semaphore_mem>>) src(%arg9 : memref<32x768xf32, #tpu.memory_space<vmem>>) dst(%dma_wait3A_41 : memref<32x768xf32, #tpu.memory_space<hbm>>)
    return
  }
}

</mosaic_0001>

<sc_bundles>
// kernel: kernel.3.cloned.1.call-start
scs
__scs_entry_jumppad:
0x0: {  	(pc) =	sbr.rel $0x88, $3  }
0x1: {  	(tag) =	ssettag $0x0;
	lr =	simm.s32 $0x1  }
0x2: {  	[smem:$0x3F9F] =	sst lr;
	_ =	strace $0xD0000000  }
0x3: {  	_ = 	snop  }
0x4: {  	_ = 	snop  }
0x5: {  	_ = 	snop  }
0x6: {  	_ = 	snop  }
0x7: {  	_ = 	snop  }
__scs_overlays_trampoline_lowered:
0x8: {  	[smem:$0x3FAE] =	sst s0  }
0x9: {  	[smem:$0x3FAF] =	sst s1  }
0xa: {  	[smem:$0x3FB0] =	sst s2  }
0xb: {  	[smem:$0x3FB1] =	sst s3  }
0xc: {  	[smem:$0x3FB2] =	sst s4  }
0xd: {  	[smem:$0x3FB3] =	sst s5  }
0xe: {  	[smem:$0x3FB4] =	sst s6  }
0xf: {  	[smem:$0x3FB5] =	sst s7  }
0x10: {  	[smem:$0x3FB6] =	sst s8  }
0x11: {  	[smem:$0x3FB7] =	sst s9;
	s0 =	simm.s32 @!p0 $0x0  }
0x12: {  	s1 =	sld [smem:$0x3F9D];
	s0 =	simm.s32 @p0 $0x1  }
0x13: {  	[smem:$0x3FB8] =	sst s0;
	s0 =	simm.s32 @!p1 $0x0  }
0x14: {  	s2 =	sld [smem:$0x3F9C];
	s0 =	simm.s32 @p1 $0x1  }
0x15: {  	[smem:$0x3FB9] =	sst s0;
	s0 =	simm.s32 @!p2 $0x0  }
0x16: {  	s3 =	sld [smem:$0x3FDB];
	s0 =	simm.s32 @p2 $0x1  }
0x17: {  	s4 =	simm.s32 $0x1BF5;
	[smem:$0x3FBB] =	sst s0  }
0x18: {  	s0 =	sld [smem:$0x3F9E];
	_ =	swait.ge [sflag:s4], $0x0  }
0x19: {  	s7 =	sld [smem:$0x3F9F]  }
0x1a: {  	s8 =	sadd.s32 $0xFFFFE003, lr  }
0x1b: {  	s9 =	sadd.s32 $0xFFFFFEF7, lr;
	s5 =	simm.s32 $0xFFFFFFFF;
	p2 =	slt.u32 s8, $0xFFFFF086  }
0x1c: {  	p1 =	slt.u32 s9, $0xF7A;
	s5 =	simm.s32 @!p2 $0x0  }
0x1d: {  	s5 =	simm.s32 @p1 $0x1;
	p0 =	seq.s32 s7, s2  }
0x1e: {  	s7 =	smul.u32 @!p0 $0xF7A, s2;
	p2 =	seq.s32 @!p0 s5, $0x0  }
0x1f: {  	s9 =	smul.u32 $0xF7A, s1;
	s8 =	simm.s32 @!p0 $0x1BF5;
	p2 =	por !p2, p0  }
0x20: {  	[sflag:s8] =	ssyncset.s32 @!p0 $0xFFFFF086;
	s6 =	sadd.s32 @!p0 s3, s7;
	s7 =	simm.s32 @!p0 $0x108  }
0x21: {  	s3 =	sadd.s32 s3, s9;
	s6 =	sadd.s32 @!p0 $0x88, s6;
	s7 =	simm.s32 @p2 $0x1082  }
0x22: {  	[simem:s7], [sflag:s8] =	dma.local @!p0 [hbm:s6], $0xF7A  }
0x23: {  	s9 =	sor.u32 $0xD0000000, s2;
	s6 =	simm.s32 $0x108;
	_ =	swait.ge @!p0 [sflag:s8], $0x0  }
0x24: {  	s3 =	sadd.s32 $0x88, s3;
	s6 =	simm.s32 @!p1 $0x1082;
	[sflag:s4] =	ssyncset.s32 $0xFFFFF086  }
0x25: {  	[simem:s6], [sflag:s4] =	dma.local [hbm:s3], $0xF7A  }
0x26: {  	[smem:$0x3F9F] =	sst s1;
	(tag) =	ssettag s2;
	_ =	strace s9  }
0x27: {  	s1 =	sld [smem:$0x3FAF]  }
0x28: {  	s2 =	sld [smem:$0x3FB0]  }
0x29: {  	s4 =	sld [smem:$0x3FB2]  }
0x2a: {  	p0 =	seq.s32 s5, $0x0;
	s5 =	sld [smem:$0x3FB3]  }
0x2b: {  	s6 =	sld [smem:$0x3FB4]  }
0x2c: {  	s7 =	sld [smem:$0x3FB5]  }
0x2d: {  	s3 =	simm.s32 $0x108;
	s8 =	sld [smem:$0x3FB6]  }
0x2e: {  	s3 =	simm.s32 @!p0 $0x1082;
	s9 =	sld [smem:$0x3FB7]  }
0x2f: {  	lr =	sadd.s32 s0, s3;
	s0 =	sld [smem:$0x3FAE]  }
0x30: {  	s3 =	sld [smem:$0x3FB1]  }
0x31: {  	[smem:$0x3FBA] =	sst s10  }
0x32: {  	s10 =	sld [smem:$0x3FB8];
	_ =	sdelay $0x3  }
0x33: {  	p0 =	seq.s32 s10, $0x1;
	s10 =	sld [smem:$0x3FBA];
	_ =	sdelay $0x3  }
0x34: {  	[smem:$0x3FBA] =	sst s10  }
0x35: {  	s10 =	sld [smem:$0x3FB9];
	_ =	sdelay $0x3  }
0x36: {  	p1 =	seq.s32 s10, $0x1;
	s10 =	sld [smem:$0x3FBA];
	_ =	sdelay $0x3  }
0x37: {  	[smem:$0x3FBA] =	sst s10  }
0x38: {  	s10 =	sld [smem:$0x3FBB]  }
0x39: {  	_ = 	snop;
	(pc) =	sbr.ind lr, $3  }
0x3a: {  	_ = 	snop  }
0x3b: {  	_ = 	snop  }
0x3c: {  	p2 =	seq.s32 s10, $0x1;
	s10 =	sld [smem:$0x3FBA]  }
0x3d: {  	_ =	shalt  }
0x3e: {  	_ =	shalt  }
0x3f: {  	_ =	shalt  }
0x40: {  	_ =	shalt  }
0x41: {  	_ =	shalt  }
0x42: {  	_ =	shalt  }
0x43: {  	_ =	shalt  }
0x44: {  	_ =	shalt  }
0x45: {  	_ =	shalt  }
0x46: {  	_ =	shalt  }
0x47: {  	_ =	shalt  }
0x48: {  	_ =	shalt  }
0x49: {  	_ =	shalt  }
0x4a: {  	_ =	shalt  }
0x4b: {  	_ =	shalt  }
0x4c: {  	_ =	shalt  }
0x4d: {  	_ =	shalt  }
0x4e: {  	_ =	shalt  }
0x4f: {  	_ =	shalt  }
0x50: {  	_ =	shalt  }
0x51: {  	_ =	shalt  }
0x52: {  	_ =	shalt  }
0x53: {  	_ =	shalt  }
0x54: {  	_ =	shalt  }
0x55: {  	_ =	shalt  }
0x56: {  	_ =	shalt  }
0x57: {  	_ =	shalt  }
0x58: {  	_ =	shalt  }
0x59: {  	_ =	shalt  }
0x5a: {  	_ =	shalt  }
0x5b: {  	_ =	shalt  }
0x5c: {  	_ =	shalt  }
0x5d: {  	_ =	shalt  }
0x5e: {  	_ =	shalt  }
0x5f: {  	_ =	shalt  }
0x60: {  	_ =	shalt  }
0x61: {  	_ =	shalt  }
0x62: {  	_ =	shalt  }
0x63: {  	_ =	shalt  }
0x64: {  	_ =	shalt  }
0x65: {  	_ =	shalt  }
0x66: {  	_ =	shalt  }
0x67: {  	_ =	shalt  }
0x68: {  	_ =	shalt  }
0x69: {  	_ =	shalt  }
0x6a: {  	_ =	shalt  }
0x6b: {  	_ =	shalt  }
0x6c: {  	_ =	shalt  }
0x6d: {  	_ =	shalt  }
0x6e: {  	_ =	shalt  }
0x6f: {  	_ =	shalt  }
0x70: {  	_ =	shalt  }
0x71: {  	_ =	shalt  }
0x72: {  	_ =	shalt  }
0x73: {  	_ =	shalt  }
0x74: {  	_ =	shalt  }
0x75: {  	_ =	shalt  }
0x76: {  	_ =	shalt  }
0x77: {  	_ =	shalt  }
0x78: {  	_ =	shalt  }
0x79: {  	_ =	shalt  }
0x7a: {  	_ =	shalt  }
0x7b: {  	_ =	shalt  }
0x7c: {  	_ =	shalt  }
0x7d: {  	_ =	shalt  }
0x7e: {  	_ =	shalt  }
0x7f: {  	_ =	shalt  }
0x80: {  	_ =	shalt  }
0x81: {  	_ =	shalt  }
0x82: {  	_ =	shalt  }
0x83: {  	_ =	shalt  }
0x84: {  	_ =	shalt  }
0x85: {  	_ =	shalt  }
0x86: {  	_ =	shalt  }
0x87: {  	_ =	shalt  }
.Lfunc_end0:
.L_simem_size_0:
called_computation_lowered:
.L_overlay_start_0:
0x88: {  	s2 =	sld [smem:$0x3FD9]  }
0x89: {  	s3 =	sld [smem:$0x3FFE];
	_ =	sdelay $0x1  }
0x8a: {  	s1 =	srdreg.scid  }
0x8b: {  	s0 =	sand.u32 $0x1, s1  }
0x8c: {  	s18 =	sshll.u32 s0, $0xA;
	s2 =	sadd.s32 s3, s2  }
0x8d: {  	s2 =	sadd.s32 s2, s18  }
0x8e: {  	[smem:$0x3FC6] =	sst s2  }
0x8f: {  	_ = 	snop  }
0x90: {  	s2 =	sld [smem:$0x3FC9]  }
0x91: {  	s19 =	sld [smem:$0x3FC8]  }
0x92: {  	s4 =	sld [smem:$0x3FD0];
	(tm) =	ssettm $0x1  }
0x93: {  	s5 =	sld [smem:$0x3FFB];
	_ =	sdelay $0x3  }
0x94: {  	_ =	strace s5  }
0x95: {  	s5 =	sld [smem:$0x3FFC];
	_ =	sdelay $0x3  }
0x96: {  	_ =	strace s5  }
0x97: {  	s5 =	sld [smem:$0x3FFD];
	_ =	sdelay $0x3  }
0x98: {  	_ =	strace s5  }
0x99: {  	_ =	strace $0x8FFFFFFF  }
0x9a: {  	s20 =	sld [smem:$0x3FDB];
	_ =	sdelay $0x1  }
0x9b: {  	s6 =	simm.s32 $_scs_section_size  }
0x9c: {  	s7 =	simm.s32 $_size__tile_overlayer_lowered;
	s8 =	simm.s32 $_tile_overlayer_lowered  }
0x9d: {  	s23 =	simm.s32 $0x1BFF;
	s22 =	sshll.u32 s8, $0x1;
	s5 =	sadd.s32 s6, s20  }
0x9e: {  	s9 =	simm.s32 $0x0;
	s21 =	sshll.u32 s7, $0x1;
	s7 =	sadd.s32 s22, s5  }
0x9f: {  	[timem:s9], [sflag:s23] =	dma.local [hbm:s7], s21  }
0xa0: {  	_ =	swait.ge [sflag:s23], s21  }
0xa1: {  	s6 =	ssub.s32 $0x0, s21;
	[sflag:s23] =	ssyncset.done $0x0  }
0xa2: {  	[sflag:s23] =	ssyncadd.s32 s6;
	_ =	sdelay $0x1  }
0xa3: {  	s24 =	simm.s32 $0x1B8B  }
0xa4: {  	_ =	swait.ge [sflag:s24], $0x1  }
0xa5: {  	[sflag:s24] =	ssyncset.done $0x0  }
0xa6: {  	s25 =	simm.s32 $0x1B8E;
	[sflag:s24] =	ssyncadd.s32 $0xFFFFFFFF  }
0xa7: {  	s26 =	simm.s32 $execute0_lowered;
	[smem:$0x3FD2] =	sst s25  }
0xa8: {  	s6 =	sshll.u32 s26, $0x1;
	_ =	strace $0x80000046;
	[dreg:$0x1] =	wrdreg $0xFFFFFFFF  }
0xa9: {  	s28 =	simm.s32 $_size_execute0_lowered;
	s5 =	sadd.s32 s5, s6;
	[dreg:$0x0] =	wrdreg $0x0  }
0xaa: {  	s6 =	sshll.u32 s28, $0x1;
	[dreg:$0x2] =	wrdreg s5  }
0xab: {  	[dreg:$0x3] =	wrdreg s6  }
0xac: {  	[dreg:$0x4] =	wrdreg $0xC0  }
0xad: {  	_ =	task [dreg:s9], $0x5FFFF  }
0xae: {  	[dreg:$0x1] =	wrdreg $0xFFFFFFFF  }
0xaf: {  	[dreg:$0x0] =	wrdreg $0x60  }
0xb0: {  	[dreg:$0x2] =	wrdreg s2  }
0xb1: {  	[dreg:$0x3] =	wrdreg s19  }
0xb2: {  	[dreg:$0x4] =	wrdreg s4  }
0xb3: {  	[dreg:$0x5] =	wrdreg $0x9  }
0xb4: {  	_ =	task.clear_ibuf [dreg:s9], $0x6FFFF;
	_ =	strace $0x90000046  }
0xb5: {  	s29 =	simm.s32 $0x9;
	_ =	strace $0x80000048  }
0xb6: {  	_ =	swait.ge [sflag:s29], $0x1  }
0xb7: {  	[sflag:s29] =	ssyncadd.s32 $0xFFFFFFFF  }
0xb8: {  	_ =	strace $0x90000048  }
0xb9: {  	_ =	sfence  }
0xba: {  	s30 =	sld [smem:$0x0];
	_ =	sdelay $0x2  }
0xbb: {  	s31 =	sshll.u32 s1, $0xD;
	s1 =	sshrl.u32 s1, $0x2  }
0xbc: {  	s3 =	sand.u32 $0x4000, s31;
	s1 =	sadd.s32 s1, s30  }
0xbd: {  	s0 =	sor.u32 s3, s0;
	s1 =	sshll.u32 s1, $0x11  }
0xbe: {  	s0 =	sor.u32 s1, s0  }
0xbf: {  	s0 =	sadd.s32 $0x8F2B, s0  }
0xc0: {  	[sflag:s0] =	ssyncadd.remote.s32 $0x1  }
0xc1: {  	_ =	sfence.sel $0xFFFF  }
0xc2: {  	[dreg:$0x0] =	wrdreg $0xFFFFFFFF;
	(pc) =	sbr.abs _section_cstart, $3  }
0xc3: {  	[dreg:$0x1] =	wrdreg $0xFFFFFFFF  }
0xc4: {  	_ =	task.clear_ibuf [dreg:s9], $0x2FFFF;
	_ =	strace $0x9FFFFFFF  }
0xc5: {  	(tm) =	ssettm $0x7FFFFFFF  }
tec
execute0_lowered:
.L_overlay_start_1:
0x0: {  	(tag) =	ssettag $0x1  }
0x1: {  	s1 =	rddreg [dreg:$0x0];
	s2 =	srdreg.scid  }
0x2: {  	s7 =	rddreg [dreg:$0x1];
	s0 =	stileid.u32  }
0x3: {  	s3 =	rddreg [dreg:$0x2];
	s4 =	simm.s32 $0x0;
	s13 =	simm.s32 $0x5  }
0x4: {  	s14 =	simm.s32 $0x6000;
	s15 =	simm.s32 $0xC000;
	s16 =	simm.s32 $0x1  }
0x5: {  	s17 =	simm.s32 $0x12000;
	s18 =	simm.s32 $0x2;
	s6 =	sand.u32 $0x1, s2  }
0x6: {  	s19 =	simm.s32 $0x4;
	s5 =	sshll.u32 s0, $0x3;
	s8 =	sshll.u32 s6, $0x2  }
0x7: {  	s20 =	simm.s32 $0x18000;
	s21 =	simm.s32 $0x3;
	s5 =	sor.u32 s8, s5  }
0x8: {  	s22 =	simm.s32 $0x0;
	s30 =	ssub.s32 $0x2, s6;
	s5 =	smul.u32 $0x1800, s5  }
.Ltmp0:
0x9: {  	[smem:$0x7FF] =	sst s4;
	s9 =	sshrl.u32 s30, $0x1;
	(pc) =	sbr.rel .LBB2_1-.Ltmp0, $4  }
0xa: {  	s2 =	rddreg [dreg:$0x3];
	_ =	strace $0x80000047;
	s12 =	ssub.s32 s30, s9  }
0xb: {  	s12 =	smax.u32 s12, $0x1;
	s10 =	sshrl.u32 s5, $0x3;
	s6 =	sadd.s32 $0xC0000, s5  }
0xc: {  	s11 =	sadd.s32 $0x240000, s5;
	s7 =	sadd.s32 s7, s10;
	s31 =	sshrl.u32 s6, $0x3  }
0xd: {  	s8 =	sadd.s32 s1, s10;
	s10 =	sadd.s32 $0x180000, s5;
	s9 =	sadd.s32 s1, s31  }
.LBB2_12:
0xe: {  	s22 =	sadd.s32 $0x1, s22  }
0xf: {  	_ =	swait.ge [sflag:s21], $0x6000;
	p0 =	sne.s32 s22, s12  }
.Ltmp1:
0x10: {  	[sflag:s21] =	ssyncset.done $0x0;
	(pc) =	sbr.rel @!p0 .LBB2_13-.Ltmp1, $4  }
0x11: {  	[sflag:s21] =	ssyncadd.s32 $0xFFFFA000  }
0x12: {  	_ =	swait.ge [sflag:s19], $0x6000  }
0x13: {  	[sflag:s19] =	ssyncset.done $0x0  }
0x14: {  	[sflag:s19] =	ssyncadd.s32 $0xFFFFA000  }
.LBB2_1:
0x15: {  	[tilespmem:s4], [sflag:$0x5] =	stream.linear.gather [hbm4b:s7+s4], $0x6000, $0x38;
	[tilespmem:$0x1E000] =	vst v63  }
0x16: {  	_ =	swait.ge [sflag:s13], $0x6000  }
0x17: {  	[sflag:s13] =	ssyncset.done $0x0  }
0x18: {  	[sflag:s13] =	ssyncadd.s32 $0xFFFFA000  }
0x19: {  	[tilespmem:s14], [sflag:$0x1] =	stream.linear.gather [hbm4b:s8+s4], $0x6000, $0x38;
	[tilespmem:$0x1E000] =	vst v63  }
0x1a: {  	s23 =	simm.s32 $0x0  }
0x1b: {  	[tilespmem:s15], [sflag:$0x2] =	stream.linear.gather [hbm4b:s9+s4], $0x6000, $0x38;
	[tilespmem:$0x1E000] =	vst v63  }
.LBB2_2:
0x1c: {  	_ =	swait.ge [sflag:s16], $0x6000  }
0x1d: {  	p0 =	seq.s32 s23, $0x0;
	[sflag:s16] =	ssyncset.done $0x0  }
0x1e: {  	s25 =	simm.s32 $0x0;
	s24 =	simm.s32 @!p0 $0x3;
	[sflag:s16] =	ssyncadd.s32 $0xFFFFA000  }
0x1f: {  	s26 =	simm.s32 $0x0;
	s25 =	smul.u32 $0x1800, s25;
	_ =	swait.ge @!p0 [sflag:s24], $0x6000  }
0x20: {  	s26 =	sand.u32 $0x380, s26;
	[sflag:s24] =	ssyncset.done @!p0 $0x0  }
0x21: {  	[sflag:s24] =	ssyncadd.s32 @!p0 $0xFFFFA000;
	s24 =	sor.u32 s26, s25  }
0x22: {  	v0 =	vld [tilespmem:s24+$0x7470]  }
0x23: {  	v1 =	vld [tilespmem:s24+$0x1470]  }
0x24: {  	v2 =	vld [tilespmem:s24+$0x6000]  }
0x25: {  	v3 =	vld [tilespmem:s24+$0x0]  }
0x26: {  	v4 =	vld [tilespmem:s24+$0x6010]  }
0x27: {  	v5 =	vld [tilespmem:s24+$0x10]  }
0x28: {  	v6 =	vld [tilespmem:s24+$0x6020]  }
0x29: {  	v7 =	vld [tilespmem:s24+$0x6030];
	v0 =	vadd.f32 v1, v0  }
0x2a: {  	v1 =	vld [tilespmem:s24+$0x20]  }
0x2b: {  	v2 =	vadd.f32 v3, v2;
	[tilespmem:s24+$0x13470] =	vst v0;
	v0 =	vld [tilespmem:s24+$0x30]  }
0x2c: {  	v3 =	vld [tilespmem:s24+$0x6040]  }
0x2d: {  	[tilespmem:s24+$0x12000] =	vst v2;
	v2 =	vadd.f32 v5, v4;
	v4 =	vld [tilespmem:s24+$0x40]  }
0x2e: {  	v5 =	vld [tilespmem:s24+$0x50]  }
0x2f: {  	[tilespmem:s24+$0x12010] =	vst v2;
	v2 =	vld [tilespmem:s24+$0x6050];
	v1 =	vadd.f32 v1, v6  }
0x30: {  	v6 =	vld [tilespmem:s24+$0x60];
	v0 =	vadd.f32 v0, v7  }
0x31: {  	[tilespmem:s24+$0x12020] =	vst v1;
	v1 =	vld [tilespmem:s24+$0x6060]  }
0x32: {  	[tilespmem:s24+$0x12030] =	vst v0;
	v0 =	vadd.f32 v4, v3;
	v3 =	vld [tilespmem:s24+$0x6070]  }
0x33: {  	v4 =	vld [tilespmem:s24+$0x70]  }
0x34: {  	[tilespmem:s24+$0x12040] =	vst v0;
	v0 =	vadd.f32 v5, v2;
	v2 =	vld [tilespmem:s24+$0x6400]  }
0x35: {  	v5 =	vld [tilespmem:s24+$0x400]  }
0x36: {  	[tilespmem:s24+$0x12050] =	vst v0;
	v0 =	vadd.f32 v6, v1;
	v1 =	vld [tilespmem:s24+$0x6410]  }
0x37: {  	v6 =	vld [tilespmem:s24+$0x410]  }
0x38: {  	[tilespmem:s24+$0x12060] =	vst v0;
	v0 =	vadd.f32 v4, v3;
	v3 =	vld [tilespmem:s24+$0x6420]  }
0x39: {  	v4 =	vld [tilespmem:s24+$0x420]  }
0x3a: {  	[tilespmem:s24+$0x12070] =	vst v0;
	v0 =	vadd.f32 v5, v2;
	v2 =	vld [tilespmem:s24+$0x6430]  }
0x3b: {  	v5 =	vld [tilespmem:s24+$0x430]  }
0x3c: {  	[tilespmem:s24+$0x12400] =	vst v0;
	v0 =	vadd.f32 v6, v1;
	v1 =	vld [tilespmem:s24+$0x6440]  }
0x3d: {  	v6 =	vld [tilespmem:s24+$0x440]  }
0x3e: {  	[tilespmem:s24+$0x12410] =	vst v0;
	v0 =	vadd.f32 v4, v3;
	v3 =	vld [tilespmem:s24+$0x6450]  }
0x3f: {  	v4 =	vld [tilespmem:s24+$0x450]  }
0x40: {  	[tilespmem:s24+$0x12420] =	vst v0;
	v0 =	vadd.f32 v5, v2;
	v2 =	vld [tilespmem:s24+$0x6460]  }
0x41: {  	v5 =	vld [tilespmem:s24+$0x460]  }
0x42: {  	[tilespmem:s24+$0x12430] =	vst v0;
	v0 =	vadd.f32 v6, v1;
	v1 =	vld [tilespmem:s24+$0x6470]  }
0x43: {  	v6 =	vld [tilespmem:s24+$0x470]  }
0x44: {  	[tilespmem:s24+$0x12440] =	vst v0;
	v0 =	vadd.f32 v4, v3;
	v3 =	vld [tilespmem:s24+$0x6800]  }
0x45: {  	v4 =	vld [tilespmem:s24+$0x800]  }
0x46: {  	[tilespmem:s24+$0x12450] =	vst v0;
	v0 =	vadd.f32 v5, v2;
	v2 =	vld [tilespmem:s24+$0x6810]  }
0x47: {  	v5 =	vld [tilespmem:s24+$0x810]  }
0x48: {  	[tilespmem:s24+$0x12460] =	vst v0;
	v0 =	vadd.f32 v6, v1;
	v1 =	vld [tilespmem:s24+$0x6820]  }
0x49: {  	v6 =	vld [tilespmem:s24+$0x820]  }
0x4a: {  	[tilespmem:s24+$0x12470] =	vst v0;
	v0 =	vadd.f32 v4, v3;
	v3 =	vld [tilespmem:s24+$0x6830]  }
0x4b: {  	v4 =	vld [tilespmem:s24+$0x830]  }
0x4c: {  	[tilespmem:s24+$0x12800] =	vst v0;
	v0 =	vadd.f32 v5, v2;
	v2 =	vld [tilespmem:s24+$0x6840]  }
0x4d: {  	v5 =	vld [tilespmem:s24+$0x840]  }
0x4e: {  	[tilespmem:s24+$0x12810] =	vst v0;
	v0 =	vadd.f32 v6, v1;
	v1 =	vld [tilespmem:s24+$0x6850]  }
0x4f: {  	v6 =	vld [tilespmem:s24+$0x850]  }
0x50: {  	[tilespmem:s24+$0x12820] =	vst v0;
	v0 =	vadd.f32 v4, v3;
	v3 =	vld [tilespmem:s24+$0x6860]  }
0x51: {  	v4 =	vld [tilespmem:s24+$0x860]  }
0x52: {  	[tilespmem:s24+$0x12830] =	vst v0;
	v0 =	vadd.f32 v5, v2;
	v2 =	vld [tilespmem:s24+$0x6870]  }
0x53: {  	v5 =	vld [tilespmem:s24+$0x870]  }
0x54: {  	[tilespmem:s24+$0x12840] =	vst v0;
	v0 =	vadd.f32 v6, v1;
	v1 =	vld [tilespmem:s24+$0x6C00]  }
0x55: {  	v6 =	vld [tilespmem:s24+$0xC00]  }
0x56: {  	[tilespmem:s24+$0x12850] =	vst v0;
	v0 =	vadd.f32 v4, v3;
	v3 =	vld [tilespmem:s24+$0x6C10]  }
0x57: {  	v4 =	vld [tilespmem:s24+$0xC10]  }
0x58: {  	[tilespmem:s24+$0x12860] =	vst v0;
	v0 =	vadd.f32 v5, v2;
	v2 =	vld [tilespmem:s24+$0x6C20]  }
0x59: {  	v5 =	vld [tilespmem:s24+$0xC20]  }
0x5a: {  	[tilespmem:s24+$0x12870] =	vst v0;
	v0 =	vadd.f32 v6, v1;
	v1 =	vld [tilespmem:s24+$0x6C30]  }
0x5b: {  	v6 =	vld [tilespmem:s24+$0xC30]  }
0x5c: {  	[tilespmem:s24+$0x12C00] =	vst v0;
	v0 =	vadd.f32 v4, v3;
	v3 =	vld [tilespmem:s24+$0x6C40]  }
0x5d: {  	v4 =	vld [tilespmem:s24+$0xC40]  }
0x5e: {  	[tilespmem:s24+$0x12C10] =	vst v0;
	v0 =	vadd.f32 v5, v2;
	v2 =	vld [tilespmem:s24+$0x6C50]  }
0x5f: {  	v5 =	vld [tilespmem:s24+$0xC50]  }
0x60: {  	[tilespmem:s24+$0x12C20] =	vst v0;
	v0 =	vadd.f32 v6, v1;
	v1 =	vld [tilespmem:s24+$0x6C60]  }
0x61: {  	v6 =	vld [tilespmem:s24+$0xC60]  }
0x62: {  	[tilespmem:s24+$0x12C30] =	vst v0;
	v0 =	vadd.f32 v4, v3;
	v3 =	vld [tilespmem:s24+$0x6C70]  }
0x63: {  	v4 =	vld [tilespmem:s24+$0xC70]  }
0x64: {  	[tilespmem:s24+$0x12C40] =	vst v0;
	v0 =	vadd.f32 v5, v2;
	v2 =	vld [tilespmem:s24+$0x7000]  }
0x65: {  	v5 =	vld [tilespmem:s24+$0x1000]  }
0x66: {  	[tilespmem:s24+$0x12C50] =	vst v0;
	v0 =	vadd.f32 v6, v1;
	v1 =	vld [tilespmem:s24+$0x7010]  }
0x67: {  	v6 =	vld [tilespmem:s24+$0x1010]  }
0x68: {  	[tilespmem:s24+$0x12C60] =	vst v0;
	v0 =	vadd.f32 v4, v3;
	v3 =	vld [tilespmem:s24+$0x7020]  }
0x69: {  	v4 =	vld [tilespmem:s24+$0x1020]  }
0x6a: {  	[tilespmem:s24+$0x12C70] =	vst v0;
	v0 =	vadd.f32 v5, v2;
	v2 =	vld [tilespmem:s24+$0x7030]  }
0x6b: {  	v5 =	vld [tilespmem:s24+$0x1030]  }
0x6c: {  	[tilespmem:s24+$0x13000] =	vst v0;
	v0 =	vadd.f32 v6, v1;
	v1 =	vld [tilespmem:s24+$0x7040]  }
0x6d: {  	v6 =	vld [tilespmem:s24+$0x1040]  }
0x6e: {  	[tilespmem:s24+$0x13010] =	vst v0;
	v0 =	vadd.f32 v4, v3;
	v3 =	vld [tilespmem:s24+$0x7050]  }
0x6f: {  	v4 =	vld [tilespmem:s24+$0x1050]  }
0x70: {  	[tilespmem:s24+$0x13020] =	vst v0;
	v0 =	vadd.f32 v5, v2;
	v2 =	vld [tilespmem:s24+$0x7060]  }
0x71: {  	v5 =	vld [tilespmem:s24+$0x1060]  }
0x72: {  	[tilespmem:s24+$0x13030] =	vst v0;
	v0 =	vadd.f32 v6, v1;
	v1 =	vld [tilespmem:s24+$0x7070]  }
0x73: {  	v6 =	vld [tilespmem:s24+$0x1070]  }
0x74: {  	[tilespmem:s24+$0x13040] =	vst v0;
	v0 =	vadd.f32 v4, v3;
	v3 =	vld [tilespmem:s24+$0x7400]  }
0x75: {  	v4 =	vld [tilespmem:s24+$0x1400]  }
0x76: {  	v7 =	vld [tilespmem:s24+$0x1420]  }
0x77: {  	[tilespmem:s24+$0x13050] =	vst v0;
	v0 =	vadd.f32 v5, v2;
	v2 =	vld [tilespmem:s24+$0x7410]  }
0x78: {  	v5 =	vld [tilespmem:s24+$0x1410]  }
0x79: {  	[tilespmem:s24+$0x13060] =	vst v0;
	v0 =	vadd.f32 v6, v1;
	v6 =	vld [tilespmem:s24+$0x7420]  }
0x7a: {  	v1 =	vadd.f32 v4, v3;
	v3 =	vld [tilespmem:s24+$0x1430]  }
0x7b: {  	[tilespmem:s24+$0x13070] =	vst v0;
	v0 =	vld [tilespmem:s24+$0x7430]  }
0x7c: {  	v4 =	vld [tilespmem:s24+$0x1440]  }
0x7d: {  	[tilespmem:s24+$0x13400] =	vst v1;
	v2 =	vadd.f32 v5, v2;
	v1 =	vld [tilespmem:s24+$0x7440]  }
0x7e: {  	s31 =	simm.s32 $0x0;
	v5 =	vld [tilespmem:s24+$0x1450];
	v6 =	vadd.f32 v7, v6  }
0x7f: {  	s28 =	smul.u32 $0x1800, s31;
	s26 =	simm.s32 $0x2;
	s25 =	simm.s32 $0x80;
	[tilespmem:s24+$0x13410] =	vst v2;
	v2 =	vld [tilespmem:s24+$0x7450]  }
.LBB2_3:
0x80: {  	p1 =	sne.s32 s26, $0x1F;
	s29 =	sand.u32 $0x380, s25;
	[tilespmem:s24+$0x13420] =	vst v6;
	v0 =	vadd.f32 v3, v0;
	v3 =	vld [tilespmem:s24+$0x7460]  }
0x81: {  	s28 =	sor.u32 s29, s28;
	v6 =	vld [tilespmem:s24+$0x1460]  }
0x82: {  	v7 =	vld [tilespmem:s28+$0x7470];
	[tilespmem:s24+$0x13430] =	vst v0;
	v0 =	vadd.f32 v4, v1  }
0x83: {  	v1 =	vld [tilespmem:s28+$0x1470]  }
0x84: {  	v4 =	vld [tilespmem:s28+$0x6000];
	[tilespmem:s24+$0x13440] =	vst v0;
	v0 =	vadd.f32 v5, v2  }
0x85: {  	v2 =	vld [tilespmem:s28+$0x0]  }
0x86: {  	v5 =	vld [tilespmem:s28+$0x6010];
	[tilespmem:s24+$0x13450] =	vst v0;
	v0 =	vadd.f32 v6, v3  }
0x87: {  	v3 =	vld [tilespmem:s28+$0x10]  }
0x88: {  	v6 =	vld [tilespmem:s28+$0x6020];
	v1 =	vadd.f32 v1, v7;
	[tilespmem:s24+$0x13460] =	vst v0;
	s24 =	smov.u32 s28  }
0x89: {  	v0 =	vld [tilespmem:s24+$0x20]  }
0x8a: {  	v2 =	vadd.f32 v2, v4;
	v4 =	vld [tilespmem:s24+$0x6030];
	[tilespmem:s24+$0x13470] =	vst v1  }
0x8b: {  	v1 =	vld [tilespmem:s24+$0x30]  }
0x8c: {  	[tilespmem:s24+$0x12000] =	vst v2;
	v2 =	vadd.f32 v3, v5;
	v3 =	vld [tilespmem:s24+$0x6040]  }
0x8d: {  	v5 =	vld [tilespmem:s24+$0x40]  }
0x8e: {  	[tilespmem:s24+$0x12010] =	vst v2;
	v0 =	vadd.f32 v0, v6;
	v2 =	vld [tilespmem:s24+$0x6050]  }
0x8f: {  	v6 =	vld [tilespmem:s24+$0x50]  }
0x90: {  	[tilespmem:s24+$0x12020] =	vst v0;
	v0 =	vadd.f32 v1, v4;
	v1 =	vld [tilespmem:s24+$0x6060]  }
0x91: {  	v4 =	vld [tilespmem:s24+$0x60]  }
0x92: {  	[tilespmem:s24+$0x12030] =	vst v0;
	v0 =	vadd.f32 v5, v3;
	v3 =	vld [tilespmem:s24+$0x6070]  }
0x93: {  	v5 =	vld [tilespmem:s24+$0x70]  }
0x94: {  	[tilespmem:s24+$0x12040] =	vst v0;
	v0 =	vadd.f32 v6, v2;
	v2 =	vld [tilespmem:s24+$0x6400]  }
0x95: {  	v6 =	vld [tilespmem:s24+$0x400]  }
0x96: {  	[tilespmem:s24+$0x12050] =	vst v0;
	v0 =	vadd.f32 v4, v1;
	v1 =	vld [tilespmem:s24+$0x6410]  }
0x97: {  	v4 =	vld [tilespmem:s24+$0x410]  }
0x98: {  	[tilespmem:s24+$0x12060] =	vst v0;
	v0 =	vadd.f32 v5, v3;
	v3 =	vld [tilespmem:s24+$0x6420]  }
0x99: {  	v5 =	vld [tilespmem:s24+$0x420]  }
0x9a: {  	[tilespmem:s24+$0x12070] =	vst v0;
	v0 =	vadd.f32 v6, v2;
	v2 =	vld [tilespmem:s24+$0x6430]  }
0x9b: {  	v6 =	vld [tilespmem:s24+$0x430]  }
0x9c: {  	[tilespmem:s24+$0x12400] =	vst v0;
	v0 =	vadd.f32 v4, v1;
	v1 =	vld [tilespmem:s24+$0x6440]  }
0x9d: {  	v4 =	vld [tilespmem:s24+$0x440]  }
0x9e: {  	[tilespmem:s24+$0x12410] =	vst v0;
	v0 =	vadd.f32 v5, v3;
	v3 =	vld [tilespmem:s24+$0x6450]  }
0x9f: {  	v5 =	vld [tilespmem:s24+$0x450]  }
0xa0: {  	[tilespmem:s24+$0x12420] =	vst v0;
	v0 =	vadd.f32 v6, v2;
	v2 =	vld [tilespmem:s24+$0x6460]  }
0xa1: {  	v6 =	vld [tilespmem:s24+$0x460]  }
0xa2: {  	[tilespmem:s24+$0x12430] =	vst v0;
	v0 =	vadd.f32 v4, v1;
	v1 =	vld [tilespmem:s24+$0x6470]  }
0xa3: {  	v4 =	vld [tilespmem:s24+$0x470]  }
0xa4: {  	[tilespmem:s24+$0x12440] =	vst v0;
	v0 =	vadd.f32 v5, v3;
	v3 =	vld [tilespmem:s24+$0x6800]  }
0xa5: {  	v5 =	vld [tilespmem:s24+$0x800]  }
0xa6: {  	[tilespmem:s24+$0x12450] =	vst v0;
	v0 =	vadd.f32 v6, v2;
	v2 =	vld [tilespmem:s24+$0x6810]  }
0xa7: {  	v6 =	vld [tilespmem:s24+$0x810]  }
0xa8: {  	[tilespmem:s24+$0x12460] =	vst v0;
	v0 =	vadd.f32 v4, v1;
	v1 =	vld [tilespmem:s24+$0x6820]  }
0xa9: {  	v4 =	vld [tilespmem:s24+$0x820]  }
0xaa: {  	[tilespmem:s24+$0x12470] =	vst v0;
	v0 =	vadd.f32 v5, v3;
	v3 =	vld [tilespmem:s24+$0x6830]  }
0xab: {  	v5 =	vld [tilespmem:s24+$0x830]  }
0xac: {  	[tilespmem:s24+$0x12800] =	vst v0;
	v0 =	vadd.f32 v6, v2;
	v2 =	vld [tilespmem:s24+$0x6840]  }
0xad: {  	v6 =	vld [tilespmem:s24+$0x840]  }
0xae: {  	[tilespmem:s24+$0x12810] =	vst v0;
	v0 =	vadd.f32 v4, v1;
	v1 =	vld [tilespmem:s24+$0x6850]  }
0xaf: {  	v4 =	vld [tilespmem:s24+$0x850]  }
0xb0: {  	[tilespmem:s24+$0x12820] =	vst v0;
	v0 =	vadd.f32 v5, v3;
	v3 =	vld [tilespmem:s24+$0x6860]  }
0xb1: {  	v5 =	vld [tilespmem:s24+$0x860]  }
0xb2: {  	[tilespmem:s24+$0x12830] =	vst v0;
	v0 =	vadd.f32 v6, v2;
	v2 =	vld [tilespmem:s24+$0x6870]  }
0xb3: {  	v6 =	vld [tilespmem:s24+$0x870]  }
0xb4: {  	[tilespmem:s24+$0x12840] =	vst v0;
	v0 =	vadd.f32 v4, v1;
	v1 =	vld [tilespmem:s24+$0x6C00]  }
0xb5: {  	v4 =	vld [tilespmem:s24+$0xC00]  }
0xb6: {  	[tilespmem:s24+$0x12850] =	vst v0;
	v0 =	vadd.f32 v5, v3;
	v3 =	vld [tilespmem:s24+$0x6C10]  }
0xb7: {  	v5 =	vld [tilespmem:s24+$0xC10]  }
0xb8: {  	[tilespmem:s24+$0x12860] =	vst v0;
	v0 =	vadd.f32 v6, v2;
	v2 =	vld [tilespmem:s24+$0x6C20]  }
0xb9: {  	v6 =	vld [tilespmem:s24+$0xC20]  }
0xba: {  	[tilespmem:s24+$0x12870] =	vst v0;
	v0 =	vadd.f32 v4, v1;
	v1 =	vld [tilespmem:s24+$0x6C30]  }
0xbb: {  	v4 =	vld [tilespmem:s24+$0xC30]  }
0xbc: {  	[tilespmem:s24+$0x12C00] =	vst v0;
	v0 =	vadd.f32 v5, v3;
	v3 =	vld [tilespmem:s24+$0x6C40]  }
0xbd: {  	v5 =	vld [tilespmem:s24+$0xC40]  }
0xbe: {  	[tilespmem:s24+$0x12C10] =	vst v0;
	v0 =	vadd.f32 v6, v2;
	v2 =	vld [tilespmem:s24+$0x6C50]  }
0xbf: {  	v6 =	vld [tilespmem:s24+$0xC50]  }
0xc0: {  	[tilespmem:s24+$0x12C20] =	vst v0;
	v0 =	vadd.f32 v4, v1;
	v1 =	vld [tilespmem:s24+$0x6C60]  }
0xc1: {  	v4 =	vld [tilespmem:s24+$0xC60]  }
0xc2: {  	[tilespmem:s24+$0x12C30] =	vst v0;
	v0 =	vadd.f32 v5, v3;
	v3 =	vld [tilespmem:s24+$0x6C70]  }
0xc3: {  	v5 =	vld [tilespmem:s24+$0xC70]  }
0xc4: {  	[tilespmem:s24+$0x12C40] =	vst v0;
	v0 =	vadd.f32 v6, v2;
	v2 =	vld [tilespmem:s24+$0x7000]  }
0xc5: {  	v6 =	vld [tilespmem:s24+$0x1000]  }
0xc6: {  	[tilespmem:s24+$0x12C50] =	vst v0;
	v0 =	vadd.f32 v4, v1;
	v1 =	vld [tilespmem:s24+$0x7010]  }
0xc7: {  	v4 =	vld [tilespmem:s24+$0x1010]  }
0xc8: {  	[tilespmem:s24+$0x12C60] =	vst v0;
	v0 =	vadd.f32 v5, v3;
	v3 =	vld [tilespmem:s24+$0x7020]  }
0xc9: {  	v5 =	vld [tilespmem:s24+$0x1020]  }
0xca: {  	[tilespmem:s24+$0x12C70] =	vst v0;
	v0 =	vadd.f32 v6, v2;
	v2 =	vld [tilespmem:s24+$0x7030]  }
0xcb: {  	v6 =	vld [tilespmem:s24+$0x1030]  }
0xcc: {  	[tilespmem:s24+$0x13000] =	vst v0;
	v0 =	vadd.f32 v4, v1;
	v1 =	vld [tilespmem:s24+$0x7040]  }
0xcd: {  	v4 =	vld [tilespmem:s24+$0x1040]  }
0xce: {  	[tilespmem:s24+$0x13010] =	vst v0;
	v0 =	vadd.f32 v5, v3;
	v3 =	vld [tilespmem:s24+$0x7050]  }
0xcf: {  	v5 =	vld [tilespmem:s24+$0x1050]  }
0xd0: {  	[tilespmem:s24+$0x13020] =	vst v0;
	v0 =	vadd.f32 v6, v2;
	v2 =	vld [tilespmem:s24+$0x7060]  }
0xd1: {  	v6 =	vld [tilespmem:s24+$0x1060]  }
0xd2: {  	[tilespmem:s24+$0x13030] =	vst v0;
	v0 =	vadd.f32 v4, v1;
	v1 =	vld [tilespmem:s24+$0x7070]  }
0xd3: {  	v4 =	vld [tilespmem:s24+$0x1070]  }
0xd4: {  	[tilespmem:s24+$0x13040] =	vst v0;
	v0 =	vadd.f32 v5, v3;
	v3 =	vld [tilespmem:s24+$0x7400]  }
0xd5: {  	v5 =	vld [tilespmem:s24+$0x1400]  }
0xd6: {  	[tilespmem:s24+$0x13050] =	vst v0;
	v0 =	vadd.f32 v6, v2;
	v2 =	vld [tilespmem:s24+$0x7410]  }
0xd7: {  	v6 =	vld [tilespmem:s24+$0x1410]  }
0xd8: {  	[tilespmem:s24+$0x13060] =	vst v0;
	v0 =	vadd.f32 v4, v1;
	v7 =	vld [tilespmem:s24+$0x7420]  }
0xd9: {  	v8 =	vld [tilespmem:s24+$0x1420]  }
0xda: {  	[tilespmem:s24+$0x13070] =	vst v0;
	v1 =	vadd.f32 v5, v3;
	v0 =	vld [tilespmem:s24+$0x7430]  }
.Ltmp2:
0xdb: {  	v3 =	vld [tilespmem:s24+$0x1430];
	(pc) =	sbr.rel @p1 .LBB2_3-.Ltmp2, $4  }
0xdc: {  	[tilespmem:s24+$0x13400] =	vst v1;
	v2 =	vadd.f32 v6, v2;
	v1 =	vld [tilespmem:s24+$0x7440]  }
0xdd: {  	v4 =	vld [tilespmem:s24+$0x1440]  }
0xde: {  	s28 =	sshrl.u32 s26, $0x3;
	[tilespmem:s24+$0x13410] =	vst v2;
	v6 =	vadd.f32 v8, v7;
	v2 =	vld [tilespmem:s24+$0x7450]  }
0xdf: {  	s25 =	sadd.s32 $0x80, s25;
	s26 =	sadd.s32 $0x1, s26;
	s28 =	smul.u32 $0x1800, s28;
	v5 =	vld [tilespmem:s24+$0x1450]  }
0xe0: {  	s25 =	sand.u32 $0x380, s25;
	v63 =	vld [tilespmem:s24+$0x7460]  }
0xe1: {  	v7 =	vld [tilespmem:s24+$0x1460];
	s25 =	sor.u32 s25, s28  }
0xe2: {  	v8 =	vld [tilespmem:s25+$0x7470]  }
0xe3: {  	v9 =	vld [tilespmem:s25+$0x1470]  }
0xe4: {  	v10 =	vld [tilespmem:s25+$0x6000]  }
0xe5: {  	v11 =	vld [tilespmem:s25+$0x0]  }
0xe6: {  	v12 =	vld [tilespmem:s25+$0x6010]  }
0xe7: {  	v13 =	vld [tilespmem:s25+$0x10]  }
0xe8: {  	v14 =	vld [tilespmem:s25+$0x6020]  }
0xe9: {  	v15 =	vld [tilespmem:s25+$0x20]  }
0xea: {  	v16 =	vld [tilespmem:s25+$0x6030]  }
0xeb: {  	v17 =	vld [tilespmem:s25+$0x30]  }
0xec: {  	v18 =	vld [tilespmem:s25+$0x6040]  }
0xed: {  	v19 =	vld [tilespmem:s25+$0x40]  }
0xee: {  	v20 =	vld [tilespmem:s25+$0x6050]  }
0xef: {  	v21 =	vld [tilespmem:s25+$0x50]  }
0xf0: {  	v22 =	vld [tilespmem:s25+$0x6060]  }
0xf1: {  	v23 =	vld [tilespmem:s25+$0x60]  }
0xf2: {  	v24 =	vld [tilespmem:s25+$0x6070]  }
0xf3: {  	v25 =	vld [tilespmem:s25+$0x70]  }
0xf4: {  	v26 =	vld [tilespmem:s25+$0x6400]  }
0xf5: {  	v27 =	vld [tilespmem:s25+$0x400]  }
0xf6: {  	v28 =	vld [tilespmem:s25+$0x6410]  }
0xf7: {  	v29 =	vld [tilespmem:s25+$0x410]  }
0xf8: {  	v30 =	vld [tilespmem:s25+$0x6420]  }
0xf9: {  	v31 =	vld [tilespmem:s25+$0x420]  }
0xfa: {  	v32 =	vld [tilespmem:s25+$0x6430]  }
0xfb: {  	v33 =	vld [tilespmem:s25+$0x430]  }
0xfc: {  	v34 =	vld [tilespmem:s25+$0x6440]  }
0xfd: {  	v35 =	vld [tilespmem:s25+$0x440]  }
0xfe: {  	v36 =	vld [tilespmem:s25+$0x6450]  }
0xff: {  	v37 =	vld [tilespmem:s25+$0x450]  }
0x100: {  	v38 =	vld [tilespmem:s25+$0x6460]  }
0x101: {  	v39 =	vld [tilespmem:s25+$0x460]  }
0x102: {  	v40 =	vld [tilespmem:s25+$0x6470]  }
0x103: {  	v41 =	vld [tilespmem:s25+$0x470]  }
0x104: {  	v42 =	vld [tilespmem:s25+$0x6800]  }
0x105: {  	v43 =	vld [tilespmem:s25+$0x800]  }
0x106: {  	v44 =	vld [tilespmem:s25+$0x6810]  }
0x107: {  	v45 =	vld [tilespmem:s25+$0x810]  }
0x108: {  	v46 =	vld [tilespmem:s25+$0x6820]  }
0x109: {  	v47 =	vld [tilespmem:s25+$0x820]  }
0x10a: {  	v48 =	vld [tilespmem:s25+$0x6830]  }
0x10b: {  	v49 =	vld [tilespmem:s25+$0x830]  }
0x10c: {  	v50 =	vld [tilespmem:s25+$0x6840]  }
0x10d: {  	v51 =	vld [tilespmem:s25+$0x840]  }
0x10e: {  	v52 =	vld [tilespmem:s25+$0x6850]  }
0x10f: {  	v53 =	vld [tilespmem:s25+$0x850]  }
0x110: {  	v54 =	vld [tilespmem:s25+$0x6860]  }
0x111: {  	v55 =	vld [tilespmem:s25+$0x860]  }
0x112: {  	v56 =	vld [tilespmem:s25+$0x6870]  }
0x113: {  	v0 =	vadd.f32 v3, v0;
	v3 =	vld [tilespmem:s25+$0x870]  }
0x114: {  	[tilespmem:s24+$0x13420] =	vst v6;
	v1 =	vadd.f32 v4, v1;
	v4 =	vld [tilespmem:s25+$0x6C00]  }
0x115: {  	[tilespmem:s24+$0x13430] =	vst v0;
	v60 =	vld [tilespmem:s25+$0xC10];
	v57 =	vadd.f32 v5, v2  }
0x116: {  	v2 =	vld [tilespmem:s25+$0xC00];
	[tilespmem:s24+$0x13440] =	vst v1;
	v58 =	vadd.f32 v7, v63  }
0x117: {  	v5 =	vld [tilespmem:s25+$0x6C10];
	[tilespmem:s24+$0x13450] =	vst v57;
	v59 =	vadd.f32 v9, v8  }
0x118: {  	v7 =	vld [tilespmem:s25+$0x6C20];
	[tilespmem:s24+$0x13460] =	vst v58;
	v61 =	vadd.f32 v11, v10  }
0x119: {  	v63 =	vld [tilespmem:s25+$0xC20];
	v62 =	vadd.f32 v13, v12;
	[tilespmem:s25+$0x13470] =	vst v59  }
0x11a: {  	v57 =	vld [tilespmem:s25+$0x1050];
	v15 =	vadd.f32 v15, v14;
	[tilespmem:s25+$0x12000] =	vst v61  }
0x11b: {  	v9 =	vld [tilespmem:s25+$0x6C30];
	v17 =	vadd.f32 v17, v16;
	[tilespmem:s25+$0x12010] =	vst v62  }
0x11c: {  	v10 =	vld [tilespmem:s25+$0xC30];
	v19 =	vadd.f32 v19, v18;
	[tilespmem:s25+$0x12020] =	vst v15  }
0x11d: {  	v11 =	vld [tilespmem:s25+$0x6C40];
	v21 =	vadd.f32 v21, v20;
	[tilespmem:s25+$0x12030] =	vst v17  }
0x11e: {  	v12 =	vld [tilespmem:s25+$0xC40];
	v23 =	vadd.f32 v23, v22;
	[tilespmem:s25+$0x12040] =	vst v19  }
0x11f: {  	v13 =	vld [tilespmem:s25+$0x6C50];
	v25 =	vadd.f32 v25, v24;
	[tilespmem:s25+$0x12050] =	vst v21  }
0x120: {  	v14 =	vld [tilespmem:s25+$0xC50];
	v27 =	vadd.f32 v27, v26;
	[tilespmem:s25+$0x12060] =	vst v23  }
0x121: {  	v29 =	vadd.f32 v29, v28;
	v16 =	vld [tilespmem:s25+$0xC60];
	[tilespmem:s25+$0x12070] =	vst v25  }
0x122: {  	v31 =	vadd.f32 v31, v30;
	v18 =	vld [tilespmem:s25+$0xC70];
	[tilespmem:s25+$0x12400] =	vst v27  }
0x123: {  	v33 =	vadd.f32 v33, v32;
	v20 =	vld [tilespmem:s25+$0x1000];
	[tilespmem:s25+$0x12410] =	vst v29  }
0x124: {  	v35 =	vadd.f32 v35, v34;
	v40 =	vadd.f32 v41, v40;
	v41 =	vld [tilespmem:s25+$0x1010];
	[tilespmem:s25+$0x12420] =	vst v31  }
0x125: {  	v37 =	vadd.f32 v37, v36;
	v42 =	vadd.f32 v43, v42;
	v43 =	vld [tilespmem:s25+$0x7020];
	[tilespmem:s25+$0x12430] =	vst v33  }
0x126: {  	v39 =	vadd.f32 v39, v38;
	v44 =	vadd.f32 v45, v44;
	v45 =	vld [tilespmem:s25+$0x1020];
	[tilespmem:s25+$0x12440] =	vst v35  }
0x127: {  	v46 =	vadd.f32 v47, v46;
	v47 =	vld [tilespmem:s25+$0x7030];
	[tilespmem:s25+$0x12450] =	vst v37  }
0x128: {  	v48 =	vadd.f32 v49, v48;
	v49 =	vld [tilespmem:s25+$0x1030];
	[tilespmem:s25+$0x12460] =	vst v39  }
0x129: {  	v50 =	vadd.f32 v51, v50;
	v51 =	vld [tilespmem:s25+$0x7040];
	[tilespmem:s25+$0x12470] =	vst v40  }
0x12a: {  	v52 =	vadd.f32 v53, v52;
	v53 =	vld [tilespmem:s25+$0x1040];
	[tilespmem:s25+$0x12800] =	vst v42  }
0x12b: {  	v54 =	vadd.f32 v55, v54;
	v55 =	vld [tilespmem:s25+$0x7050];
	[tilespmem:s25+$0x12810] =	vst v44  }
0x12c: {  	v30 =	vld [tilespmem:s25+$0x1070];
	[tilespmem:s25+$0x12820] =	vst v46  }
0x12d: {  	v32 =	vld [tilespmem:s25+$0x7400];
	[tilespmem:s25+$0x12830] =	vst v48  }
0x12e: {  	v34 =	vld [tilespmem:s25+$0x1400];
	[tilespmem:s25+$0x12840] =	vst v50  }
0x12f: {  	v56 =	vadd.f32 v3, v56;
	v36 =	vld [tilespmem:s25+$0x7410];
	[tilespmem:s25+$0x12850] =	vst v52  }
0x130: {  	v38 =	vld [tilespmem:s25+$0x1410];
	[tilespmem:s25+$0x12860] =	vst v54;
	v58 =	vadd.f32 v2, v4  }
0x131: {  	v15 =	vld [tilespmem:s25+$0x6C60];
	[tilespmem:s25+$0x12870] =	vst v56;
	v60 =	vadd.f32 v60, v5  }
0x132: {  	v17 =	vld [tilespmem:s25+$0x6C70];
	v62 =	vadd.f32 v63, v7;
	[tilespmem:s25+$0x12C00] =	vst v58  }
0x133: {  	v19 =	vld [tilespmem:s25+$0x7000];
	[tilespmem:s25+$0x12C10] =	vst v60;
	v10 =	vadd.f32 v10, v9  }
0x134: {  	v21 =	vld [tilespmem:s25+$0x7010];
	[tilespmem:s25+$0x12C20] =	vst v62;
	v31 =	vadd.f32 v12, v11  }
0x135: {  	v59 =	vld [tilespmem:s25+$0x7060];
	v33 =	vadd.f32 v14, v13;
	[tilespmem:s25+$0x12C30] =	vst v10  }
0x136: {  	v61 =	vld [tilespmem:s25+$0x1060];
	v43 =	vadd.f32 v45, v43;
	[tilespmem:s25+$0x12C40] =	vst v31  }
0x137: {  	v40 =	vld [tilespmem:s25+$0x7420];
	v45 =	vadd.f32 v49, v47;
	[tilespmem:s25+$0x12C50] =	vst v33  }
0x138: {  	v42 =	vld [tilespmem:s25+$0x1420];
	v47 =	vadd.f32 v53, v51;
	[tilespmem:s25+$0x13020] =	vst v43  }
0x139: {  	v44 =	vld [tilespmem:s25+$0x7430];
	v49 =	vadd.f32 v57, v55;
	[tilespmem:s25+$0x13030] =	vst v45  }
0x13a: {  	v46 =	vld [tilespmem:s25+$0x1430];
	v55 =	vadd.f32 v34, v32;
	[tilespmem:s25+$0x13040] =	vst v47  }
0x13b: {  	v48 =	vld [tilespmem:s25+$0x7440];
	v57 =	vadd.f32 v38, v36;
	[tilespmem:s25+$0x13050] =	vst v49  }
0x13c: {  	v50 =	vld [tilespmem:s25+$0x1440];
	v35 =	vadd.f32 v16, v15;
	[tilespmem:s25+$0x13400] =	vst v55  }
0x13d: {  	v52 =	vld [tilespmem:s25+$0x7450];
	v37 =	vadd.f32 v18, v17;
	[tilespmem:s25+$0x13410] =	vst v57  }
0x13e: {  	v54 =	vld [tilespmem:s25+$0x1450];
	v39 =	vadd.f32 v20, v19;
	[tilespmem:s25+$0x12C60] =	vst v35  }
0x13f: {  	v56 =	vld [tilespmem:s25+$0x7460];
	v41 =	vadd.f32 v41, v21;
	[tilespmem:s25+$0x12C70] =	vst v37  }
0x140: {  	v63 =	vld [tilespmem:s25+$0x7070];
	v51 =	vadd.f32 v61, v59;
	[tilespmem:s25+$0x13000] =	vst v39  }
0x141: {  	v58 =	vld [tilespmem:s25+$0x1460];
	v59 =	vadd.f32 v42, v40;
	[tilespmem:s25+$0x13010] =	vst v41  }
0x142: {  	v60 =	vadd.f32 v46, v44;
	[tilespmem:s25+$0x13060] =	vst v51  }
0x143: {  	v61 =	vadd.f32 v50, v48;
	[tilespmem:s25+$0x13420] =	vst v59  }
0x144: {  	p1 =	sne.s32 s23, $0x1F;
	s24 =	smul.u32 $0x180000, s23;
	v62 =	vadd.f32 v54, v52;
	[tilespmem:s25+$0x13430] =	vst v60  }
.Ltmp3:
0x145: {  	v53 =	vadd.f32 v30, v63;
	[tilespmem:s25+$0x13440] =	vst v61;
	(pc) =	sbr.rel @p1 .LBB2_6-.Ltmp3, $4  }
0x146: {  	s26 =	sadd.s32 s5, s24;
	v63 =	vadd.f32 v58, v56;
	[tilespmem:s25+$0x13450] =	vst v62  }
0x147: {  	s26 =	sshrl.u32 s26, $0x3;
	[tilespmem:s25+$0x13070] =	vst v53  }
0x148: {  	s31 =	sadd.s32 s3, s26;
	[tilespmem:s25+$0x13460] =	vst v63  }
0x149: {  	[hbm4b:s31+s4] =	stream.linear.scatter [tilespmem:s17], [sflag:$0x3], $0x6000, $0x38;
	[tilespmem:$0x1E000] =	vst v63  }
.Ltmp4:
0x14a: {  	(pc) =	sbr.rel .LBB2_7-.Ltmp4, $4  }
0x14b: {  	_ = 	snop  }
0x14c: {  	_ =	swait.ge [sflag:s18], $0x6000  }
0x14d: {  	[sflag:s18] =	ssyncset.done $0x0  }
0x14e: {  	[sflag:s18] =	ssyncadd.s32 $0xFFFFA000  }
.LBB2_6:
0x14f: {  	s25 =	sadd.s32 s24, s10  }
0x150: {  	s25 =	sshrl.u32 s25, $0x3  }
.Ltmp5:
0x151: {  	s25 =	sadd.s32 s1, s25;
	(pc) =	sbr.rel @p0 .LBB2_8-.Ltmp5, $4  }
0x152: {  	[tilespmem:s14], [sflag:$0x1] =	stream.linear.gather [hbm4b:s25+s4], $0x6000, $0x38;
	[tilespmem:$0x1E000] =	vst v63  }
0x153: {  	_ =	swait.ge [sflag:s18], $0x6000  }
0x154: {  	[sflag:s18] =	ssyncset.done $0x0  }
0x155: {  	[sflag:s18] =	ssyncadd.s32 $0xFFFFA000  }
.LBB2_7:
0x156: {  	_ =	swait.ge [sflag:s19], $0x6000  }
0x157: {  	[sflag:s19] =	ssyncset.done $0x0  }
0x158: {  	[sflag:s19] =	ssyncadd.s32 $0xFFFFA000  }
.LBB2_8:
0x159: {  	s25 =	simm.s32 $0x0  }
0x15a: {  	s26 =	simm.s32 $0x0;
	s25 =	smul.u32 $0x1800, s25  }
0x15b: {  	s26 =	sand.u32 $0x380, s26  }
0x15c: {  	s25 =	sor.u32 s26, s25  }
0x15d: {  	v0 =	vld [tilespmem:s25+$0xD470]  }
0x15e: {  	v1 =	vld [tilespmem:s25+$0x1470]  }
0x15f: {  	v2 =	vld [tilespmem:s25+$0xC000]  }
0x160: {  	v3 =	vld [tilespmem:s25+$0x0]  }
0x161: {  	v4 =	vld [tilespmem:s25+$0xC010]  }
0x162: {  	v5 =	vld [tilespmem:s25+$0x10]  }
0x163: {  	v6 =	vld [tilespmem:s25+$0xC020]  }
0x164: {  	v7 =	vld [tilespmem:s25+$0xC030];
	v0 =	vadd.f32 v1, v0  }
0x165: {  	v1 =	vld [tilespmem:s25+$0x20]  }
0x166: {  	v2 =	vadd.f32 v3, v2;
	[tilespmem:s25+$0x19470] =	vst v0;
	v0 =	vld [tilespmem:s25+$0x30]  }
0x167: {  	v3 =	vld [tilespmem:s25+$0xC040]  }
0x168: {  	[tilespmem:s25+$0x18000] =	vst v2;
	v2 =	vadd.f32 v5, v4;
	v4 =	vld [tilespmem:s25+$0x40]  }
0x169: {  	v5 =	vld [tilespmem:s25+$0x50]  }
0x16a: {  	[tilespmem:s25+$0x18010] =	vst v2;
	v2 =	vld [tilespmem:s25+$0xC050];
	v1 =	vadd.f32 v1, v6  }
0x16b: {  	v6 =	vld [tilespmem:s25+$0x60];
	v0 =	vadd.f32 v0, v7  }
0x16c: {  	[tilespmem:s25+$0x18020] =	vst v1;
	v1 =	vld [tilespmem:s25+$0xC060]  }
0x16d: {  	[tilespmem:s25+$0x18030] =	vst v0;
	v0 =	vadd.f32 v4, v3;
	v3 =	vld [tilespmem:s25+$0xC070]  }
0x16e: {  	v4 =	vld [tilespmem:s25+$0x70]  }
0x16f: {  	[tilespmem:s25+$0x18040] =	vst v0;
	v0 =	vadd.f32 v5, v2;
	v2 =	vld [tilespmem:s25+$0xC400]  }
0x170: {  	v5 =	vld [tilespmem:s25+$0x400]  }
0x171: {  	[tilespmem:s25+$0x18050] =	vst v0;
	v0 =	vadd.f32 v6, v1;
	v1 =	vld [tilespmem:s25+$0xC410]  }
0x172: {  	v6 =	vld [tilespmem:s25+$0x410]  }
0x173: {  	[tilespmem:s25+$0x18060] =	vst v0;
	v0 =	vadd.f32 v4, v3;
	v3 =	vld [tilespmem:s25+$0xC420]  }
0x174: {  	v4 =	vld [tilespmem:s25+$0x420]  }
0x175: {  	[tilespmem:s25+$0x18070] =	vst v0;
	v0 =	vadd.f32 v5, v2;
	v2 =	vld [tilespmem:s25+$0xC430]  }
0x176: {  	v5 =	vld [tilespmem:s25+$0x430]  }
0x177: {  	[tilespmem:s25+$0x18400] =	vst v0;
	v0 =	vadd.f32 v6, v1;
	v1 =	vld [tilespmem:s25+$0xC440]  }
0x178: {  	v6 =	vld [tilespmem:s25+$0x440]  }
0x179: {  	[tilespmem:s25+$0x18410] =	vst v0;
	v0 =	vadd.f32 v4, v3;
	v3 =	vld [tilespmem:s25+$0xC450]  }
0x17a: {  	v4 =	vld [tilespmem:s25+$0x450]  }
0x17b: {  	[tilespmem:s25+$0x18420] =	vst v0;
	v0 =	vadd.f32 v5, v2;
	v2 =	vld [tilespmem:s25+$0xC460]  }
0x17c: {  	v5 =	vld [tilespmem:s25+$0x460]  }
0x17d: {  	[tilespmem:s25+$0x18430] =	vst v0;
	v0 =	vadd.f32 v6, v1;
	v1 =	vld [tilespmem:s25+$0xC470]  }
0x17e: {  	v6 =	vld [tilespmem:s25+$0x470]  }
0x17f: {  	[tilespmem:s25+$0x18440] =	vst v0;
	v0 =	vadd.f32 v4, v3;
	v3 =	vld [tilespmem:s25+$0xC800]  }
0x180: {  	v4 =	vld [tilespmem:s25+$0x800]  }
0x181: {  	[tilespmem:s25+$0x18450] =	vst v0;
	v0 =	vadd.f32 v5, v2;
	v2 =	vld [tilespmem:s25+$0xC810]  }
0x182: {  	v5 =	vld [tilespmem:s25+$0x810]  }
0x183: {  	[tilespmem:s25+$0x18460] =	vst v0;
	v0 =	vadd.f32 v6, v1;
	v1 =	vld [tilespmem:s25+$0xC820]  }
0x184: {  	v6 =	vld [tilespmem:s25+$0x820]  }
0x185: {  	[tilespmem:s25+$0x18470] =	vst v0;
	v0 =	vadd.f32 v4, v3;
	v3 =	vld [tilespmem:s25+$0xC830]  }
0x186: {  	v4 =	vld [tilespmem:s25+$0x830]  }
0x187: {  	[tilespmem:s25+$0x18800] =	vst v0;
	v0 =	vadd.f32 v5, v2;
	v2 =	vld [tilespmem:s25+$0xC840]  }
0x188: {  	v5 =	vld [tilespmem:s25+$0x840]  }
0x189: {  	[tilespmem:s25+$0x18810] =	vst v0;
	v0 =	vadd.f32 v6, v1;
	v1 =	vld [tilespmem:s25+$0xC850]  }
0x18a: {  	v6 =	vld [tilespmem:s25+$0x850]  }
0x18b: {  	[tilespmem:s25+$0x18820] =	vst v0;
	v0 =	vadd.f32 v4, v3;
	v3 =	vld [tilespmem:s25+$0xC860]  }
0x18c: {  	v4 =	vld [tilespmem:s25+$0x860]  }
0x18d: {  	[tilespmem:s25+$0x18830] =	vst v0;
	v0 =	vadd.f32 v5, v2;
	v2 =	vld [tilespmem:s25+$0xC870]  }
0x18e: {  	v5 =	vld [tilespmem:s25+$0x870]  }
0x18f: {  	[tilespmem:s25+$0x18840] =	vst v0;
	v0 =	vadd.f32 v6, v1;
	v1 =	vld [tilespmem:s25+$0xCC00]  }
0x190: {  	v6 =	vld [tilespmem:s25+$0xC00]  }
0x191: {  	[tilespmem:s25+$0x18850] =	vst v0;
	v0 =	vadd.f32 v4, v3;
	v3 =	vld [tilespmem:s25+$0xCC10]  }
0x192: {  	v4 =	vld [tilespmem:s25+$0xC10]  }
0x193: {  	[tilespmem:s25+$0x18860] =	vst v0;
	v0 =	vadd.f32 v5, v2;
	v2 =	vld [tilespmem:s25+$0xCC20]  }
0x194: {  	v5 =	vld [tilespmem:s25+$0xC20]  }
0x195: {  	[tilespmem:s25+$0x18870] =	vst v0;
	v0 =	vadd.f32 v6, v1;
	v1 =	vld [tilespmem:s25+$0xCC30]  }
0x196: {  	v6 =	vld [tilespmem:s25+$0xC30]  }
0x197: {  	[tilespmem:s25+$0x18C00] =	vst v0;
	v0 =	vadd.f32 v4, v3;
	v3 =	vld [tilespmem:s25+$0xCC40]  }
0x198: {  	v4 =	vld [tilespmem:s25+$0xC40]  }
0x199: {  	[tilespmem:s25+$0x18C10] =	vst v0;
	v0 =	vadd.f32 v5, v2;
	v2 =	vld [tilespmem:s25+$0xCC50]  }
0x19a: {  	v5 =	vld [tilespmem:s25+$0xC50]  }
0x19b: {  	[tilespmem:s25+$0x18C20] =	vst v0;
	v0 =	vadd.f32 v6, v1;
	v1 =	vld [tilespmem:s25+$0xCC60]  }
0x19c: {  	v6 =	vld [tilespmem:s25+$0xC60]  }
0x19d: {  	[tilespmem:s25+$0x18C30] =	vst v0;
	v0 =	vadd.f32 v4, v3;
	v3 =	vld [tilespmem:s25+$0xCC70]  }
0x19e: {  	v4 =	vld [tilespmem:s25+$0xC70]  }
0x19f: {  	[tilespmem:s25+$0x18C40] =	vst v0;
	v0 =	vadd.f32 v5, v2;
	v2 =	vld [tilespmem:s25+$0xD000]  }
0x1a0: {  	v5 =	vld [tilespmem:s25+$0x1000]  }
0x1a1: {  	[tilespmem:s25+$0x18C50] =	vst v0;
	v0 =	vadd.f32 v6, v1;
	v1 =	vld [tilespmem:s25+$0xD010]  }
0x1a2: {  	v6 =	vld [tilespmem:s25+$0x1010]  }
0x1a3: {  	[tilespmem:s25+$0x18C60] =	vst v0;
	v0 =	vadd.f32 v4, v3;
	v3 =	vld [tilespmem:s25+$0xD020]  }
0x1a4: {  	v4 =	vld [tilespmem:s25+$0x1020]  }
0x1a5: {  	[tilespmem:s25+$0x18C70] =	vst v0;
	v0 =	vadd.f32 v5, v2;
	v2 =	vld [tilespmem:s25+$0xD030]  }
0x1a6: {  	v5 =	vld [tilespmem:s25+$0x1030]  }
0x1a7: {  	[tilespmem:s25+$0x19000] =	vst v0;
	v0 =	vadd.f32 v6, v1;
	v1 =	vld [tilespmem:s25+$0xD040]  }
0x1a8: {  	v6 =	vld [tilespmem:s25+$0x1040]  }
0x1a9: {  	[tilespmem:s25+$0x19010] =	vst v0;
	v0 =	vadd.f32 v4, v3;
	v3 =	vld [tilespmem:s25+$0xD050]  }
0x1aa: {  	v4 =	vld [tilespmem:s25+$0x1050]  }
0x1ab: {  	[tilespmem:s25+$0x19020] =	vst v0;
	v0 =	vadd.f32 v5, v2;
	v2 =	vld [tilespmem:s25+$0xD060]  }
0x1ac: {  	v5 =	vld [tilespmem:s25+$0x1060]  }
0x1ad: {  	[tilespmem:s25+$0x19030] =	vst v0;
	v0 =	vadd.f32 v6, v1;
	v1 =	vld [tilespmem:s25+$0xD070]  }
0x1ae: {  	v6 =	vld [tilespmem:s25+$0x1070]  }
0x1af: {  	[tilespmem:s25+$0x19040] =	vst v0;
	v0 =	vadd.f32 v4, v3;
	v3 =	vld [tilespmem:s25+$0xD400]  }
0x1b0: {  	v4 =	vld [tilespmem:s25+$0x1400]  }
0x1b1: {  	v7 =	vld [tilespmem:s25+$0x1420]  }
0x1b2: {  	[tilespmem:s25+$0x19050] =	vst v0;
	v0 =	vadd.f32 v5, v2;
	v2 =	vld [tilespmem:s25+$0xD410]  }
0x1b3: {  	v5 =	vld [tilespmem:s25+$0x1410]  }
0x1b4: {  	[tilespmem:s25+$0x19060] =	vst v0;
	v0 =	vadd.f32 v6, v1;
	v6 =	vld [tilespmem:s25+$0xD420]  }
0x1b5: {  	v1 =	vadd.f32 v4, v3;
	v3 =	vld [tilespmem:s25+$0x1430]  }
0x1b6: {  	[tilespmem:s25+$0x19070] =	vst v0;
	v0 =	vld [tilespmem:s25+$0xD430]  }
0x1b7: {  	v4 =	vld [tilespmem:s25+$0x1440]  }
0x1b8: {  	[tilespmem:s25+$0x19400] =	vst v1;
	v2 =	vadd.f32 v5, v2;
	v1 =	vld [tilespmem:s25+$0xD440]  }
0x1b9: {  	s31 =	simm.s32 $0x0;
	v5 =	vld [tilespmem:s25+$0x1450];
	v6 =	vadd.f32 v7, v6  }
0x1ba: {  	s28 =	simm.s32 $0x2;
	s29 =	smul.u32 $0x1800, s31;
	s26 =	simm.s32 $0x80;
	[tilespmem:s25+$0x19410] =	vst v2;
	v2 =	vld [tilespmem:s25+$0xD450]  }
.LBB2_9:
0x1bb: {  	p0 =	sne.s32 s28, $0x1F;
	s30 =	sand.u32 $0x380, s26;
	[tilespmem:s25+$0x19420] =	vst v6;
	v0 =	vadd.f32 v3, v0;
	v3 =	vld [tilespmem:s25+$0xD460]  }
0x1bc: {  	s29 =	sor.u32 s30, s29;
	v6 =	vld [tilespmem:s25+$0x1460]  }
0x1bd: {  	v7 =	vld [tilespmem:s29+$0xD470];
	[tilespmem:s25+$0x19430] =	vst v0;
	v0 =	vadd.f32 v4, v1  }
0x1be: {  	v1 =	vld [tilespmem:s29+$0x1470]  }
0x1bf: {  	v4 =	vld [tilespmem:s29+$0xC000];
	[tilespmem:s25+$0x19440] =	vst v0;
	v0 =	vadd.f32 v5, v2  }
0x1c0: {  	v2 =	vld [tilespmem:s29+$0x0]  }
0x1c1: {  	v5 =	vld [tilespmem:s29+$0xC010];
	[tilespmem:s25+$0x19450] =	vst v0;
	v0 =	vadd.f32 v6, v3  }
0x1c2: {  	v3 =	vld [tilespmem:s29+$0x10]  }
0x1c3: {  	v6 =	vld [tilespmem:s29+$0xC020];
	v1 =	vadd.f32 v1, v7;
	[tilespmem:s25+$0x19460] =	vst v0;
	s25 =	smov.u32 s29  }
0x1c4: {  	v0 =	vld [tilespmem:s25+$0x20]  }
0x1c5: {  	v2 =	vadd.f32 v2, v4;
	v4 =	vld [tilespmem:s25+$0xC030];
	[tilespmem:s25+$0x19470] =	vst v1  }
0x1c6: {  	v1 =	vld [tilespmem:s25+$0x30]  }
0x1c7: {  	[tilespmem:s25+$0x18000] =	vst v2;
	v2 =	vadd.f32 v3, v5;
	v3 =	vld [tilespmem:s25+$0xC040]  }
0x1c8: {  	v5 =	vld [tilespmem:s25+$0x40]  }
0x1c9: {  	[tilespmem:s25+$0x18010] =	vst v2;
	v0 =	vadd.f32 v0, v6;
	v2 =	vld [tilespmem:s25+$0xC050]  }
0x1ca: {  	v6 =	vld [tilespmem:s25+$0x50]  }
0x1cb: {  	[tilespmem:s25+$0x18020] =	vst v0;
	v0 =	vadd.f32 v1, v4;
	v1 =	vld [tilespmem:s25+$0xC060]  }
0x1cc: {  	v4 =	vld [tilespmem:s25+$0x60]  }
0x1cd: {  	[tilespmem:s25+$0x18030] =	vst v0;
	v0 =	vadd.f32 v5, v3;
	v3 =	vld [tilespmem:s25+$0xC070]  }
0x1ce: {  	v5 =	vld [tilespmem:s25+$0x70]  }
0x1cf: {  	[tilespmem:s25+$0x18040] =	vst v0;
	v0 =	vadd.f32 v6, v2;
	v2 =	vld [tilespmem:s25+$0xC400]  }
0x1d0: {  	v6 =	vld [tilespmem:s25+$0x400]  }
0x1d1: {  	[tilespmem:s25+$0x18050] =	vst v0;
	v0 =	vadd.f32 v4, v1;
	v1 =	vld [tilespmem:s25+$0xC410]  }
0x1d2: {  	v4 =	vld [tilespmem:s25+$0x410]  }
0x1d3: {  	[tilespmem:s25+$0x18060] =	vst v0;
	v0 =	vadd.f32 v5, v3;
	v3 =	vld [tilespmem:s25+$0xC420]  }
0x1d4: {  	v5 =	vld [tilespmem:s25+$0x420]  }
0x1d5: {  	[tilespmem:s25+$0x18070] =	vst v0;
	v0 =	vadd.f32 v6, v2;
	v2 =	vld [tilespmem:s25+$0xC430]  }
0x1d6: {  	v6 =	vld [tilespmem:s25+$0x430]  }
0x1d7: {  	[tilespmem:s25+$0x18400] =	vst v0;
	v0 =	vadd.f32 v4, v1;
	v1 =	vld [tilespmem:s25+$0xC440]  }
0x1d8: {  	v4 =	vld [tilespmem:s25+$0x440]  }
0x1d9: {  	[tilespmem:s25+$0x18410] =	vst v0;
	v0 =	vadd.f32 v5, v3;
	v3 =	vld [tilespmem:s25+$0xC450]  }
0x1da: {  	v5 =	vld [tilespmem:s25+$0x450]  }
0x1db: {  	[tilespmem:s25+$0x18420] =	vst v0;
	v0 =	vadd.f32 v6, v2;
	v2 =	vld [tilespmem:s25+$0xC460]  }
0x1dc: {  	v6 =	vld [tilespmem:s25+$0x460]  }
0x1dd: {  	[tilespmem:s25+$0x18430] =	vst v0;
	v0 =	vadd.f32 v4, v1;
	v1 =	vld [tilespmem:s25+$0xC470]  }
0x1de: {  	v4 =	vld [tilespmem:s25+$0x470]  }
0x1df: {  	[tilespmem:s25+$0x18440] =	vst v0;
	v0 =	vadd.f32 v5, v3;
	v3 =	vld [tilespmem:s25+$0xC800]  }
0x1e0: {  	v5 =	vld [tilespmem:s25+$0x800]  }
0x1e1: {  	[tilespmem:s25+$0x18450] =	vst v0;
	v0 =	vadd.f32 v6, v2;
	v2 =	vld [tilespmem:s25+$0xC810]  }
0x1e2: {  	v6 =	vld [tilespmem:s25+$0x810]  }
0x1e3: {  	[tilespmem:s25+$0x18460] =	vst v0;
	v0 =	vadd.f32 v4, v1;
	v1 =	vld [tilespmem:s25+$0xC820]  }
0x1e4: {  	v4 =	vld [tilespmem:s25+$0x820]  }
0x1e5: {  	[tilespmem:s25+$0x18470] =	vst v0;
	v0 =	vadd.f32 v5, v3;
	v3 =	vld [tilespmem:s25+$0xC830]  }
0x1e6: {  	v5 =	vld [tilespmem:s25+$0x830]  }
0x1e7: {  	[tilespmem:s25+$0x18800] =	vst v0;
	v0 =	vadd.f32 v6, v2;
	v2 =	vld [tilespmem:s25+$0xC840]  }
0x1e8: {  	v6 =	vld [tilespmem:s25+$0x840]  }
0x1e9: {  	[tilespmem:s25+$0x18810] =	vst v0;
	v0 =	vadd.f32 v4, v1;
	v1 =	vld [tilespmem:s25+$0xC850]  }
0x1ea: {  	v4 =	vld [tilespmem:s25+$0x850]  }
0x1eb: {  	[tilespmem:s25+$0x18820] =	vst v0;
	v0 =	vadd.f32 v5, v3;
	v3 =	vld [tilespmem:s25+$0xC860]  }
0x1ec: {  	v5 =	vld [tilespmem:s25+$0x860]  }
0x1ed: {  	[tilespmem:s25+$0x18830] =	vst v0;
	v0 =	vadd.f32 v6, v2;
	v2 =	vld [tilespmem:s25+$0xC870]  }
0x1ee: {  	v6 =	vld [tilespmem:s25+$0x870]  }
0x1ef: {  	[tilespmem:s25+$0x18840] =	vst v0;
	v0 =	vadd.f32 v4, v1;
	v1 =	vld [tilespmem:s25+$0xCC00]  }
0x1f0: {  	v4 =	vld [tilespmem:s25+$0xC00]  }
0x1f1: {  	[tilespmem:s25+$0x18850] =	vst v0;
	v0 =	vadd.f32 v5, v3;
	v3 =	vld [tilespmem:s25+$0xCC10]  }
0x1f2: {  	v5 =	vld [tilespmem:s25+$0xC10]  }
0x1f3: {  	[tilespmem:s25+$0x18860] =	vst v0;
	v0 =	vadd.f32 v6, v2;
	v2 =	vld [tilespmem:s25+$0xCC20]  }
0x1f4: {  	v6 =	vld [tilespmem:s25+$0xC20]  }
0x1f5: {  	[tilespmem:s25+$0x18870] =	vst v0;
	v0 =	vadd.f32 v4, v1;
	v1 =	vld [tilespmem:s25+$0xCC30]  }
0x1f6: {  	v4 =	vld [tilespmem:s25+$0xC30]  }
0x1f7: {  	[tilespmem:s25+$0x18C00] =	vst v0;
	v0 =	vadd.f32 v5, v3;
	v3 =	vld [tilespmem:s25+$0xCC40]  }
0x1f8: {  	v5 =	vld [tilespmem:s25+$0xC40]  }
0x1f9: {  	[tilespmem:s25+$0x18C10] =	vst v0;
	v0 =	vadd.f32 v6, v2;
	v2 =	vld [tilespmem:s25+$0xCC50]  }
0x1fa: {  	v6 =	vld [tilespmem:s25+$0xC50]  }
0x1fb: {  	[tilespmem:s25+$0x18C20] =	vst v0;
	v0 =	vadd.f32 v4, v1;
	v1 =	vld [tilespmem:s25+$0xCC60]  }
0x1fc: {  	v4 =	vld [tilespmem:s25+$0xC60]  }
0x1fd: {  	[tilespmem:s25+$0x18C30] =	vst v0;
	v0 =	vadd.f32 v5, v3;
	v3 =	vld [tilespmem:s25+$0xCC70]  }
0x1fe: {  	v5 =	vld [tilespmem:s25+$0xC70]  }
0x1ff: {  	[tilespmem:s25+$0x18C40] =	vst v0;
	v0 =	vadd.f32 v6, v2;
	v2 =	vld [tilespmem:s25+$0xD000]  }
0x200: {  	v6 =	vld [tilespmem:s25+$0x1000]  }
0x201: {  	[tilespmem:s25+$0x18C50] =	vst v0;
	v0 =	vadd.f32 v4, v1;
	v1 =	vld [tilespmem:s25+$0xD010]  }
0x202: {  	v4 =	vld [tilespmem:s25+$0x1010]  }
0x203: {  	[tilespmem:s25+$0x18C60] =	vst v0;
	v0 =	vadd.f32 v5, v3;
	v3 =	vld [tilespmem:s25+$0xD020]  }
0x204: {  	v5 =	vld [tilespmem:s25+$0x1020]  }
0x205: {  	[tilespmem:s25+$0x18C70] =	vst v0;
	v0 =	vadd.f32 v6, v2;
	v2 =	vld [tilespmem:s25+$0xD030]  }
0x206: {  	v6 =	vld [tilespmem:s25+$0x1030]  }
0x207: {  	[tilespmem:s25+$0x19000] =	vst v0;
	v0 =	vadd.f32 v4, v1;
	v1 =	vld [tilespmem:s25+$0xD040]  }
0x208: {  	v4 =	vld [tilespmem:s25+$0x1040]  }
0x209: {  	[tilespmem:s25+$0x19010] =	vst v0;
	v0 =	vadd.f32 v5, v3;
	v3 =	vld [tilespmem:s25+$0xD050]  }
0x20a: {  	v5 =	vld [tilespmem:s25+$0x1050]  }
0x20b: {  	[tilespmem:s25+$0x19020] =	vst v0;
	v0 =	vadd.f32 v6, v2;
	v2 =	vld [tilespmem:s25+$0xD060]  }
0x20c: {  	v6 =	vld [tilespmem:s25+$0x1060]  }
0x20d: {  	[tilespmem:s25+$0x19030] =	vst v0;
	v0 =	vadd.f32 v4, v1;
	v1 =	vld [tilespmem:s25+$0xD070]  }
0x20e: {  	v4 =	vld [tilespmem:s25+$0x1070]  }
0x20f: {  	[tilespmem:s25+$0x19040] =	vst v0;
	v0 =	vadd.f32 v5, v3;
	v3 =	vld [tilespmem:s25+$0xD400]  }
0x210: {  	v5 =	vld [tilespmem:s25+$0x1400]  }
0x211: {  	[tilespmem:s25+$0x19050] =	vst v0;
	v0 =	vadd.f32 v6, v2;
	v2 =	vld [tilespmem:s25+$0xD410]  }
0x212: {  	v6 =	vld [tilespmem:s25+$0x1410]  }
0x213: {  	[tilespmem:s25+$0x19060] =	vst v0;
	v0 =	vadd.f32 v4, v1;
	v7 =	vld [tilespmem:s25+$0xD420]  }
0x214: {  	v8 =	vld [tilespmem:s25+$0x1420]  }
0x215: {  	[tilespmem:s25+$0x19070] =	vst v0;
	v1 =	vadd.f32 v5, v3;
	v0 =	vld [tilespmem:s25+$0xD430]  }
.Ltmp6:
0x216: {  	v3 =	vld [tilespmem:s25+$0x1430];
	(pc) =	sbr.rel @p0 .LBB2_9-.Ltmp6, $4  }
0x217: {  	[tilespmem:s25+$0x19400] =	vst v1;
	v2 =	vadd.f32 v6, v2;
	v1 =	vld [tilespmem:s25+$0xD440]  }
0x218: {  	v4 =	vld [tilespmem:s25+$0x1440]  }
0x219: {  	s29 =	sshrl.u32 s28, $0x3;
	[tilespmem:s25+$0x19410] =	vst v2;
	v6 =	vadd.f32 v8, v7;
	v2 =	vld [tilespmem:s25+$0xD450]  }
0x21a: {  	s26 =	sadd.s32 $0x80, s26;
	s28 =	sadd.s32 $0x1, s28;
	s29 =	smul.u32 $0x1800, s29;
	v5 =	vld [tilespmem:s25+$0x1450]  }
0x21b: {  	s26 =	sand.u32 $0x380, s26;
	v63 =	vld [tilespmem:s25+$0xD460]  }
0x21c: {  	v7 =	vld [tilespmem:s25+$0x1460];
	s26 =	sor.u32 s26, s29  }
0x21d: {  	v8 =	vld [tilespmem:s26+$0xD470]  }
0x21e: {  	v9 =	vld [tilespmem:s26+$0x1470]  }
0x21f: {  	v10 =	vld [tilespmem:s26+$0xC000]  }
0x220: {  	v11 =	vld [tilespmem:s26+$0x0]  }
0x221: {  	v12 =	vld [tilespmem:s26+$0xC010]  }
0x222: {  	v13 =	vld [tilespmem:s26+$0x10]  }
0x223: {  	v14 =	vld [tilespmem:s26+$0xC020]  }
0x224: {  	v15 =	vld [tilespmem:s26+$0x20]  }
0x225: {  	v16 =	vld [tilespmem:s26+$0xC030]  }
0x226: {  	v17 =	vld [tilespmem:s26+$0x30]  }
0x227: {  	v18 =	vld [tilespmem:s26+$0xC040]  }
0x228: {  	v19 =	vld [tilespmem:s26+$0x40]  }
0x229: {  	v20 =	vld [tilespmem:s26+$0xC050]  }
0x22a: {  	v21 =	vld [tilespmem:s26+$0x50]  }
0x22b: {  	v22 =	vld [tilespmem:s26+$0xC060]  }
0x22c: {  	v23 =	vld [tilespmem:s26+$0x60]  }
0x22d: {  	v24 =	vld [tilespmem:s26+$0xC070]  }
0x22e: {  	v25 =	vld [tilespmem:s26+$0x70]  }
0x22f: {  	v26 =	vld [tilespmem:s26+$0xC400]  }
0x230: {  	v27 =	vld [tilespmem:s26+$0x400]  }
0x231: {  	v28 =	vld [tilespmem:s26+$0xC410]  }
0x232: {  	v29 =	vld [tilespmem:s26+$0x410]  }
0x233: {  	v30 =	vld [tilespmem:s26+$0xC420]  }
0x234: {  	v31 =	vld [tilespmem:s26+$0x420]  }
0x235: {  	v32 =	vld [tilespmem:s26+$0xC430]  }
0x236: {  	v33 =	vld [tilespmem:s26+$0x430]  }
0x237: {  	v34 =	vld [tilespmem:s26+$0xC440]  }
0x238: {  	v35 =	vld [tilespmem:s26+$0x440]  }
0x239: {  	v36 =	vld [tilespmem:s26+$0xC450]  }
0x23a: {  	v37 =	vld [tilespmem:s26+$0x450]  }
0x23b: {  	v38 =	vld [tilespmem:s26+$0xC460]  }
0x23c: {  	v39 =	vld [tilespmem:s26+$0x460]  }
0x23d: {  	v40 =	vld [tilespmem:s26+$0xC470]  }
0x23e: {  	v41 =	vld [tilespmem:s26+$0x470]  }
0x23f: {  	v42 =	vld [tilespmem:s26+$0xC800]  }
0x240: {  	v43 =	vld [tilespmem:s26+$0x800]  }
0x241: {  	v44 =	vld [tilespmem:s26+$0xC810]  }
0x242: {  	v45 =	vld [tilespmem:s26+$0x810]  }
0x243: {  	v46 =	vld [tilespmem:s26+$0xC820]  }
0x244: {  	v47 =	vld [tilespmem:s26+$0x820]  }
0x245: {  	v48 =	vld [tilespmem:s26+$0xC830]  }
0x246: {  	v49 =	vld [tilespmem:s26+$0x830]  }
0x247: {  	v50 =	vld [tilespmem:s26+$0xC840]  }
0x248: {  	v51 =	vld [tilespmem:s26+$0x840]  }
0x249: {  	v52 =	vld [tilespmem:s26+$0xC850]  }
0x24a: {  	v53 =	vld [tilespmem:s26+$0x850]  }
0x24b: {  	v54 =	vld [tilespmem:s26+$0xC860]  }
0x24c: {  	v55 =	vld [tilespmem:s26+$0x860]  }
0x24d: {  	v56 =	vld [tilespmem:s26+$0xC870]  }
0x24e: {  	v0 =	vadd.f32 v3, v0;
	v3 =	vld [tilespmem:s26+$0x870]  }
0x24f: {  	[tilespmem:s25+$0x19420] =	vst v6;
	v1 =	vadd.f32 v4, v1;
	v4 =	vld [tilespmem:s26+$0xCC00]  }
0x250: {  	[tilespmem:s25+$0x19430] =	vst v0;
	v60 =	vld [tilespmem:s26+$0xC10];
	v57 =	vadd.f32 v5, v2  }
0x251: {  	v2 =	vld [tilespmem:s26+$0xC00];
	[tilespmem:s25+$0x19440] =	vst v1;
	v58 =	vadd.f32 v7, v63  }
0x252: {  	v5 =	vld [tilespmem:s26+$0xCC10];
	[tilespmem:s25+$0x19450] =	vst v57;
	v59 =	vadd.f32 v9, v8  }
0x253: {  	v7 =	vld [tilespmem:s26+$0xCC20];
	[tilespmem:s25+$0x19460] =	vst v58;
	v61 =	vadd.f32 v11, v10  }
0x254: {  	v63 =	vld [tilespmem:s26+$0xC20];
	v62 =	vadd.f32 v13, v12;
	[tilespmem:s26+$0x19470] =	vst v59  }
0x255: {  	v57 =	vld [tilespmem:s26+$0x1050];
	v15 =	vadd.f32 v15, v14;
	[tilespmem:s26+$0x18000] =	vst v61  }
0x256: {  	v9 =	vld [tilespmem:s26+$0xCC30];
	v17 =	vadd.f32 v17, v16;
	[tilespmem:s26+$0x18010] =	vst v62  }
0x257: {  	v10 =	vld [tilespmem:s26+$0xC30];
	v19 =	vadd.f32 v19, v18;
	[tilespmem:s26+$0x18020] =	vst v15  }
0x258: {  	v11 =	vld [tilespmem:s26+$0xCC40];
	v21 =	vadd.f32 v21, v20;
	[tilespmem:s26+$0x18030] =	vst v17  }
0x259: {  	v12 =	vld [tilespmem:s26+$0xC40];
	v23 =	vadd.f32 v23, v22;
	[tilespmem:s26+$0x18040] =	vst v19  }
0x25a: {  	v13 =	vld [tilespmem:s26+$0xCC50];
	v25 =	vadd.f32 v25, v24;
	[tilespmem:s26+$0x18050] =	vst v21  }
0x25b: {  	v14 =	vld [tilespmem:s26+$0xC50];
	v27 =	vadd.f32 v27, v26;
	[tilespmem:s26+$0x18060] =	vst v23  }
0x25c: {  	v29 =	vadd.f32 v29, v28;
	v16 =	vld [tilespmem:s26+$0xC60];
	[tilespmem:s26+$0x18070] =	vst v25  }
0x25d: {  	v31 =	vadd.f32 v31, v30;
	v18 =	vld [tilespmem:s26+$0xC70];
	[tilespmem:s26+$0x18400] =	vst v27  }
0x25e: {  	v33 =	vadd.f32 v33, v32;
	v20 =	vld [tilespmem:s26+$0x1000];
	[tilespmem:s26+$0x18410] =	vst v29  }
0x25f: {  	v35 =	vadd.f32 v35, v34;
	v40 =	vadd.f32 v41, v40;
	v41 =	vld [tilespmem:s26+$0x1010];
	[tilespmem:s26+$0x18420] =	vst v31  }
0x260: {  	v37 =	vadd.f32 v37, v36;
	v42 =	vadd.f32 v43, v42;
	v43 =	vld [tilespmem:s26+$0xD020];
	[tilespmem:s26+$0x18430] =	vst v33  }
0x261: {  	v39 =	vadd.f32 v39, v38;
	v44 =	vadd.f32 v45, v44;
	v45 =	vld [tilespmem:s26+$0x1020];
	[tilespmem:s26+$0x18440] =	vst v35  }
0x262: {  	v46 =	vadd.f32 v47, v46;
	v47 =	vld [tilespmem:s26+$0xD030];
	[tilespmem:s26+$0x18450] =	vst v37  }
0x263: {  	v48 =	vadd.f32 v49, v48;
	v49 =	vld [tilespmem:s26+$0x1030];
	[tilespmem:s26+$0x18460] =	vst v39  }
0x264: {  	v50 =	vadd.f32 v51, v50;
	v51 =	vld [tilespmem:s26+$0xD040];
	[tilespmem:s26+$0x18470] =	vst v40  }
0x265: {  	v52 =	vadd.f32 v53, v52;
	v53 =	vld [tilespmem:s26+$0x1040];
	[tilespmem:s26+$0x18800] =	vst v42  }
0x266: {  	v54 =	vadd.f32 v55, v54;
	v55 =	vld [tilespmem:s26+$0xD050];
	[tilespmem:s26+$0x18810] =	vst v44  }
0x267: {  	v30 =	vld [tilespmem:s26+$0x1070];
	[tilespmem:s26+$0x18820] =	vst v46  }
0x268: {  	v32 =	vld [tilespmem:s26+$0xD400];
	[tilespmem:s26+$0x18830] =	vst v48  }
0x269: {  	v34 =	vld [tilespmem:s26+$0x1400];
	[tilespmem:s26+$0x18840] =	vst v50  }
0x26a: {  	v56 =	vadd.f32 v3, v56;
	v36 =	vld [tilespmem:s26+$0xD410];
	[tilespmem:s26+$0x18850] =	vst v52  }
0x26b: {  	v38 =	vld [tilespmem:s26+$0x1410];
	[tilespmem:s26+$0x18860] =	vst v54;
	v58 =	vadd.f32 v2, v4  }
0x26c: {  	v15 =	vld [tilespmem:s26+$0xCC60];
	[tilespmem:s26+$0x18870] =	vst v56;
	v60 =	vadd.f32 v60, v5  }
0x26d: {  	v17 =	vld [tilespmem:s26+$0xCC70];
	v62 =	vadd.f32 v63, v7;
	[tilespmem:s26+$0x18C00] =	vst v58  }
0x26e: {  	v19 =	vld [tilespmem:s26+$0xD000];
	[tilespmem:s26+$0x18C10] =	vst v60;
	v10 =	vadd.f32 v10, v9  }
0x26f: {  	v21 =	vld [tilespmem:s26+$0xD010];
	[tilespmem:s26+$0x18C20] =	vst v62;
	v31 =	vadd.f32 v12, v11  }
0x270: {  	v59 =	vld [tilespmem:s26+$0xD060];
	v33 =	vadd.f32 v14, v13;
	[tilespmem:s26+$0x18C30] =	vst v10  }
0x271: {  	v61 =	vld [tilespmem:s26+$0x1060];
	v43 =	vadd.f32 v45, v43;
	[tilespmem:s26+$0x18C40] =	vst v31  }
0x272: {  	v40 =	vld [tilespmem:s26+$0xD420];
	v45 =	vadd.f32 v49, v47;
	[tilespmem:s26+$0x18C50] =	vst v33  }
0x273: {  	v42 =	vld [tilespmem:s26+$0x1420];
	v47 =	vadd.f32 v53, v51;
	[tilespmem:s26+$0x19020] =	vst v43  }
0x274: {  	v44 =	vld [tilespmem:s26+$0xD430];
	v49 =	vadd.f32 v57, v55;
	[tilespmem:s26+$0x19030] =	vst v45  }
0x275: {  	v46 =	vld [tilespmem:s26+$0x1430];
	v55 =	vadd.f32 v34, v32;
	[tilespmem:s26+$0x19040] =	vst v47  }
0x276: {  	v48 =	vld [tilespmem:s26+$0xD440];
	v57 =	vadd.f32 v38, v36;
	[tilespmem:s26+$0x19050] =	vst v49  }
0x277: {  	v50 =	vld [tilespmem:s26+$0x1440];
	v35 =	vadd.f32 v16, v15;
	[tilespmem:s26+$0x19400] =	vst v55  }
0x278: {  	v52 =	vld [tilespmem:s26+$0xD450];
	v37 =	vadd.f32 v18, v17;
	[tilespmem:s26+$0x19410] =	vst v57  }
0x279: {  	v54 =	vld [tilespmem:s26+$0x1450];
	v39 =	vadd.f32 v20, v19;
	[tilespmem:s26+$0x18C60] =	vst v35  }
0x27a: {  	v56 =	vld [tilespmem:s26+$0xD460];
	v41 =	vadd.f32 v41, v21;
	[tilespmem:s26+$0x18C70] =	vst v37  }
0x27b: {  	v63 =	vld [tilespmem:s26+$0xD070];
	v51 =	vadd.f32 v61, v59;
	[tilespmem:s26+$0x19000] =	vst v39  }
0x27c: {  	v58 =	vld [tilespmem:s26+$0x1460];
	v59 =	vadd.f32 v42, v40;
	[tilespmem:s26+$0x19010] =	vst v41  }
0x27d: {  	v60 =	vadd.f32 v46, v44;
	[tilespmem:s26+$0x19060] =	vst v51  }
0x27e: {  	v61 =	vadd.f32 v50, v48;
	[tilespmem:s26+$0x19420] =	vst v59  }
0x27f: {  	p0 =	seq.s32 s23, $0x1F;
	v62 =	vadd.f32 v54, v52;
	[tilespmem:s26+$0x19430] =	vst v60  }
.Ltmp7:
0x280: {  	v53 =	vadd.f32 v30, v63;
	[tilespmem:s26+$0x19440] =	vst v61;
	(pc) =	sbr.rel @p0 .LBB2_12-.Ltmp7, $4  }
0x281: {  	s31 =	sadd.s32 s24, s6;
	v63 =	vadd.f32 v58, v56;
	[tilespmem:s26+$0x19450] =	vst v62  }
0x282: {  	s25 =	sshrl.u32 s31, $0x3;
	[tilespmem:s26+$0x19070] =	vst v53  }
0x283: {  	s25 =	sadd.s32 s3, s25;
	[tilespmem:s26+$0x19460] =	vst v63  }
0x284: {  	[hbm4b:s25+s4] =	stream.linear.scatter [tilespmem:s20], [sflag:$0x4], $0x6000, $0x38;
	[tilespmem:$0x1E000] =	vst v63  }
.Ltmp8:
0x285: {  	(pc) =	sbr.rel .LBB2_2-.Ltmp8, $4  }
0x286: {  	s24 =	sadd.s32 s24, s11  }
0x287: {  	s24 =	sshrl.u32 s24, $0x3  }
0x288: {  	s23 =	sadd.s32 $0x1, s23;
	s24 =	sadd.s32 s1, s24  }
0x289: {  	[tilespmem:s15], [sflag:$0x2] =	stream.linear.gather [hbm4b:s24+s4], $0x6000, $0x38;
	[tilespmem:$0x1E000] =	vst v63  }
.LBB2_13:
0x28a: {  	_ =	sfence.sel $0x180000  }
0x28b: {  	[bflag:$0x0] =	sbarrier.arrive $0xFFFF  }
0x28c: {  	p0 =	sne.s32 s0, $0x0;
	_ =	strace $0x90000047  }
0x28d: {  	s0 =	sadd.s32 @!p0 $0x100000, s2;
	[bflag:$0x2] =	sbarrier.arrive $0xFFFF  }
0x28e: {  	[sflag:s0] =	ssyncadd.tile.s32 @!p0 $0x1;
	_ =	shalt  }
.Lfunc_end2:
_tile_overlayer_lowered:
.L_overlay_start_2:
0x28f: {  	(tag) =	ssettag $0x2  }
0x290: {  	s0 =	rddreg [dreg:$0x0];
	s2 =	stileid.u32  }
0x291: {  	s1 =	rddreg [dreg:$0x1];
	p0 =	sne.s32 s2, $0x0  }
0x292: {  	s3 =	rddreg [dreg:$0x2];
	[bflag:$0x3] =	sbarrier.arrive $0xFFFF;
	s2 =	simm.s32 @!p0 $0x1C05  }
0x293: {  	[timem:s3], [sflag:s2] =	dma.local @!p0 [hbm:s0], s1  }
0x294: {  	s0 =	simm.s32 @!p0 $0x5  }
0x295: {  	_ =	swait.ge @!p0 [sflag:s0], s1  }
0x296: {  	s1 =	ssub.s32 @!p0 $0x0, s1;
	[sflag:s0] =	ssyncset.done @!p0 $0x0  }
0x297: {  	[sflag:s0] =	ssyncadd.s32 @!p0 s1  }
0x298: {  	[bflag:$0x3] =	sbarrier.arrive $0xFFFF  }
0x299: {  	_ =	shalt  }

</sc_bundles>
